<compile_context>
chip_gen: v7x
topology: tpu7x:2x2x1
jax: 0.10.2.dev20260603
libtpu: 0.0.44.dev20260713+nightly
codegen_flags: <defaults>
</compile_context>

<pallas_src>
import functools

import jax
import jax.numpy as jnp
from jax import lax
from jax.experimental import pallas as pl
from jax.experimental.pallas import tpu as pltpu
from jax.experimental.pallas import tpu_sc as plsc

NC = 2
NS = 16
NW = NC * NS

_G = 256


@functools.lru_cache(maxsize=None)
def _deg_kernel(E, Npad):
    C = 80
    per_w = E // NW
    iters = per_w // C
    NB = 4
    rpt = Npad // NS
    mesh = plsc.VectorSubcoreMesh(core_axis_name="c", subcore_axis_name="s")

    @functools.partial(
        pl.kernel,
        out_type=jax.ShapeDtypeStruct((NC, Npad), jnp.float32),
        mesh=mesh,
        scratch_types=[
            pltpu.VMEM_SHARED((Npad,), jnp.float32),
            pltpu.VMEM((iters, C), jnp.int32),
            pltpu.VMEM((C,), jnp.float32),
            pltpu.VMEM((rpt,), jnp.float32),
        ] + [pltpu.SemaphoreType.DMA] * NB,
    )
    def k(dst_hbm, out_hbm, acc, idx_v, ones_v, zbuf, *sems):
        cid = lax.axis_index("c")
        sid = lax.axis_index("s")
        wid = sid * NC + cid

        for i in range(C // 16):
            ones_v[pl.ds(i * 16, 16)] = jnp.ones((16,), jnp.float32)

        def zb(i, _):
            zbuf[pl.ds(i * 16, 16)] = jnp.zeros((16,), jnp.float32)
            return 0
        lax.fori_loop(0, rpt // 16, zb, 0)
        pltpu.sync_copy(zbuf, acc.at[pl.ds(sid * rpt, rpt)])
        pltpu.sync_copy(dst_hbm.at[wid], idx_v)
        plsc.subcore_barrier()

        def scat(k_, b):
            return pltpu.make_async_copy(ones_v, acc.at[idx_v.at[k_]],
                                         sems[b])

        for b in range(NB):
            scat(b, b).start(add=True)

        def body(j, _):
            for b in range(NB):
                scat(NB * j + b, b).wait()
                scat(NB * (j + 1) + b, b).start(add=True)
            return 0
        lax.fori_loop(0, iters // NB - 1, body, 0)
        for b in range(iters // NB * NB, iters):
            scat(b, b - iters // NB * NB).wait()
            scat(b, b % NB).start(add=True)
        for b in range(NB):
            scat(0, b).wait()
        plsc.subcore_barrier()

        pltpu.sync_copy(acc.at[pl.ds(sid * rpt, rpt)],
                        out_hbm.at[cid, pl.ds(sid * rpt, rpt)])

    return k


@functools.lru_cache(maxsize=None)
def _edge_scatter_kernel(N, D, E, C, NB):
    H = D // NC
    iters = E // NS // C
    nfull = iters // NB
    rem = iters - NB * nfull
    rpt = (N // NS) // 8 * 8
    tail = N - NS * rpt
    ZR = 48
    assert rpt % ZR == 0 and tail % 8 == 0 and tail <= ZR
    mesh = plsc.VectorSubcoreMesh(core_axis_name="c", subcore_axis_name="s")

    @functools.partial(
        pl.kernel,
        out_type=jax.ShapeDtypeStruct((NC, N, H), jnp.float32),
        mesh=mesh,
        scratch_types=[
            pltpu.VMEM_SHARED((N, H), jnp.float32),
            pltpu.VMEM((iters, C), jnp.int32),
            pltpu.VMEM((iters, C), jnp.int32),
            pltpu.VMEM((ZR, H), jnp.float32),
        ] + [pltpu.VMEM((C, H), jnp.float32)] * NB
          + [pltpu.SemaphoreType.DMA] * (2 * NB + 1),
        compiler_params=pltpu.CompilerParams(use_tc_tiling_on_sc=False),
    )
    def k(h_hbm, src_hbm, dst_hbm, out_hbm, acc, sidx, didx, zbuf, *rest):
        rows = rest[:NB]
        gsem = rest[NB:2 * NB]
        ssem = rest[2 * NB:3 * NB]
        zsem = rest[3 * NB]
        cid = lax.axis_index("c")
        sid = lax.axis_index("s")

        def zb(i, _):
            for c16 in range(H // 16):
                zbuf[i, pl.ds(c16 * 16, 16)] = jnp.zeros((16,), jnp.float32)
            return 0
        lax.fori_loop(0, ZR, zb, 0)
        nz = rpt // ZR
        for j in range(nz):
            pltpu.make_async_copy(
                zbuf, acc.at[pl.ds(sid * rpt + j * ZR, ZR)], zsem).start()
        pltpu.sync_copy(src_hbm.at[sid], sidx)
        pltpu.sync_copy(dst_hbm.at[sid], didx)
        for j in range(nz):
            pltpu.make_async_copy(
                zbuf, acc.at[pl.ds(sid * rpt, ZR)], zsem).wait()

        @pl.when(sid == NS - 1)
        def _():
            pltpu.sync_copy(zbuf.at[pl.ds(0, tail)],
                            acc.at[pl.ds(NS * rpt, tail)])
        plsc.subcore_barrier()

        def gath(k_, b):
            return pltpu.make_async_copy(h_hbm.at[cid].at[sidx.at[k_]],
                                         rows[b], gsem[b])

        def scat(k_, b):
            return pltpu.make_async_copy(rows[b], acc.at[didx.at[k_]],
                                         ssem[b])

        for b in range(NB):
            gath(b, b).start()

        def body(j, _):
            for b in range(NB):
                k_ = NB * j + b
                gath(k_, b).wait()
                scat(k_, b).start(add=True)
            for b in range(NB):
                scat(0, b).wait()
                gath(NB * (j + 1) + b, b).start()
            return 0
        lax.fori_loop(0, nfull - 1, body, 0)

        for b in range(NB):
            k_ = NB * (nfull - 1) + b
            gath(k_, b).wait()
            scat(k_, b).start(add=True)
        for t in range(rem):
            b = t % NB
            scat(0, b).wait()
            gath(NB * nfull + t, b).start()
            gath(0, b).wait()
            scat(NB * nfull + t, b).start(add=True)
        for b in range(NB):
            scat(0, b).wait()
        plsc.subcore_barrier()

        pltpu.sync_copy(acc.at[pl.ds(sid * rpt, rpt)],
                        out_hbm.at[cid, pl.ds(sid * rpt, rpt)])

        @pl.when(sid == NS - 1)
        def _():
            pltpu.sync_copy(acc.at[pl.ds(NS * rpt, tail)],
                            out_hbm.at[cid, pl.ds(NS * rpt, tail)])

    return k


def _split_cols(hp):
    h = hp.shape[-1] // 2
    return hp[:, :h], hp[:, h:]


@functools.lru_cache(maxsize=None)
def _a1_kernel(N, D, R):
    H = D // NC

    def body(degp_ref, x_ref, w_ref, dis_ref, hp_ref):
        deg = degp_ref[0] + degp_ref[1] + 1.0
        dis = lax.rsqrt(deg)
        dis_ref[...] = dis
        hp = jnp.dot(x_ref[...], w_ref[...],
                     preferred_element_type=jnp.float32) * dis
        left, right = _split_cols(hp)
        hp_ref[0] = left
        hp_ref[1] = right

    return pl.pallas_call(
        body,
        grid=(N // R,),
        in_specs=[
            pl.BlockSpec((2, R, 1), lambda i: (0, i, 0)),
            pl.BlockSpec((R, D), lambda i: (i, 0)),
            pl.BlockSpec((D, D), lambda i: (0, 0)),
        ],
        out_specs=[
            pl.BlockSpec((R, 1), lambda i: (i, 0)),
            pl.BlockSpec((2, R, H), lambda i: (0, i, 0)),
        ],
        out_shape=[
            jax.ShapeDtypeStruct((N, 1), jnp.float32),
            jax.ShapeDtypeStruct((2, N, H), jnp.float32),
        ],
    )


@functools.lru_cache(maxsize=None)
def _a2_kernel(N, D, R):
    H = D // NC

    def body(p_ref, hp_ref, dis_ref, b_ref, w_ref, out_ref):
        dis = dis_ref[...]
        msg = jnp.concatenate([p_ref[0] + hp_ref[0], p_ref[1] + hp_ref[1]],
                              axis=1)
        h = jnp.maximum(dis * msg + b_ref[...], 0.0)
        hp = jnp.dot(h, w_ref[...],
                     preferred_element_type=jnp.float32) * dis
        left, right = _split_cols(hp)
        out_ref[0] = left
        out_ref[1] = right

    return pl.pallas_call(
        body,
        grid=(N // R,),
        in_specs=[
            pl.BlockSpec((2, R, H), lambda i: (0, i, 0)),
            pl.BlockSpec((2, R, H), lambda i: (0, i, 0)),
            pl.BlockSpec((R, 1), lambda i: (i, 0)),
            pl.BlockSpec((1, D), lambda i: (0, 0)),
            pl.BlockSpec((D, D), lambda i: (0, 0)),
        ],
        out_specs=pl.BlockSpec((2, R, H), lambda i: (0, i, 0)),
        out_shape=jax.ShapeDtypeStruct((2, N, H), jnp.float32),
    )


@functools.lru_cache(maxsize=None)
def _a3_kernel(N, D, G, L, R):
    steps = N // R
    H = D // NC

    def body(p_ref, hp_ref, dis_ref, b_ref, batch_ref,
             mw1_ref, mb1_ref, mw2_ref, mb2_ref,
             out_ref, sums_ref, cnt_ref):
        i = pl.program_id(0)
        dis = dis_ref[...]
        msg = jnp.concatenate([p_ref[0] + hp_ref[0], p_ref[1] + hp_ref[1]],
                              axis=1)
        h = jnp.maximum(dis * msg + b_ref[...], 0.0)
        gids = lax.broadcasted_iota(jnp.int32, (R, G), 1)
        oh = (batch_ref[...] == gids).astype(jnp.float32)
        contrib = lax.dot_general(oh, h, (((0,), (0,)), ((), ())),
                                  preferred_element_type=jnp.float32)
        cnt_c = lax.dot_general(oh, jnp.ones((R, 1), jnp.float32),
                                (((0,), (0,)), ((), ())),
                                preferred_element_type=jnp.float32)

        @pl.when(i == 0)
        def _():
            sums_ref[...] = jnp.zeros_like(sums_ref)
            cnt_ref[...] = jnp.zeros_like(cnt_ref)

        sums_ref[...] += contrib
        cnt_ref[...] += cnt_c

        @pl.when(i == steps - 1)
        def _():
            pooled = sums_ref[...] / jnp.maximum(cnt_ref[...], 1.0)
            z = jnp.maximum(jnp.dot(pooled, mw1_ref[...],
                                    preferred_element_type=jnp.float32)
                            + mb1_ref[...], 0.0)
            out_ref[...] = jnp.dot(z, mw2_ref[...],
                                   preferred_element_type=jnp.float32) \
                           + mb2_ref[...]

    return pl.pallas_call(
        body,
        grid=(steps,),
        in_specs=[
            pl.BlockSpec((2, R, H), lambda i: (0, i, 0)),
            pl.BlockSpec((2, R, H), lambda i: (0, i, 0)),
            pl.BlockSpec((R, 1), lambda i: (i, 0)),
            pl.BlockSpec((1, D), lambda i: (0, 0)),
            pl.BlockSpec((R, 1), lambda i: (i, 0)),
            pl.BlockSpec((D, D), lambda i: (0, 0)),
            pl.BlockSpec((1, D), lambda i: (0, 0)),
            pl.BlockSpec((D, L), lambda i: (0, 0)),
            pl.BlockSpec((1, L), lambda i: (0, 0)),
        ],
        out_specs=pl.BlockSpec((G, L), lambda i: (0, 0)),
        out_shape=jax.ShapeDtypeStruct((G, L), jnp.float32),
        scratch_shapes=[
            pltpu.VMEM((G, D), jnp.float32),
            pltpu.VMEM((G, 1), jnp.float32),
        ],
    )


def kernel(x, edge_index, batch, W1, b1, W2, b2, mW1, mb1, mW2, mb2):
    N, D = x.shape
    E = edge_index.shape[1]
    L = mW2.shape[0]
    G = _G
    R = 2000

    C = 100
    NB = 4
    dstW = edge_index[1].reshape(NW, -1, 80)
    srcS = edge_index[0].reshape(NS, -1, C)
    dstS = edge_index[1].reshape(NS, -1, C)

    Npad = NS * ((N + NS * 16 - 1) // (NS * 16)) * 16
    degp = _deg_kernel(E, Npad)(dstW)
    degp = degp[:, :N].reshape(NC, N, 1)

    dis, h1p = _a1_kernel(N, D, R)(degp, x, W1.T)
    p1 = _edge_scatter_kernel(N, D, E, C, NB)(h1p, srcS, dstS)
    h2p = _a2_kernel(N, D, R)(p1, h1p, dis, b1.reshape(1, D), W2.T)
    p2 = _edge_scatter_kernel(N, D, E, C, NB)(h2p, srcS, dstS)
    logits = _a3_kernel(N, D, G, L, R)(
        p2, h2p, dis, b2.reshape(1, D), batch.reshape(N, 1),
        mW1.T, mb1.reshape(1, D), mW2.T, mb2.reshape(1, L))
    return logits

# --- scband reference (transcript-rebuilt; emitter-appended) ---
"""Pipeline reference for scband-gnn-classifier-79826262164185 (READ-ONLY COPY).

The authoritative reference and input builder live on the scoring server;
editing this copy changes nothing except your own understanding.
"""

import jax, jax.numpy as jnp
import numpy as np

N = 10000      # n_nodes
E = 320000     # n_edges
D = 128        # feature dim (size)
G = 256        # number of graphs in batch
L = 16         # args['labels']


def setup_inputs(seed: int = 0) -> dict:
    key = jax.random.key(seed)
    ks = jax.random.split(key, 12)
    x = jax.random.normal(ks[0], (N, D), dtype=jnp.float32)
    edge_index = jax.random.randint(ks[1], (2, E), 0, N, dtype=jnp.int32)
    batch = jnp.sort(jax.random.randint(ks[2], (N,), 0, G, dtype=jnp.int32))
    # GCNConv layer params (PyG Linear convention: W is [out, in])
    s = 1.0 / np.sqrt(D)
    W1 = jax.random.uniform(ks[3], (D, D), jnp.float32, -s, s)
    b1 = jnp.zeros((D,), jnp.float32)
    W2 = jax.random.uniform(ks[4], (D, D), jnp.float32, -s, s)
    b2 = jnp.zeros((D,), jnp.float32)
    # MLP params: Linear(D, D) -> ReLU -> dropout -> Linear(D, L)
    mW1 = jax.random.uniform(ks[5], (D, D), jnp.float32, -s, s)
    mb1 = jnp.zeros((D,), jnp.float32)
    mW2 = jax.random.uniform(ks[6], (L, D), jnp.float32, -s, s)
    mb2 = jnp.zeros((L,), jnp.float32)
    return {"x": x, "edge_index": edge_index, "batch": batch,
            "W1": W1, "b1": b1, "W2": W2, "b2": b2,
            "mW1": mW1, "mb1": mb1, "mW2": mW2, "mb2": mb2}


def _gcn_conv(x, src, dst, W, b):
    # PyG GCNConv: add self-loops, sym-normalize, X W, scatter-add messages.
    loop = jnp.arange(N, dtype=src.dtype)
    s = jnp.concatenate([src, loop])
    d = jnp.concatenate([dst, loop])
    deg = jnp.zeros((N,), jnp.float32).at[d].add(1.0)
    dis = jnp.where(deg > 0, jax.lax.rsqrt(deg), 0.0)
    norm = dis[s] * dis[d]
    h = x @ W.T
    msgs = h[s] * norm[:, None]
    out = jax.ops.segment_sum(msgs, d, num_segments=N)
    return out + b


def reference(x, edge_index, batch, W1, b1, W2, b2, mW1, mb1, mW2, mb2):
    src = edge_index[0]
    dst = edge_index[1]
    # layer 1 (dropout is a no-op in eval mode)
    h = _gcn_conv(x, src, dst, W1, b1)
    h = jax.nn.relu(h)
    # layer 2
    h = _gcn_conv(h, src, dst, W2, b2)
    h = jax.nn.relu(h)
    # global mean pool per graph
    sums = jax.ops.segment_sum(h, batch, num_segments=G)
    cnts = jax.ops.segment_sum(jnp.ones((N,), jnp.float32), batch, num_segments=G)
    pooled = sums / jnp.maximum(cnts, 1.0)[:, None]
    # MLP head (eval mode: dropout skipped)
    z = jax.nn.relu(pooled @ mW1.T + mb1)
    logits = z @ mW2.T + mb2
    return logits

if __name__ == "__main__":
    import jax
    _d = setup_inputs()
    print(jax.jit(kernel)(*tuple(_d.values())))

</pallas_src>

<mosaic_0001>
#map = affine_map<(d0, d1) -> (0, 0, 0)>
module attributes {stable_mosaic.version = 14 : i64} {
  func.func @k(%arg0: i32, %arg1: i32, %arg2: memref<2x10000x64xf32, #tpu.memory_space<hbm>>, %arg3: memref<16x200x100xi32, #tpu.memory_space<hbm>>, %arg4: memref<16x200x100xi32, #tpu.memory_space<hbm>>, %arg5: memref<2x10000x64xf32, #tpu.memory_space<hbm>>, %arg6: memref<10000x64xf32, #tpu.memory_space<vmem_shared>>, %arg7: memref<200x100xi32, #tpu.memory_space<vmem>>, %arg8: memref<200x100xi32, #tpu.memory_space<vmem>>, %arg9: memref<48x64xf32, #tpu.memory_space<vmem>>, %arg10: memref<100x64xf32, #tpu.memory_space<vmem>>, %arg11: memref<100x64xf32, #tpu.memory_space<vmem>>, %arg12: memref<100x64xf32, #tpu.memory_space<vmem>>, %arg13: memref<100x64xf32, #tpu.memory_space<vmem>>, %arg14: memref<!tpu.dma_semaphore, #tpu.memory_space<semaphore_mem>>, %arg15: memref<!tpu.dma_semaphore, #tpu.memory_space<semaphore_mem>>, %arg16: memref<!tpu.dma_semaphore, #tpu.memory_space<semaphore_mem>>, %arg17: memref<!tpu.dma_semaphore, #tpu.memory_space<semaphore_mem>>, %arg18: memref<!tpu.dma_semaphore, #tpu.memory_space<semaphore_mem>>, %arg19: memref<!tpu.dma_semaphore, #tpu.memory_space<semaphore_mem>>, %arg20: memref<!tpu.dma_semaphore, #tpu.memory_space<semaphore_mem>>, %arg21: memref<!tpu.dma_semaphore, #tpu.memory_space<semaphore_mem>>, %arg22: memref<!tpu.dma_semaphore, #tpu.memory_space<semaphore_mem>>) attributes {dimension_semantics = [#tpu.dimension_semantics<core_parallel>, #tpu.dimension_semantics<subcore_parallel>], iteration_bounds = array<i64: 2, 16>, scalar_prefetch = 0 : i64, scratch_operands = 17 : i64, tpu.core_type = #tpu.core_type<sc_vector_subcore>, window_params = [{transform_indices = #map}, {transform_indices = #map}, {transform_indices = #map}, {transform_indices = #map}]} {
    %scan3A = arith.constant 0 : i32
    %scan3A_0 = arith.constant 0 : i32
    %scan3A_1 = arith.constant 48 : i32
    %scan3A_2 = arith.addi %scan3A_0, %scan3A_1 : i32
    %scan3A_3 = arith.constant 1 : i32
    %scan3A_4 = scf.for %scan3A_347 = %scan3A_0 to %scan3A_2 step %scan3A_3 iter_args(%scan3A_348 = %scan3A) -> (i32)  : i32 {
      %broadcast_in_dim3A = arith.constant 0.000000e+00 : f32
      %broadcast_in_dim3A_349 = vector.broadcast %broadcast_in_dim3A : f32 to vector<16xf32>
      %swap3A = arith.index_cast %scan3A_347 : i32 to index
      %swap3A_350 = arith.constant 0 : index
      %swap3A_351 = tpu.vector_load %arg9[%swap3A, %swap3A_350] {strides = array<i32>} : memref<48x64xf32, #tpu.memory_space<vmem>>, vector<1x16xf32>,
      %swap3A_352 = vector.shape_cast %swap3A_351 : vector<1x16xf32> to vector<16xf32>
      %swap3A_353 = vector.shape_cast %broadcast_in_dim3A_349 : vector<16xf32> to vector<1x16xf32>
      tpu.vector_store %arg9[%swap3A, %swap3A_350], %swap3A_353 {strides = array<i32>} : memref<48x64xf32, #tpu.memory_space<vmem>>, vector<1x16xf32>,
      %broadcast_in_dim3A_354 = arith.constant 0.000000e+00 : f32
      %broadcast_in_dim3A_355 = vector.broadcast %broadcast_in_dim3A_354 : f32 to vector<16xf32>
      %swap3A_356 = arith.index_cast %scan3A_347 : i32 to index
      %swap3A_357 = arith.constant 16 : index
      %swap3A_358 = tpu.vector_load %arg9[%swap3A_356, %swap3A_357] {strides = array<i32>} : memref<48x64xf32, #tpu.memory_space<vmem>>, vector<1x16xf32>,
      %swap3A_359 = vector.shape_cast %swap3A_358 : vector<1x16xf32> to vector<16xf32>
      %swap3A_360 = vector.shape_cast %broadcast_in_dim3A_355 : vector<16xf32> to vector<1x16xf32>
      tpu.vector_store %arg9[%swap3A_356, %swap3A_357], %swap3A_360 {strides = array<i32>} : memref<48x64xf32, #tpu.memory_space<vmem>>, vector<1x16xf32>,
      %broadcast_in_dim3A_361 = arith.constant 0.000000e+00 : f32
      %broadcast_in_dim3A_362 = vector.broadcast %broadcast_in_dim3A_361 : f32 to vector<16xf32>
      %swap3A_363 = arith.index_cast %scan3A_347 : i32 to index
      %swap3A_364 = arith.constant 32 : index
      %swap3A_365 = tpu.vector_load %arg9[%swap3A_363, %swap3A_364] {strides = array<i32>} : memref<48x64xf32, #tpu.memory_space<vmem>>, vector<1x16xf32>,
      %swap3A_366 = vector.shape_cast %swap3A_365 : vector<1x16xf32> to vector<16xf32>
      %swap3A_367 = vector.shape_cast %broadcast_in_dim3A_362 : vector<16xf32> to vector<1x16xf32>
      tpu.vector_store %arg9[%swap3A_363, %swap3A_364], %swap3A_367 {strides = array<i32>} : memref<48x64xf32, #tpu.memory_space<vmem>>, vector<1x16xf32>,
      %broadcast_in_dim3A_368 = arith.constant 0.000000e+00 : f32
      %broadcast_in_dim3A_369 = vector.broadcast %broadcast_in_dim3A_368 : f32 to vector<16xf32>
      %swap3A_370 = arith.index_cast %scan3A_347 : i32 to index
      %swap3A_371 = arith.constant 48 : index
      %swap3A_372 = tpu.vector_load %arg9[%swap3A_370, %swap3A_371] {strides = array<i32>} : memref<48x64xf32, #tpu.memory_space<vmem>>, vector<1x16xf32>,
      %swap3A_373 = vector.shape_cast %swap3A_372 : vector<1x16xf32> to vector<16xf32>
      %swap3A_374 = vector.shape_cast %broadcast_in_dim3A_369 : vector<16xf32> to vector<1x16xf32>
      tpu.vector_store %arg9[%swap3A_370, %swap3A_371], %swap3A_374 {strides = array<i32>} : memref<48x64xf32, #tpu.memory_space<vmem>>, vector<1x16xf32>,
      %scan3A_375 = arith.constant 0 : i32
      scf.yield %scan3A_375 : i32
    }
    %scan3A_5 = arith.constant 48 : i32
    %mul3A = arith.constant 624 : i32
    %mul3A_6 = arith.muli %arg1, %mul3A : i32
    %add3A = arith.constant 0 : i32
    %add3A_7 = arith.addi %mul3A_6, %add3A : i32
    %dma_start3A = arith.constant 0 : i32
    %dma_start3A_8 = tpu.memref_slice %arg6[%add3A_7, %dma_start3A] : memref<10000x64xf32, #tpu.memory_space<vmem_shared>> -> memref<48x64xf32, #tpu.memory_space<vmem_shared>>
    %dma_start3A_9 = arith.constant 0 : i32
    %dma_start3A_10 = tpu.memref_slice %arg6[%add3A_7, %dma_start3A_9] : memref<10000x64xf32, #tpu.memory_space<vmem_shared>> -> memref<48x64xf32, #tpu.memory_space<vmem_shared>>
    tpu.enqueue_dma source(%arg9 : memref<48x64xf32, #tpu.memory_space<vmem>>) target(%dma_start3A_10 : memref<48x64xf32, #tpu.memory_space<vmem_shared>>) target_semaphore(%arg22 : memref<!tpu.dma_semaphore, #tpu.memory_space<semaphore_mem>>)
    %mul3A_11 = arith.constant 624 : i32
    %mul3A_12 = arith.muli %arg1, %mul3A_11 : i32
    %add3A_13 = arith.constant 48 : i32
    %add3A_14 = arith.addi %mul3A_12, %add3A_13 : i32
    %dma_start3A_15 = arith.constant 0 : i32
    %dma_start3A_16 = tpu.memref_slice %arg6[%add3A_14, %dma_start3A_15] : memref<10000x64xf32, #tpu.memory_space<vmem_shared>> -> memref<48x64xf32, #tpu.memory_space<vmem_shared>>
    %dma_start3A_17 = arith.constant 0 : i32
    %dma_start3A_18 = tpu.memref_slice %arg6[%add3A_14, %dma_start3A_17] : memref<10000x64xf32, #tpu.memory_space<vmem_shared>> -> memref<48x64xf32, #tpu.memory_space<vmem_shared>>
    tpu.enqueue_dma source(%arg9 : memref<48x64xf32, #tpu.memory_space<vmem>>) target(%dma_start3A_18 : memref<48x64xf32, #tpu.memory_space<vmem_shared>>) target_semaphore(%arg22 : memref<!tpu.dma_semaphore, #tpu.memory_space<semaphore_mem>>)
    %mul3A_19 = arith.constant 624 : i32
    %mul3A_20 = arith.muli %arg1, %mul3A_19 : i32
    %add3A_21 = arith.constant 96 : i32
    %add3A_22 = arith.addi %mul3A_20, %add3A_21 : i32
    %dma_start3A_23 = arith.constant 0 : i32
    %dma_start3A_24 = tpu.memref_slice %arg6[%add3A_22, %dma_start3A_23] : memref<10000x64xf32, #tpu.memory_space<vmem_shared>> -> memref<48x64xf32, #tpu.memory_space<vmem_shared>>
    %dma_start3A_25 = arith.constant 0 : i32
    %dma_start3A_26 = tpu.memref_slice %arg6[%add3A_22, %dma_start3A_25] : memref<10000x64xf32, #tpu.memory_space<vmem_shared>> -> memref<48x64xf32, #tpu.memory_space<vmem_shared>>
    tpu.enqueue_dma source(%arg9 : memref<48x64xf32, #tpu.memory_space<vmem>>) target(%dma_start3A_26 : memref<48x64xf32, #tpu.memory_space<vmem_shared>>) target_semaphore(%arg22 : memref<!tpu.dma_semaphore, #tpu.memory_space<semaphore_mem>>)
    %mul3A_27 = arith.constant 624 : i32
    %mul3A_28 = arith.muli %arg1, %mul3A_27 : i32
    %add3A_29 = arith.constant 144 : i32
    %add3A_30 = arith.addi %mul3A_28, %add3A_29 : i32
    %dma_start3A_31 = arith.constant 0 : i32
    %dma_start3A_32 = tpu.memref_slice %arg6[%add3A_30, %dma_start3A_31] : memref<10000x64xf32, #tpu.memory_space<vmem_shared>> -> memref<48x64xf32, #tpu.memory_space<vmem_shared>>
    %dma_start3A_33 = arith.constant 0 : i32
    %dma_start3A_34 = tpu.memref_slice %arg6[%add3A_30, %dma_start3A_33] : memref<10000x64xf32, #tpu.memory_space<vmem_shared>> -> memref<48x64xf32, #tpu.memory_space<vmem_shared>>
    tpu.enqueue_dma source(%arg9 : memref<48x64xf32, #tpu.memory_space<vmem>>) target(%dma_start3A_34 : memref<48x64xf32, #tpu.memory_space<vmem_shared>>) target_semaphore(%arg22 : memref<!tpu.dma_semaphore, #tpu.memory_space<semaphore_mem>>)
    %mul3A_35 = arith.constant 624 : i32
    %mul3A_36 = arith.muli %arg1, %mul3A_35 : i32
    %add3A_37 = arith.constant 192 : i32
    %add3A_38 = arith.addi %mul3A_36, %add3A_37 : i32
    %dma_start3A_39 = arith.constant 0 : i32
    %dma_start3A_40 = tpu.memref_slice %arg6[%add3A_38, %dma_start3A_39] : memref<10000x64xf32, #tpu.memory_space<vmem_shared>> -> memref<48x64xf32, #tpu.memory_space<vmem_shared>>
    %dma_start3A_41 = arith.constant 0 : i32
    %dma_start3A_42 = tpu.memref_slice %arg6[%add3A_38, %dma_start3A_41] : memref<10000x64xf32, #tpu.memory_space<vmem_shared>> -> memref<48x64xf32, #tpu.memory_space<vmem_shared>>
    tpu.enqueue_dma source(%arg9 : memref<48x64xf32, #tpu.memory_space<vmem>>) target(%dma_start3A_42 : memref<48x64xf32, #tpu.memory_space<vmem_shared>>) target_semaphore(%arg22 : memref<!tpu.dma_semaphore, #tpu.memory_space<semaphore_mem>>)
    %mul3A_43 = arith.constant 624 : i32
    %mul3A_44 = arith.muli %arg1, %mul3A_43 : i32
    %add3A_45 = arith.constant 240 : i32
    %add3A_46 = arith.addi %mul3A_44, %add3A_45 : i32
    %dma_start3A_47 = arith.constant 0 : i32
    %dma_start3A_48 = tpu.memref_slice %arg6[%add3A_46, %dma_start3A_47] : memref<10000x64xf32, #tpu.memory_space<vmem_shared>> -> memref<48x64xf32, #tpu.memory_space<vmem_shared>>
    %dma_start3A_49 = arith.constant 0 : i32
    %dma_start3A_50 = tpu.memref_slice %arg6[%add3A_46, %dma_start3A_49] : memref<10000x64xf32, #tpu.memory_space<vmem_shared>> -> memref<48x64xf32, #tpu.memory_space<vmem_shared>>
    tpu.enqueue_dma source(%arg9 : memref<48x64xf32, #tpu.memory_space<vmem>>) target(%dma_start3A_50 : memref<48x64xf32, #tpu.memory_space<vmem_shared>>) target_semaphore(%arg22 : memref<!tpu.dma_semaphore, #tpu.memory_space<semaphore_mem>>)
    %mul3A_51 = arith.constant 624 : i32
    %mul3A_52 = arith.muli %arg1, %mul3A_51 : i32
    %add3A_53 = arith.constant 288 : i32
    %add3A_54 = arith.addi %mul3A_52, %add3A_53 : i32
    %dma_start3A_55 = arith.constant 0 : i32
    %dma_start3A_56 = tpu.memref_slice %arg6[%add3A_54, %dma_start3A_55] : memref<10000x64xf32, #tpu.memory_space<vmem_shared>> -> memref<48x64xf32, #tpu.memory_space<vmem_shared>>
    %dma_start3A_57 = arith.constant 0 : i32
    %dma_start3A_58 = tpu.memref_slice %arg6[%add3A_54, %dma_start3A_57] : memref<10000x64xf32, #tpu.memory_space<vmem_shared>> -> memref<48x64xf32, #tpu.memory_space<vmem_shared>>
    tpu.enqueue_dma source(%arg9 : memref<48x64xf32, #tpu.memory_space<vmem>>) target(%dma_start3A_58 : memref<48x64xf32, #tpu.memory_space<vmem_shared>>) target_semaphore(%arg22 : memref<!tpu.dma_semaphore, #tpu.memory_space<semaphore_mem>>)
    %mul3A_59 = arith.constant 624 : i32
    %mul3A_60 = arith.muli %arg1, %mul3A_59 : i32
    %add3A_61 = arith.constant 336 : i32
    %add3A_62 = arith.addi %mul3A_60, %add3A_61 : i32
    %dma_start3A_63 = arith.constant 0 : i32
    %dma_start3A_64 = tpu.memref_slice %arg6[%add3A_62, %dma_start3A_63] : memref<10000x64xf32, #tpu.memory_space<vmem_shared>> -> memref<48x64xf32, #tpu.memory_space<vmem_shared>>
    %dma_start3A_65 = arith.constant 0 : i32
    %dma_start3A_66 = tpu.memref_slice %arg6[%add3A_62, %dma_start3A_65] : memref<10000x64xf32, #tpu.memory_space<vmem_shared>> -> memref<48x64xf32, #tpu.memory_space<vmem_shared>>
    tpu.enqueue_dma source(%arg9 : memref<48x64xf32, #tpu.memory_space<vmem>>) target(%dma_start3A_66 : memref<48x64xf32, #tpu.memory_space<vmem_shared>>) target_semaphore(%arg22 : memref<!tpu.dma_semaphore, #tpu.memory_space<semaphore_mem>>)
    %mul3A_67 = arith.constant 624 : i32
    %mul3A_68 = arith.muli %arg1, %mul3A_67 : i32
    %add3A_69 = arith.constant 384 : i32
    %add3A_70 = arith.addi %mul3A_68, %add3A_69 : i32
    %dma_start3A_71 = arith.constant 0 : i32
    %dma_start3A_72 = tpu.memref_slice %arg6[%add3A_70, %dma_start3A_71] : memref<10000x64xf32, #tpu.memory_space<vmem_shared>> -> memref<48x64xf32, #tpu.memory_space<vmem_shared>>
    %dma_start3A_73 = arith.constant 0 : i32
    %dma_start3A_74 = tpu.memref_slice %arg6[%add3A_70, %dma_start3A_73] : memref<10000x64xf32, #tpu.memory_space<vmem_shared>> -> memref<48x64xf32, #tpu.memory_space<vmem_shared>>
    tpu.enqueue_dma source(%arg9 : memref<48x64xf32, #tpu.memory_space<vmem>>) target(%dma_start3A_74 : memref<48x64xf32, #tpu.memory_space<vmem_shared>>) target_semaphore(%arg22 : memref<!tpu.dma_semaphore, #tpu.memory_space<semaphore_mem>>)
    %mul3A_75 = arith.constant 624 : i32
    %mul3A_76 = arith.muli %arg1, %mul3A_75 : i32
    %add3A_77 = arith.constant 432 : i32
    %add3A_78 = arith.addi %mul3A_76, %add3A_77 : i32
    %dma_start3A_79 = arith.constant 0 : i32
    %dma_start3A_80 = tpu.memref_slice %arg6[%add3A_78, %dma_start3A_79] : memref<10000x64xf32, #tpu.memory_space<vmem_shared>> -> memref<48x64xf32, #tpu.memory_space<vmem_shared>>
    %dma_start3A_81 = arith.constant 0 : i32
    %dma_start3A_82 = tpu.memref_slice %arg6[%add3A_78, %dma_start3A_81] : memref<10000x64xf32, #tpu.memory_space<vmem_shared>> -> memref<48x64xf32, #tpu.memory_space<vmem_shared>>
    tpu.enqueue_dma source(%arg9 : memref<48x64xf32, #tpu.memory_space<vmem>>) target(%dma_start3A_82 : memref<48x64xf32, #tpu.memory_space<vmem_shared>>) target_semaphore(%arg22 : memref<!tpu.dma_semaphore, #tpu.memory_space<semaphore_mem>>)
    %mul3A_83 = arith.constant 624 : i32
    %mul3A_84 = arith.muli %arg1, %mul3A_83 : i32
    %add3A_85 = arith.constant 480 : i32
    %add3A_86 = arith.addi %mul3A_84, %add3A_85 : i32
    %dma_start3A_87 = arith.constant 0 : i32
    %dma_start3A_88 = tpu.memref_slice %arg6[%add3A_86, %dma_start3A_87] : memref<10000x64xf32, #tpu.memory_space<vmem_shared>> -> memref<48x64xf32, #tpu.memory_space<vmem_shared>>
    %dma_start3A_89 = arith.constant 0 : i32
    %dma_start3A_90 = tpu.memref_slice %arg6[%add3A_86, %dma_start3A_89] : memref<10000x64xf32, #tpu.memory_space<vmem_shared>> -> memref<48x64xf32, #tpu.memory_space<vmem_shared>>
    tpu.enqueue_dma source(%arg9 : memref<48x64xf32, #tpu.memory_space<vmem>>) target(%dma_start3A_90 : memref<48x64xf32, #tpu.memory_space<vmem_shared>>) target_semaphore(%arg22 : memref<!tpu.dma_semaphore, #tpu.memory_space<semaphore_mem>>)
    %mul3A_91 = arith.constant 624 : i32
    %mul3A_92 = arith.muli %arg1, %mul3A_91 : i32
    %add3A_93 = arith.constant 528 : i32
    %add3A_94 = arith.addi %mul3A_92, %add3A_93 : i32
    %dma_start3A_95 = arith.constant 0 : i32
    %dma_start3A_96 = tpu.memref_slice %arg6[%add3A_94, %dma_start3A_95] : memref<10000x64xf32, #tpu.memory_space<vmem_shared>> -> memref<48x64xf32, #tpu.memory_space<vmem_shared>>
    %dma_start3A_97 = arith.constant 0 : i32
    %dma_start3A_98 = tpu.memref_slice %arg6[%add3A_94, %dma_start3A_97] : memref<10000x64xf32, #tpu.memory_space<vmem_shared>> -> memref<48x64xf32, #tpu.memory_space<vmem_shared>>
    tpu.enqueue_dma source(%arg9 : memref<48x64xf32, #tpu.memory_space<vmem>>) target(%dma_start3A_98 : memref<48x64xf32, #tpu.memory_space<vmem_shared>>) target_semaphore(%arg22 : memref<!tpu.dma_semaphore, #tpu.memory_space<semaphore_mem>>)
    %mul3A_99 = arith.constant 624 : i32
    %mul3A_100 = arith.muli %arg1, %mul3A_99 : i32
    %add3A_101 = arith.constant 576 : i32
    %add3A_102 = arith.addi %mul3A_100, %add3A_101 : i32
    %dma_start3A_103 = arith.constant 0 : i32
    %dma_start3A_104 = tpu.memref_slice %arg6[%add3A_102, %dma_start3A_103] : memref<10000x64xf32, #tpu.memory_space<vmem_shared>> -> memref<48x64xf32, #tpu.memory_space<vmem_shared>>
    %dma_start3A_105 = arith.constant 0 : i32
    %dma_start3A_106 = tpu.memref_slice %arg6[%add3A_102, %dma_start3A_105] : memref<10000x64xf32, #tpu.memory_space<vmem_shared>> -> memref<48x64xf32, #tpu.memory_space<vmem_shared>>
    tpu.enqueue_dma source(%arg9 : memref<48x64xf32, #tpu.memory_space<vmem>>) target(%dma_start3A_106 : memref<48x64xf32, #tpu.memory_space<vmem_shared>>) target_semaphore(%arg22 : memref<!tpu.dma_semaphore, #tpu.memory_space<semaphore_mem>>)
    "tpu.region"() ({
      %run_scoped3A = tpu.sem_alloc : memref<!tpu.dma_semaphore, #tpu.memory_space<semaphore_mem>>
      %dma_start3A_347 = arith.constant 0 : i32
      %dma_start3A_348 = arith.constant 0 : i32
      %dma_start3A_349 = tpu.memref_slice %arg3[%arg1, %dma_start3A_347, %dma_start3A_348] : memref<16x200x100xi32, #tpu.memory_space<hbm>> -> memref<1x200x100xi32, #tpu.memory_space<hbm>>
      %dma_start3A_350 = tpu.memref_squeeze %dma_start3A_349 : memref<1x200x100xi32, #tpu.memory_space<hbm>> -> memref<200x100xi32, #tpu.memory_space<hbm>>
      %dma_start3A_351 = arith.constant 0 : i32
      %dma_start3A_352 = arith.constant 0 : i32
      %dma_start3A_353 = tpu.memref_slice %arg3[%arg1, %dma_start3A_351, %dma_start3A_352] : memref<16x200x100xi32, #tpu.memory_space<hbm>> -> memref<1x200x100xi32, #tpu.memory_space<hbm>>
      %dma_start3A_354 = tpu.memref_squeeze %dma_start3A_353 : memref<1x200x100xi32, #tpu.memory_space<hbm>> -> memref<200x100xi32, #tpu.memory_space<hbm>>
      tpu.enqueue_dma source(%dma_start3A_354 : memref<200x100xi32, #tpu.memory_space<hbm>>) target(%arg7 : memref<200x100xi32, #tpu.memory_space<vmem>>) target_semaphore(%run_scoped3A : memref<!tpu.dma_semaphore, #tpu.memory_space<semaphore_mem>>)
      %dma_wait3A_355 = arith.constant 0 : i32
      %dma_wait3A_356 = arith.constant 0 : i32
      %dma_wait3A_357 = tpu.memref_slice %arg3[%arg1, %dma_wait3A_355, %dma_wait3A_356] : memref<16x200x100xi32, #tpu.memory_space<hbm>> -> memref<1x200x100xi32, #tpu.memory_space<hbm>>
      %dma_wait3A_358 = tpu.memref_squeeze %dma_wait3A_357 : memref<1x200x100xi32, #tpu.memory_space<hbm>> -> memref<200x100xi32, #tpu.memory_space<hbm>>
      %dma_wait3A_359 = arith.constant 0 : i32
      %dma_wait3A_360 = arith.constant 0 : i32
      %dma_wait3A_361 = tpu.memref_slice %arg3[%arg1, %dma_wait3A_359, %dma_wait3A_360] : memref<16x200x100xi32, #tpu.memory_space<hbm>> -> memref<1x200x100xi32, #tpu.memory_space<hbm>>
      %dma_wait3A_362 = tpu.memref_squeeze %dma_wait3A_361 : memref<1x200x100xi32, #tpu.memory_space<hbm>> -> memref<200x100xi32, #tpu.memory_space<hbm>>
      tpu.wait_dma2 semaphore(%run_scoped3A : memref<!tpu.dma_semaphore, #tpu.memory_space<semaphore_mem>>) src(%dma_wait3A_362 : memref<200x100xi32, #tpu.memory_space<hbm>>) dst(%arg7 : memref<200x100xi32, #tpu.memory_space<vmem>>)
      tpu.yield
    }) : () -> ()
    "tpu.region"() ({
      %run_scoped3A = tpu.sem_alloc : memref<!tpu.dma_semaphore, #tpu.memory_space<semaphore_mem>>
      %dma_start3A_347 = arith.constant 0 : i32
      %dma_start3A_348 = arith.constant 0 : i32
      %dma_start3A_349 = tpu.memref_slice %arg4[%arg1, %dma_start3A_347, %dma_start3A_348] : memref<16x200x100xi32, #tpu.memory_space<hbm>> -> memref<1x200x100xi32, #tpu.memory_space<hbm>>
      %dma_start3A_350 = tpu.memref_squeeze %dma_start3A_349 : memref<1x200x100xi32, #tpu.memory_space<hbm>> -> memref<200x100xi32, #tpu.memory_space<hbm>>
      %dma_start3A_351 = arith.constant 0 : i32
      %dma_start3A_352 = arith.constant 0 : i32
      %dma_start3A_353 = tpu.memref_slice %arg4[%arg1, %dma_start3A_351, %dma_start3A_352] : memref<16x200x100xi32, #tpu.memory_space<hbm>> -> memref<1x200x100xi32, #tpu.memory_space<hbm>>
      %dma_start3A_354 = tpu.memref_squeeze %dma_start3A_353 : memref<1x200x100xi32, #tpu.memory_space<hbm>> -> memref<200x100xi32, #tpu.memory_space<hbm>>
      tpu.enqueue_dma source(%dma_start3A_354 : memref<200x100xi32, #tpu.memory_space<hbm>>) target(%arg8 : memref<200x100xi32, #tpu.memory_space<vmem>>) target_semaphore(%run_scoped3A : memref<!tpu.dma_semaphore, #tpu.memory_space<semaphore_mem>>)
      %dma_wait3A_355 = arith.constant 0 : i32
      %dma_wait3A_356 = arith.constant 0 : i32
      %dma_wait3A_357 = tpu.memref_slice %arg4[%arg1, %dma_wait3A_355, %dma_wait3A_356] : memref<16x200x100xi32, #tpu.memory_space<hbm>> -> memref<1x200x100xi32, #tpu.memory_space<hbm>>
      %dma_wait3A_358 = tpu.memref_squeeze %dma_wait3A_357 : memref<1x200x100xi32, #tpu.memory_space<hbm>> -> memref<200x100xi32, #tpu.memory_space<hbm>>
      %dma_wait3A_359 = arith.constant 0 : i32
      %dma_wait3A_360 = arith.constant 0 : i32
      %dma_wait3A_361 = tpu.memref_slice %arg4[%arg1, %dma_wait3A_359, %dma_wait3A_360] : memref<16x200x100xi32, #tpu.memory_space<hbm>> -> memref<1x200x100xi32, #tpu.memory_space<hbm>>
      %dma_wait3A_362 = tpu.memref_squeeze %dma_wait3A_361 : memref<1x200x100xi32, #tpu.memory_space<hbm>> -> memref<200x100xi32, #tpu.memory_space<hbm>>
      tpu.wait_dma2 semaphore(%run_scoped3A : memref<!tpu.dma_semaphore, #tpu.memory_space<semaphore_mem>>) src(%dma_wait3A_362 : memref<200x100xi32, #tpu.memory_space<hbm>>) dst(%arg8 : memref<200x100xi32, #tpu.memory_space<vmem>>)
      tpu.yield
    }) : () -> ()
    %mul3A_107 = arith.constant 624 : i32
    %mul3A_108 = arith.muli %arg1, %mul3A_107 : i32
    %dma_wait3A = arith.constant 0 : i32
    %dma_wait3A_109 = tpu.memref_slice %arg6[%mul3A_108, %dma_wait3A] : memref<10000x64xf32, #tpu.memory_space<vmem_shared>> -> memref<48x64xf32, #tpu.memory_space<vmem_shared>>
    %dma_wait3A_110 = arith.constant 0 : i32
    %dma_wait3A_111 = tpu.memref_slice %arg6[%mul3A_108, %dma_wait3A_110] : memref<10000x64xf32, #tpu.memory_space<vmem_shared>> -> memref<48x64xf32, #tpu.memory_space<vmem_shared>>
    tpu.wait_dma2 semaphore(%arg22 : memref<!tpu.dma_semaphore, #tpu.memory_space<semaphore_mem>>) src(%arg9 : memref<48x64xf32, #tpu.memory_space<vmem>>) dst(%dma_wait3A_111 : memref<48x64xf32, #tpu.memory_space<vmem_shared>>)
    %mul3A_112 = arith.constant 624 : i32
    %mul3A_113 = arith.muli %arg1, %mul3A_112 : i32
    %dma_wait3A_114 = arith.constant 0 : i32
    %dma_wait3A_115 = tpu.memref_slice %arg6[%mul3A_113, %dma_wait3A_114] : memref<10000x64xf32, #tpu.memory_space<vmem_shared>> -> memref<48x64xf32, #tpu.memory_space<vmem_shared>>
    %dma_wait3A_116 = arith.constant 0 : i32
    %dma_wait3A_117 = tpu.memref_slice %arg6[%mul3A_113, %dma_wait3A_116] : memref<10000x64xf32, #tpu.memory_space<vmem_shared>> -> memref<48x64xf32, #tpu.memory_space<vmem_shared>>
    tpu.wait_dma2 semaphore(%arg22 : memref<!tpu.dma_semaphore, #tpu.memory_space<semaphore_mem>>) src(%arg9 : memref<48x64xf32, #tpu.memory_space<vmem>>) dst(%dma_wait3A_117 : memref<48x64xf32, #tpu.memory_space<vmem_shared>>)
    %mul3A_118 = arith.constant 624 : i32
    %mul3A_119 = arith.muli %arg1, %mul3A_118 : i32
    %dma_wait3A_120 = arith.constant 0 : i32
    %dma_wait3A_121 = tpu.memref_slice %arg6[%mul3A_119, %dma_wait3A_120] : memref<10000x64xf32, #tpu.memory_space<vmem_shared>> -> memref<48x64xf32, #tpu.memory_space<vmem_shared>>
    %dma_wait3A_122 = arith.constant 0 : i32
    %dma_wait3A_123 = tpu.memref_slice %arg6[%mul3A_119, %dma_wait3A_122] : memref<10000x64xf32, #tpu.memory_space<vmem_shared>> -> memref<48x64xf32, #tpu.memory_space<vmem_shared>>
    tpu.wait_dma2 semaphore(%arg22 : memref<!tpu.dma_semaphore, #tpu.memory_space<semaphore_mem>>) src(%arg9 : memref<48x64xf32, #tpu.memory_space<vmem>>) dst(%dma_wait3A_123 : memref<48x64xf32, #tpu.memory_space<vmem_shared>>)
    %mul3A_124 = arith.constant 624 : i32
    %mul3A_125 = arith.muli %arg1, %mul3A_124 : i32
    %dma_wait3A_126 = arith.constant 0 : i32
    %dma_wait3A_127 = tpu.memref_slice %arg6[%mul3A_125, %dma_wait3A_126] : memref<10000x64xf32, #tpu.memory_space<vmem_shared>> -> memref<48x64xf32, #tpu.memory_space<vmem_shared>>
    %dma_wait3A_128 = arith.constant 0 : i32
    %dma_wait3A_129 = tpu.memref_slice %arg6[%mul3A_125, %dma_wait3A_128] : memref<10000x64xf32, #tpu.memory_space<vmem_shared>> -> memref<48x64xf32, #tpu.memory_space<vmem_shared>>
    tpu.wait_dma2 semaphore(%arg22 : memref<!tpu.dma_semaphore, #tpu.memory_space<semaphore_mem>>) src(%arg9 : memref<48x64xf32, #tpu.memory_space<vmem>>) dst(%dma_wait3A_129 : memref<48x64xf32, #tpu.memory_space<vmem_shared>>)
    %mul3A_130 = arith.constant 624 : i32
    %mul3A_131 = arith.muli %arg1, %mul3A_130 : i32
    %dma_wait3A_132 = arith.constant 0 : i32
    %dma_wait3A_133 = tpu.memref_slice %arg6[%mul3A_131, %dma_wait3A_132] : memref<10000x64xf32, #tpu.memory_space<vmem_shared>> -> memref<48x64xf32, #tpu.memory_space<vmem_shared>>
    %dma_wait3A_134 = arith.constant 0 : i32
    %dma_wait3A_135 = tpu.memref_slice %arg6[%mul3A_131, %dma_wait3A_134] : memref<10000x64xf32, #tpu.memory_space<vmem_shared>> -> memref<48x64xf32, #tpu.memory_space<vmem_shared>>
    tpu.wait_dma2 semaphore(%arg22 : memref<!tpu.dma_semaphore, #tpu.memory_space<semaphore_mem>>) src(%arg9 : memref<48x64xf32, #tpu.memory_space<vmem>>) dst(%dma_wait3A_135 : memref<48x64xf32, #tpu.memory_space<vmem_shared>>)
    %mul3A_136 = arith.constant 624 : i32
    %mul3A_137 = arith.muli %arg1, %mul3A_136 : i32
    %dma_wait3A_138 = arith.constant 0 : i32
    %dma_wait3A_139 = tpu.memref_slice %arg6[%mul3A_137, %dma_wait3A_138] : memref<10000x64xf32, #tpu.memory_space<vmem_shared>> -> memref<48x64xf32, #tpu.memory_space<vmem_shared>>
    %dma_wait3A_140 = arith.constant 0 : i32
    %dma_wait3A_141 = tpu.memref_slice %arg6[%mul3A_137, %dma_wait3A_140] : memref<10000x64xf32, #tpu.memory_space<vmem_shared>> -> memref<48x64xf32, #tpu.memory_space<vmem_shared>>
    tpu.wait_dma2 semaphore(%arg22 : memref<!tpu.dma_semaphore, #tpu.memory_space<semaphore_mem>>) src(%arg9 : memref<48x64xf32, #tpu.memory_space<vmem>>) dst(%dma_wait3A_141 : memref<48x64xf32, #tpu.memory_space<vmem_shared>>)
    %mul3A_142 = arith.constant 624 : i32
    %mul3A_143 = arith.muli %arg1, %mul3A_142 : i32
    %dma_wait3A_144 = arith.constant 0 : i32
    %dma_wait3A_145 = tpu.memref_slice %arg6[%mul3A_143, %dma_wait3A_144] : memref<10000x64xf32, #tpu.memory_space<vmem_shared>> -> memref<48x64xf32, #tpu.memory_space<vmem_shared>>
    %dma_wait3A_146 = arith.constant 0 : i32
    %dma_wait3A_147 = tpu.memref_slice %arg6[%mul3A_143, %dma_wait3A_146] : memref<10000x64xf32, #tpu.memory_space<vmem_shared>> -> memref<48x64xf32, #tpu.memory_space<vmem_shared>>
    tpu.wait_dma2 semaphore(%arg22 : memref<!tpu.dma_semaphore, #tpu.memory_space<semaphore_mem>>) src(%arg9 : memref<48x64xf32, #tpu.memory_space<vmem>>) dst(%dma_wait3A_147 : memref<48x64xf32, #tpu.memory_space<vmem_shared>>)
    %mul3A_148 = arith.constant 624 : i32
    %mul3A_149 = arith.muli %arg1, %mul3A_148 : i32
    %dma_wait3A_150 = arith.constant 0 : i32
    %dma_wait3A_151 = tpu.memref_slice %arg6[%mul3A_149, %dma_wait3A_150] : memref<10000x64xf32, #tpu.memory_space<vmem_shared>> -> memref<48x64xf32, #tpu.memory_space<vmem_shared>>
    %dma_wait3A_152 = arith.constant 0 : i32
    %dma_wait3A_153 = tpu.memref_slice %arg6[%mul3A_149, %dma_wait3A_152] : memref<10000x64xf32, #tpu.memory_space<vmem_shared>> -> memref<48x64xf32, #tpu.memory_space<vmem_shared>>
    tpu.wait_dma2 semaphore(%arg22 : memref<!tpu.dma_semaphore, #tpu.memory_space<semaphore_mem>>) src(%arg9 : memref<48x64xf32, #tpu.memory_space<vmem>>) dst(%dma_wait3A_153 : memref<48x64xf32, #tpu.memory_space<vmem_shared>>)
    %mul3A_154 = arith.constant 624 : i32
    %mul3A_155 = arith.muli %arg1, %mul3A_154 : i32
    %dma_wait3A_156 = arith.constant 0 : i32
    %dma_wait3A_157 = tpu.memref_slice %arg6[%mul3A_155, %dma_wait3A_156] : memref<10000x64xf32, #tpu.memory_space<vmem_shared>> -> memref<48x64xf32, #tpu.memory_space<vmem_shared>>
    %dma_wait3A_158 = arith.constant 0 : i32
    %dma_wait3A_159 = tpu.memref_slice %arg6[%mul3A_155, %dma_wait3A_158] : memref<10000x64xf32, #tpu.memory_space<vmem_shared>> -> memref<48x64xf32, #tpu.memory_space<vmem_shared>>
    tpu.wait_dma2 semaphore(%arg22 : memref<!tpu.dma_semaphore, #tpu.memory_space<semaphore_mem>>) src(%arg9 : memref<48x64xf32, #tpu.memory_space<vmem>>) dst(%dma_wait3A_159 : memref<48x64xf32, #tpu.memory_space<vmem_shared>>)
    %mul3A_160 = arith.constant 624 : i32
    %mul3A_161 = arith.muli %arg1, %mul3A_160 : i32
    %dma_wait3A_162 = arith.constant 0 : i32
    %dma_wait3A_163 = tpu.memref_slice %arg6[%mul3A_161, %dma_wait3A_162] : memref<10000x64xf32, #tpu.memory_space<vmem_shared>> -> memref<48x64xf32, #tpu.memory_space<vmem_shared>>
    %dma_wait3A_164 = arith.constant 0 : i32
    %dma_wait3A_165 = tpu.memref_slice %arg6[%mul3A_161, %dma_wait3A_164] : memref<10000x64xf32, #tpu.memory_space<vmem_shared>> -> memref<48x64xf32, #tpu.memory_space<vmem_shared>>
    tpu.wait_dma2 semaphore(%arg22 : memref<!tpu.dma_semaphore, #tpu.memory_space<semaphore_mem>>) src(%arg9 : memref<48x64xf32, #tpu.memory_space<vmem>>) dst(%dma_wait3A_165 : memref<48x64xf32, #tpu.memory_space<vmem_shared>>)
    %mul3A_166 = arith.constant 624 : i32
    %mul3A_167 = arith.muli %arg1, %mul3A_166 : i32
    %dma_wait3A_168 = arith.constant 0 : i32
    %dma_wait3A_169 = tpu.memref_slice %arg6[%mul3A_167, %dma_wait3A_168] : memref<10000x64xf32, #tpu.memory_space<vmem_shared>> -> memref<48x64xf32, #tpu.memory_space<vmem_shared>>
    %dma_wait3A_170 = arith.constant 0 : i32
    %dma_wait3A_171 = tpu.memref_slice %arg6[%mul3A_167, %dma_wait3A_170] : memref<10000x64xf32, #tpu.memory_space<vmem_shared>> -> memref<48x64xf32, #tpu.memory_space<vmem_shared>>
    tpu.wait_dma2 semaphore(%arg22 : memref<!tpu.dma_semaphore, #tpu.memory_space<semaphore_mem>>) src(%arg9 : memref<48x64xf32, #tpu.memory_space<vmem>>) dst(%dma_wait3A_171 : memref<48x64xf32, #tpu.memory_space<vmem_shared>>)
    %mul3A_172 = arith.constant 624 : i32
    %mul3A_173 = arith.muli %arg1, %mul3A_172 : i32
    %dma_wait3A_174 = arith.constant 0 : i32
    %dma_wait3A_175 = tpu.memref_slice %arg6[%mul3A_173, %dma_wait3A_174] : memref<10000x64xf32, #tpu.memory_space<vmem_shared>> -> memref<48x64xf32, #tpu.memory_space<vmem_shared>>
    %dma_wait3A_176 = arith.constant 0 : i32
    %dma_wait3A_177 = tpu.memref_slice %arg6[%mul3A_173, %dma_wait3A_176] : memref<10000x64xf32, #tpu.memory_space<vmem_shared>> -> memref<48x64xf32, #tpu.memory_space<vmem_shared>>
    tpu.wait_dma2 semaphore(%arg22 : memref<!tpu.dma_semaphore, #tpu.memory_space<semaphore_mem>>) src(%arg9 : memref<48x64xf32, #tpu.memory_space<vmem>>) dst(%dma_wait3A_177 : memref<48x64xf32, #tpu.memory_space<vmem_shared>>)
    %mul3A_178 = arith.constant 624 : i32
    %mul3A_179 = arith.muli %arg1, %mul3A_178 : i32
    %dma_wait3A_180 = arith.constant 0 : i32
    %dma_wait3A_181 = tpu.memref_slice %arg6[%mul3A_179, %dma_wait3A_180] : memref<10000x64xf32, #tpu.memory_space<vmem_shared>> -> memref<48x64xf32, #tpu.memory_space<vmem_shared>>
    %dma_wait3A_182 = arith.constant 0 : i32
    %dma_wait3A_183 = tpu.memref_slice %arg6[%mul3A_179, %dma_wait3A_182] : memref<10000x64xf32, #tpu.memory_space<vmem_shared>> -> memref<48x64xf32, #tpu.memory_space<vmem_shared>>
    tpu.wait_dma2 semaphore(%arg22 : memref<!tpu.dma_semaphore, #tpu.memory_space<semaphore_mem>>) src(%arg9 : memref<48x64xf32, #tpu.memory_space<vmem>>) dst(%dma_wait3A_183 : memref<48x64xf32, #tpu.memory_space<vmem_shared>>)
    %eq3A = arith.constant 15 : i32
    %eq3A_184 = arith.cmpi eq, %arg1, %eq3A : i32
    %convert_element_type3A = arith.extui %eq3A_184 : i1 to i32
    %cond3A = arith.constant 0 : i32
    %cond3A_185 = arith.cmpi ne, %convert_element_type3A, %cond3A : i32
    scf.if %cond3A_185 {
      "tpu.region"() ({
        %run_scoped3A = tpu.sem_alloc : memref<!tpu.dma_semaphore, #tpu.memory_space<semaphore_mem>>
        %dma_start3A_347 = arith.constant 0 : i32
        %dma_start3A_348 = arith.constant 0 : i32
        %dma_start3A_349 = tpu.memref_slice %arg9[%dma_start3A_347, %dma_start3A_348] : memref<48x64xf32, #tpu.memory_space<vmem>> -> memref<16x64xf32, #tpu.memory_space<vmem>>
        %dma_start3A_350 = arith.constant 9984 : i32
        %dma_start3A_351 = arith.constant 0 : i32
        %dma_start3A_352 = tpu.memref_slice %arg6[%dma_start3A_350, %dma_start3A_351] : memref<10000x64xf32, #tpu.memory_space<vmem_shared>> -> memref<16x64xf32, #tpu.memory_space<vmem_shared>>
        %dma_start3A_353 = arith.constant 9984 : i32
        %dma_start3A_354 = arith.constant 0 : i32
        %dma_start3A_355 = tpu.memref_slice %arg6[%dma_start3A_353, %dma_start3A_354] : memref<10000x64xf32, #tpu.memory_space<vmem_shared>> -> memref<16x64xf32, #tpu.memory_space<vmem_shared>>
        %dma_start3A_356 = arith.constant 0 : i32
        %dma_start3A_357 = arith.constant 0 : i32
        %dma_start3A_358 = tpu.memref_slice %arg9[%dma_start3A_356, %dma_start3A_357] : memref<48x64xf32, #tpu.memory_space<vmem>> -> memref<16x64xf32, #tpu.memory_space<vmem>>
        tpu.enqueue_dma source(%dma_start3A_358 : memref<16x64xf32, #tpu.memory_space<vmem>>) target(%dma_start3A_355 : memref<16x64xf32, #tpu.memory_space<vmem_shared>>) target_semaphore(%run_scoped3A : memref<!tpu.dma_semaphore, #tpu.memory_space<semaphore_mem>>)
        %dma_wait3A_359 = arith.constant 0 : i32
        %dma_wait3A_360 = arith.constant 0 : i32
        %dma_wait3A_361 = tpu.memref_slice %arg9[%dma_wait3A_359, %dma_wait3A_360] : memref<48x64xf32, #tpu.memory_space<vmem>> -> memref<16x64xf32, #tpu.memory_space<vmem>>
        %dma_wait3A_362 = arith.constant 9984 : i32
        %dma_wait3A_363 = arith.constant 0 : i32
        %dma_wait3A_364 = tpu.memref_slice %arg6[%dma_wait3A_362, %dma_wait3A_363] : memref<10000x64xf32, #tpu.memory_space<vmem_shared>> -> memref<16x64xf32, #tpu.memory_space<vmem_shared>>
        %dma_wait3A_365 = arith.constant 9984 : i32
        %dma_wait3A_366 = arith.constant 0 : i32
        %dma_wait3A_367 = tpu.memref_slice %arg6[%dma_wait3A_365, %dma_wait3A_366] : memref<10000x64xf32, #tpu.memory_space<vmem_shared>> -> memref<16x64xf32, #tpu.memory_space<vmem_shared>>
        %dma_wait3A_368 = arith.constant 0 : i32
        %dma_wait3A_369 = arith.constant 0 : i32
        %dma_wait3A_370 = tpu.memref_slice %arg9[%dma_wait3A_368, %dma_wait3A_369] : memref<48x64xf32, #tpu.memory_space<vmem>> -> memref<16x64xf32, #tpu.memory_space<vmem>>
        tpu.wait_dma2 semaphore(%run_scoped3A : memref<!tpu.dma_semaphore, #tpu.memory_space<semaphore_mem>>) src(%dma_wait3A_370 : memref<16x64xf32, #tpu.memory_space<vmem>>) dst(%dma_wait3A_367 : memref<16x64xf32, #tpu.memory_space<vmem_shared>>)
        tpu.yield
      }) : () -> ()
    } else {
    }
    %barrier3A = arith.constant 0 : index
    tpu.barrier barrier_id(%barrier3A)
    %dma_start3A_186 = arith.constant 0 : i32
    %dma_start3A_187 = arith.constant 0 : i32
    %dma_start3A_188 = tpu.memref_slice %arg7[%dma_start3A_186, %dma_start3A_187] : memref<200x100xi32, #tpu.memory_space<vmem>> -> memref<1x100xi32, #tpu.memory_space<vmem>>
    %dma_start3A_189 = tpu.memref_squeeze %dma_start3A_188 : memref<1x100xi32, #tpu.memory_space<vmem>> -> memref<100xi32, #tpu.memory_space<vmem>>
    %dma_start3A_190 = arith.constant 0 : i32
    %dma_start3A_191 = arith.constant 0 : i32
    %dma_start3A_192 = tpu.memref_slice %arg2[%arg0, %dma_start3A_190, %dma_start3A_191] : memref<2x10000x64xf32, #tpu.memory_space<hbm>> -> memref<1x10000x64xf32, #tpu.memory_space<hbm>>
    %dma_start3A_193 = tpu.memref_squeeze %dma_start3A_192 : memref<1x10000x64xf32, #tpu.memory_space<hbm>> -> memref<10000x64xf32, #tpu.memory_space<hbm>>
    %dma_start3A_194 = arith.constant 0 : i32
    %dma_start3A_195 = arith.constant 0 : i32
    %dma_start3A_196 = tpu.memref_slice %dma_start3A_193[%dma_start3A_194, %dma_start3A_195] : memref<10000x64xf32, #tpu.memory_space<hbm>> -> memref<10000x64xf32, #tpu.memory_space<hbm>>
    tpu.enqueue_indirect_dma source(%dma_start3A_196 : memref<10000x64xf32, #tpu.memory_space<hbm>>) target(%arg10 : memref<100x64xf32, #tpu.memory_space<vmem>>) offsets(%dma_start3A_189 : memref<100xi32, #tpu.memory_space<vmem>>) semaphore(%arg14 : memref<!tpu.dma_semaphore, #tpu.memory_space<semaphore_mem>>)
    %dma_start3A_197 = arith.constant 1 : i32
    %dma_start3A_198 = arith.constant 0 : i32
    %dma_start3A_199 = tpu.memref_slice %arg7[%dma_start3A_197, %dma_start3A_198] : memref<200x100xi32, #tpu.memory_space<vmem>> -> memref<1x100xi32, #tpu.memory_space<vmem>>
    %dma_start3A_200 = tpu.memref_squeeze %dma_start3A_199 : memref<1x100xi32, #tpu.memory_space<vmem>> -> memref<100xi32, #tpu.memory_space<vmem>>
    %dma_start3A_201 = arith.constant 0 : i32
    %dma_start3A_202 = arith.constant 0 : i32
    %dma_start3A_203 = tpu.memref_slice %arg2[%arg0, %dma_start3A_201, %dma_start3A_202] : memref<2x10000x64xf32, #tpu.memory_space<hbm>> -> memref<1x10000x64xf32, #tpu.memory_space<hbm>>
    %dma_start3A_204 = tpu.memref_squeeze %dma_start3A_203 : memref<1x10000x64xf32, #tpu.memory_space<hbm>> -> memref<10000x64xf32, #tpu.memory_space<hbm>>
    %dma_start3A_205 = arith.constant 0 : i32
    %dma_start3A_206 = arith.constant 0 : i32
    %dma_start3A_207 = tpu.memref_slice %dma_start3A_204[%dma_start3A_205, %dma_start3A_206] : memref<10000x64xf32, #tpu.memory_space<hbm>> -> memref<10000x64xf32, #tpu.memory_space<hbm>>
    tpu.enqueue_indirect_dma source(%dma_start3A_207 : memref<10000x64xf32, #tpu.memory_space<hbm>>) target(%arg11 : memref<100x64xf32, #tpu.memory_space<vmem>>) offsets(%dma_start3A_200 : memref<100xi32, #tpu.memory_space<vmem>>) semaphore(%arg15 : memref<!tpu.dma_semaphore, #tpu.memory_space<semaphore_mem>>)
    %dma_start3A_208 = arith.constant 2 : i32
    %dma_start3A_209 = arith.constant 0 : i32
    %dma_start3A_210 = tpu.memref_slice %arg7[%dma_start3A_208, %dma_start3A_209] : memref<200x100xi32, #tpu.memory_space<vmem>> -> memref<1x100xi32, #tpu.memory_space<vmem>>
    %dma_start3A_211 = tpu.memref_squeeze %dma_start3A_210 : memref<1x100xi32, #tpu.memory_space<vmem>> -> memref<100xi32, #tpu.memory_space<vmem>>
    %dma_start3A_212 = arith.constant 0 : i32
    %dma_start3A_213 = arith.constant 0 : i32
    %dma_start3A_214 = tpu.memref_slice %arg2[%arg0, %dma_start3A_212, %dma_start3A_213] : memref<2x10000x64xf32, #tpu.memory_space<hbm>> -> memref<1x10000x64xf32, #tpu.memory_space<hbm>>
    %dma_start3A_215 = tpu.memref_squeeze %dma_start3A_214 : memref<1x10000x64xf32, #tpu.memory_space<hbm>> -> memref<10000x64xf32, #tpu.memory_space<hbm>>
    %dma_start3A_216 = arith.constant 0 : i32
    %dma_start3A_217 = arith.constant 0 : i32
    %dma_start3A_218 = tpu.memref_slice %dma_start3A_215[%dma_start3A_216, %dma_start3A_217] : memref<10000x64xf32, #tpu.memory_space<hbm>> -> memref<10000x64xf32, #tpu.memory_space<hbm>>
    tpu.enqueue_indirect_dma source(%dma_start3A_218 : memref<10000x64xf32, #tpu.memory_space<hbm>>) target(%arg12 : memref<100x64xf32, #tpu.memory_space<vmem>>) offsets(%dma_start3A_211 : memref<100xi32, #tpu.memory_space<vmem>>) semaphore(%arg16 : memref<!tpu.dma_semaphore, #tpu.memory_space<semaphore_mem>>)
    %dma_start3A_219 = arith.constant 3 : i32
    %dma_start3A_220 = arith.constant 0 : i32
    %dma_start3A_221 = tpu.memref_slice %arg7[%dma_start3A_219, %dma_start3A_220] : memref<200x100xi32, #tpu.memory_space<vmem>> -> memref<1x100xi32, #tpu.memory_space<vmem>>
    %dma_start3A_222 = tpu.memref_squeeze %dma_start3A_221 : memref<1x100xi32, #tpu.memory_space<vmem>> -> memref<100xi32, #tpu.memory_space<vmem>>
    %dma_start3A_223 = arith.constant 0 : i32
    %dma_start3A_224 = arith.constant 0 : i32
    %dma_start3A_225 = tpu.memref_slice %arg2[%arg0, %dma_start3A_223, %dma_start3A_224] : memref<2x10000x64xf32, #tpu.memory_space<hbm>> -> memref<1x10000x64xf32, #tpu.memory_space<hbm>>
    %dma_start3A_226 = tpu.memref_squeeze %dma_start3A_225 : memref<1x10000x64xf32, #tpu.memory_space<hbm>> -> memref<10000x64xf32, #tpu.memory_space<hbm>>
    %dma_start3A_227 = arith.constant 0 : i32
    %dma_start3A_228 = arith.constant 0 : i32
    %dma_start3A_229 = tpu.memref_slice %dma_start3A_226[%dma_start3A_227, %dma_start3A_228] : memref<10000x64xf32, #tpu.memory_space<hbm>> -> memref<10000x64xf32, #tpu.memory_space<hbm>>
    tpu.enqueue_indirect_dma source(%dma_start3A_229 : memref<10000x64xf32, #tpu.memory_space<hbm>>) target(%arg13 : memref<100x64xf32, #tpu.memory_space<vmem>>) offsets(%dma_start3A_222 : memref<100xi32, #tpu.memory_space<vmem>>) semaphore(%arg17 : memref<!tpu.dma_semaphore, #tpu.memory_space<semaphore_mem>>)
    %scan3A_230 = arith.constant 0 : i32
    %scan3A_231 = arith.constant 0 : i32
    %scan3A_232 = arith.constant 49 : i32
    %scan3A_233 = arith.addi %scan3A_231, %scan3A_232 : i32
    %scan3A_234 = arith.constant 1 : i32
    %scan3A_235 = scf.for %scan3A_347 = %scan3A_231 to %scan3A_233 step %scan3A_234 iter_args(%scan3A_348 = %scan3A_230) -> (i32)  : i32 {
      %mul3A_349 = arith.constant 4 : i32
      %mul3A_350 = arith.muli %mul3A_349, %scan3A_347 : i32
      %add3A_351 = arith.constant 0 : i32
      %add3A_352 = arith.addi %mul3A_350, %add3A_351 : i32
      %dma_wait3A_353 = arith.constant 0 : i32
      %dma_wait3A_354 = tpu.memref_slice %arg7[%add3A_352, %dma_wait3A_353] : memref<200x100xi32, #tpu.memory_space<vmem>> -> memref<1x100xi32, #tpu.memory_space<vmem>>
      %dma_wait3A_355 = tpu.memref_squeeze %dma_wait3A_354 : memref<1x100xi32, #tpu.memory_space<vmem>> -> memref<100xi32, #tpu.memory_space<vmem>>
      %dma_wait3A_356 = arith.constant 0 : i32
      %dma_wait3A_357 = arith.constant 0 : i32
      %dma_wait3A_358 = tpu.memref_slice %arg2[%arg0, %dma_wait3A_356, %dma_wait3A_357] : memref<2x10000x64xf32, #tpu.memory_space<hbm>> -> memref<1x10000x64xf32, #tpu.memory_space<hbm>>
      %dma_wait3A_359 = tpu.memref_squeeze %dma_wait3A_358 : memref<1x10000x64xf32, #tpu.memory_space<hbm>> -> memref<10000x64xf32, #tpu.memory_space<hbm>>
      %dma_wait3A_360 = arith.constant 0 : i32
      %dma_wait3A_361 = arith.constant 0 : i32
      %dma_wait3A_362 = tpu.memref_slice %dma_wait3A_359[%dma_wait3A_360, %dma_wait3A_361] : memref<10000x64xf32, #tpu.memory_space<hbm>> -> memref<10000x64xf32, #tpu.memory_space<hbm>>
      tpu.wait_indirect_dma semaphore(%arg14 : memref<!tpu.dma_semaphore, #tpu.memory_space<semaphore_mem>>) src(%dma_wait3A_362 : memref<10000x64xf32, #tpu.memory_space<hbm>>) dst(%arg10 : memref<100x64xf32, #tpu.memory_space<vmem>>)
      %dma_start3A_363 = arith.constant 0 : i32
      %dma_start3A_364 = tpu.memref_slice %arg8[%add3A_352, %dma_start3A_363] : memref<200x100xi32, #tpu.memory_space<vmem>> -> memref<1x100xi32, #tpu.memory_space<vmem>>
      %dma_start3A_365 = tpu.memref_squeeze %dma_start3A_364 : memref<1x100xi32, #tpu.memory_space<vmem>> -> memref<100xi32, #tpu.memory_space<vmem>>
      %dma_start3A_366 = arith.constant 0 : i32
      %dma_start3A_367 = arith.constant 0 : i32
      %dma_start3A_368 = tpu.memref_slice %arg6[%dma_start3A_366, %dma_start3A_367] : memref<10000x64xf32, #tpu.memory_space<vmem_shared>> -> memref<10000x64xf32, #tpu.memory_space<vmem_shared>>
      tpu.enqueue_indirect_dma source(%arg10 : memref<100x64xf32, #tpu.memory_space<vmem>>) target(%dma_start3A_368 : memref<10000x64xf32, #tpu.memory_space<vmem_shared>>) offsets(%dma_start3A_365 : memref<100xi32, #tpu.memory_space<vmem>>) semaphore(%arg18 : memref<!tpu.dma_semaphore, #tpu.memory_space<semaphore_mem>>) {add = true}
      %mul3A_369 = arith.constant 4 : i32
      %mul3A_370 = arith.muli %mul3A_369, %scan3A_347 : i32
      %add3A_371 = arith.constant 1 : i32
      %add3A_372 = arith.addi %mul3A_370, %add3A_371 : i32
      %dma_wait3A_373 = arith.constant 0 : i32
      %dma_wait3A_374 = tpu.memref_slice %arg7[%add3A_372, %dma_wait3A_373] : memref<200x100xi32, #tpu.memory_space<vmem>> -> memref<1x100xi32, #tpu.memory_space<vmem>>
      %dma_wait3A_375 = tpu.memref_squeeze %dma_wait3A_374 : memref<1x100xi32, #tpu.memory_space<vmem>> -> memref<100xi32, #tpu.memory_space<vmem>>
      %dma_wait3A_376 = arith.constant 0 : i32
      %dma_wait3A_377 = arith.constant 0 : i32
      %dma_wait3A_378 = tpu.memref_slice %arg2[%arg0, %dma_wait3A_376, %dma_wait3A_377] : memref<2x10000x64xf32, #tpu.memory_space<hbm>> -> memref<1x10000x64xf32, #tpu.memory_space<hbm>>
      %dma_wait3A_379 = tpu.memref_squeeze %dma_wait3A_378 : memref<1x10000x64xf32, #tpu.memory_space<hbm>> -> memref<10000x64xf32, #tpu.memory_space<hbm>>
      %dma_wait3A_380 = arith.constant 0 : i32
      %dma_wait3A_381 = arith.constant 0 : i32
      %dma_wait3A_382 = tpu.memref_slice %dma_wait3A_379[%dma_wait3A_380, %dma_wait3A_381] : memref<10000x64xf32, #tpu.memory_space<hbm>> -> memref<10000x64xf32, #tpu.memory_space<hbm>>
      tpu.wait_indirect_dma semaphore(%arg15 : memref<!tpu.dma_semaphore, #tpu.memory_space<semaphore_mem>>) src(%dma_wait3A_382 : memref<10000x64xf32, #tpu.memory_space<hbm>>) dst(%arg11 : memref<100x64xf32, #tpu.memory_space<vmem>>)
      %dma_start3A_383 = arith.constant 0 : i32
      %dma_start3A_384 = tpu.memref_slice %arg8[%add3A_372, %dma_start3A_383] : memref<200x100xi32, #tpu.memory_space<vmem>> -> memref<1x100xi32, #tpu.memory_space<vmem>>
      %dma_start3A_385 = tpu.memref_squeeze %dma_start3A_384 : memref<1x100xi32, #tpu.memory_space<vmem>> -> memref<100xi32, #tpu.memory_space<vmem>>
      %dma_start3A_386 = arith.constant 0 : i32
      %dma_start3A_387 = arith.constant 0 : i32
      %dma_start3A_388 = tpu.memref_slice %arg6[%dma_start3A_386, %dma_start3A_387] : memref<10000x64xf32, #tpu.memory_space<vmem_shared>> -> memref<10000x64xf32, #tpu.memory_space<vmem_shared>>
      tpu.enqueue_indirect_dma source(%arg11 : memref<100x64xf32, #tpu.memory_space<vmem>>) target(%dma_start3A_388 : memref<10000x64xf32, #tpu.memory_space<vmem_shared>>) offsets(%dma_start3A_385 : memref<100xi32, #tpu.memory_space<vmem>>) semaphore(%arg19 : memref<!tpu.dma_semaphore, #tpu.memory_space<semaphore_mem>>) {add = true}
      %mul3A_389 = arith.constant 4 : i32
      %mul3A_390 = arith.muli %mul3A_389, %scan3A_347 : i32
      %add3A_391 = arith.constant 2 : i32
      %add3A_392 = arith.addi %mul3A_390, %add3A_391 : i32
      %dma_wait3A_393 = arith.constant 0 : i32
      %dma_wait3A_394 = tpu.memref_slice %arg7[%add3A_392, %dma_wait3A_393] : memref<200x100xi32, #tpu.memory_space<vmem>> -> memref<1x100xi32, #tpu.memory_space<vmem>>
      %dma_wait3A_395 = tpu.memref_squeeze %dma_wait3A_394 : memref<1x100xi32, #tpu.memory_space<vmem>> -> memref<100xi32, #tpu.memory_space<vmem>>
      %dma_wait3A_396 = arith.constant 0 : i32
      %dma_wait3A_397 = arith.constant 0 : i32
      %dma_wait3A_398 = tpu.memref_slice %arg2[%arg0, %dma_wait3A_396, %dma_wait3A_397] : memref<2x10000x64xf32, #tpu.memory_space<hbm>> -> memref<1x10000x64xf32, #tpu.memory_space<hbm>>
      %dma_wait3A_399 = tpu.memref_squeeze %dma_wait3A_398 : memref<1x10000x64xf32, #tpu.memory_space<hbm>> -> memref<10000x64xf32, #tpu.memory_space<hbm>>
      %dma_wait3A_400 = arith.constant 0 : i32
      %dma_wait3A_401 = arith.constant 0 : i32
      %dma_wait3A_402 = tpu.memref_slice %dma_wait3A_399[%dma_wait3A_400, %dma_wait3A_401] : memref<10000x64xf32, #tpu.memory_space<hbm>> -> memref<10000x64xf32, #tpu.memory_space<hbm>>
      tpu.wait_indirect_dma semaphore(%arg16 : memref<!tpu.dma_semaphore, #tpu.memory_space<semaphore_mem>>) src(%dma_wait3A_402 : memref<10000x64xf32, #tpu.memory_space<hbm>>) dst(%arg12 : memref<100x64xf32, #tpu.memory_space<vmem>>)
      %dma_start3A_403 = arith.constant 0 : i32
      %dma_start3A_404 = tpu.memref_slice %arg8[%add3A_392, %dma_start3A_403] : memref<200x100xi32, #tpu.memory_space<vmem>> -> memref<1x100xi32, #tpu.memory_space<vmem>>
      %dma_start3A_405 = tpu.memref_squeeze %dma_start3A_404 : memref<1x100xi32, #tpu.memory_space<vmem>> -> memref<100xi32, #tpu.memory_space<vmem>>
      %dma_start3A_406 = arith.constant 0 : i32
      %dma_start3A_407 = arith.constant 0 : i32
      %dma_start3A_408 = tpu.memref_slice %arg6[%dma_start3A_406, %dma_start3A_407] : memref<10000x64xf32, #tpu.memory_space<vmem_shared>> -> memref<10000x64xf32, #tpu.memory_space<vmem_shared>>
      tpu.enqueue_indirect_dma source(%arg12 : memref<100x64xf32, #tpu.memory_space<vmem>>) target(%dma_start3A_408 : memref<10000x64xf32, #tpu.memory_space<vmem_shared>>) offsets(%dma_start3A_405 : memref<100xi32, #tpu.memory_space<vmem>>) semaphore(%arg20 : memref<!tpu.dma_semaphore, #tpu.memory_space<semaphore_mem>>) {add = true}
      %mul3A_409 = arith.constant 4 : i32
      %mul3A_410 = arith.muli %mul3A_409, %scan3A_347 : i32
      %add3A_411 = arith.constant 3 : i32
      %add3A_412 = arith.addi %mul3A_410, %add3A_411 : i32
      %dma_wait3A_413 = arith.constant 0 : i32
      %dma_wait3A_414 = tpu.memref_slice %arg7[%add3A_412, %dma_wait3A_413] : memref<200x100xi32, #tpu.memory_space<vmem>> -> memref<1x100xi32, #tpu.memory_space<vmem>>
      %dma_wait3A_415 = tpu.memref_squeeze %dma_wait3A_414 : memref<1x100xi32, #tpu.memory_space<vmem>> -> memref<100xi32, #tpu.memory_space<vmem>>
      %dma_wait3A_416 = arith.constant 0 : i32
      %dma_wait3A_417 = arith.constant 0 : i32
      %dma_wait3A_418 = tpu.memref_slice %arg2[%arg0, %dma_wait3A_416, %dma_wait3A_417] : memref<2x10000x64xf32, #tpu.memory_space<hbm>> -> memref<1x10000x64xf32, #tpu.memory_space<hbm>>
      %dma_wait3A_419 = tpu.memref_squeeze %dma_wait3A_418 : memref<1x10000x64xf32, #tpu.memory_space<hbm>> -> memref<10000x64xf32, #tpu.memory_space<hbm>>
      %dma_wait3A_420 = arith.constant 0 : i32
      %dma_wait3A_421 = arith.constant 0 : i32
      %dma_wait3A_422 = tpu.memref_slice %dma_wait3A_419[%dma_wait3A_420, %dma_wait3A_421] : memref<10000x64xf32, #tpu.memory_space<hbm>> -> memref<10000x64xf32, #tpu.memory_space<hbm>>
      tpu.wait_indirect_dma semaphore(%arg17 : memref<!tpu.dma_semaphore, #tpu.memory_space<semaphore_mem>>) src(%dma_wait3A_422 : memref<10000x64xf32, #tpu.memory_space<hbm>>) dst(%arg13 : memref<100x64xf32, #tpu.memory_space<vmem>>)
      %dma_start3A_423 = arith.constant 0 : i32
      %dma_start3A_424 = tpu.memref_slice %arg8[%add3A_412, %dma_start3A_423] : memref<200x100xi32, #tpu.memory_space<vmem>> -> memref<1x100xi32, #tpu.memory_space<vmem>>
      %dma_start3A_425 = tpu.memref_squeeze %dma_start3A_424 : memref<1x100xi32, #tpu.memory_space<vmem>> -> memref<100xi32, #tpu.memory_space<vmem>>
      %dma_start3A_426 = arith.constant 0 : i32
      %dma_start3A_427 = arith.constant 0 : i32
      %dma_start3A_428 = tpu.memref_slice %arg6[%dma_start3A_426, %dma_start3A_427] : memref<10000x64xf32, #tpu.memory_space<vmem_shared>> -> memref<10000x64xf32, #tpu.memory_space<vmem_shared>>
      tpu.enqueue_indirect_dma source(%arg13 : memref<100x64xf32, #tpu.memory_space<vmem>>) target(%dma_start3A_428 : memref<10000x64xf32, #tpu.memory_space<vmem_shared>>) offsets(%dma_start3A_425 : memref<100xi32, #tpu.memory_space<vmem>>) semaphore(%arg21 : memref<!tpu.dma_semaphore, #tpu.memory_space<semaphore_mem>>) {add = true}
      %dma_wait3A_429 = arith.constant 0 : i32
      %dma_wait3A_430 = arith.constant 0 : i32
      %dma_wait3A_431 = tpu.memref_slice %arg8[%dma_wait3A_429, %dma_wait3A_430] : memref<200x100xi32, #tpu.memory_space<vmem>> -> memref<1x100xi32, #tpu.memory_space<vmem>>
      %dma_wait3A_432 = tpu.memref_squeeze %dma_wait3A_431 : memref<1x100xi32, #tpu.memory_space<vmem>> -> memref<100xi32, #tpu.memory_space<vmem>>
      %dma_wait3A_433 = arith.constant 0 : i32
      %dma_wait3A_434 = arith.constant 0 : i32
      %dma_wait3A_435 = tpu.memref_slice %arg6[%dma_wait3A_433, %dma_wait3A_434] : memref<10000x64xf32, #tpu.memory_space<vmem_shared>> -> memref<10000x64xf32, #tpu.memory_space<vmem_shared>>
      tpu.wait_indirect_dma semaphore(%arg18 : memref<!tpu.dma_semaphore, #tpu.memory_space<semaphore_mem>>) src(%arg10 : memref<100x64xf32, #tpu.memory_space<vmem>>) dst(%dma_wait3A_435 : memref<10000x64xf32, #tpu.memory_space<vmem_shared>>)
      %add3A_436 = arith.constant 1 : i32
      %add3A_437 = arith.addi %scan3A_347, %add3A_436 : i32
      %mul3A_438 = arith.constant 4 : i32
      %mul3A_439 = arith.muli %mul3A_438, %add3A_437 : i32
      %add3A_440 = arith.constant 0 : i32
      %add3A_441 = arith.addi %mul3A_439, %add3A_440 : i32
      %dma_start3A_442 = arith.constant 0 : i32
      %dma_start3A_443 = tpu.memref_slice %arg7[%add3A_441, %dma_start3A_442] : memref<200x100xi32, #tpu.memory_space<vmem>> -> memref<1x100xi32, #tpu.memory_space<vmem>>
      %dma_start3A_444 = tpu.memref_squeeze %dma_start3A_443 : memref<1x100xi32, #tpu.memory_space<vmem>> -> memref<100xi32, #tpu.memory_space<vmem>>
      %dma_start3A_445 = arith.constant 0 : i32
      %dma_start3A_446 = arith.constant 0 : i32
      %dma_start3A_447 = tpu.memref_slice %arg2[%arg0, %dma_start3A_445, %dma_start3A_446] : memref<2x10000x64xf32, #tpu.memory_space<hbm>> -> memref<1x10000x64xf32, #tpu.memory_space<hbm>>
      %dma_start3A_448 = tpu.memref_squeeze %dma_start3A_447 : memref<1x10000x64xf32, #tpu.memory_space<hbm>> -> memref<10000x64xf32, #tpu.memory_space<hbm>>
      %dma_start3A_449 = arith.constant 0 : i32
      %dma_start3A_450 = arith.constant 0 : i32
      %dma_start3A_451 = tpu.memref_slice %dma_start3A_448[%dma_start3A_449, %dma_start3A_450] : memref<10000x64xf32, #tpu.memory_space<hbm>> -> memref<10000x64xf32, #tpu.memory_space<hbm>>
      tpu.enqueue_indirect_dma source(%dma_start3A_451 : memref<10000x64xf32, #tpu.memory_space<hbm>>) target(%arg10 : memref<100x64xf32, #tpu.memory_space<vmem>>) offsets(%dma_start3A_444 : memref<100xi32, #tpu.memory_space<vmem>>) semaphore(%arg14 : memref<!tpu.dma_semaphore, #tpu.memory_space<semaphore_mem>>)
      %dma_wait3A_452 = arith.constant 0 : i32
      %dma_wait3A_453 = arith.constant 0 : i32
      %dma_wait3A_454 = tpu.memref_slice %arg8[%dma_wait3A_452, %dma_wait3A_453] : memref<200x100xi32, #tpu.memory_space<vmem>> -> memref<1x100xi32, #tpu.memory_space<vmem>>
      %dma_wait3A_455 = tpu.memref_squeeze %dma_wait3A_454 : memref<1x100xi32, #tpu.memory_space<vmem>> -> memref<100xi32, #tpu.memory_space<vmem>>
      %dma_wait3A_456 = arith.constant 0 : i32
      %dma_wait3A_457 = arith.constant 0 : i32
      %dma_wait3A_458 = tpu.memref_slice %arg6[%dma_wait3A_456, %dma_wait3A_457] : memref<10000x64xf32, #tpu.memory_space<vmem_shared>> -> memref<10000x64xf32, #tpu.memory_space<vmem_shared>>
      tpu.wait_indirect_dma semaphore(%arg19 : memref<!tpu.dma_semaphore, #tpu.memory_space<semaphore_mem>>) src(%arg11 : memref<100x64xf32, #tpu.memory_space<vmem>>) dst(%dma_wait3A_458 : memref<10000x64xf32, #tpu.memory_space<vmem_shared>>)
      %add3A_459 = arith.constant 1 : i32
      %add3A_460 = arith.addi %scan3A_347, %add3A_459 : i32
      %mul3A_461 = arith.constant 4 : i32
      %mul3A_462 = arith.muli %mul3A_461, %add3A_460 : i32
      %add3A_463 = arith.constant 1 : i32
      %add3A_464 = arith.addi %mul3A_462, %add3A_463 : i32
      %dma_start3A_465 = arith.constant 0 : i32
      %dma_start3A_466 = tpu.memref_slice %arg7[%add3A_464, %dma_start3A_465] : memref<200x100xi32, #tpu.memory_space<vmem>> -> memref<1x100xi32, #tpu.memory_space<vmem>>
      %dma_start3A_467 = tpu.memref_squeeze %dma_start3A_466 : memref<1x100xi32, #tpu.memory_space<vmem>> -> memref<100xi32, #tpu.memory_space<vmem>>
      %dma_start3A_468 = arith.constant 0 : i32
      %dma_start3A_469 = arith.constant 0 : i32
      %dma_start3A_470 = tpu.memref_slice %arg2[%arg0, %dma_start3A_468, %dma_start3A_469] : memref<2x10000x64xf32, #tpu.memory_space<hbm>> -> memref<1x10000x64xf32, #tpu.memory_space<hbm>>
      %dma_start3A_471 = tpu.memref_squeeze %dma_start3A_470 : memref<1x10000x64xf32, #tpu.memory_space<hbm>> -> memref<10000x64xf32, #tpu.memory_space<hbm>>
      %dma_start3A_472 = arith.constant 0 : i32
      %dma_start3A_473 = arith.constant 0 : i32
      %dma_start3A_474 = tpu.memref_slice %dma_start3A_471[%dma_start3A_472, %dma_start3A_473] : memref<10000x64xf32, #tpu.memory_space<hbm>> -> memref<10000x64xf32, #tpu.memory_space<hbm>>
      tpu.enqueue_indirect_dma source(%dma_start3A_474 : memref<10000x64xf32, #tpu.memory_space<hbm>>) target(%arg11 : memref<100x64xf32, #tpu.memory_space<vmem>>) offsets(%dma_start3A_467 : memref<100xi32, #tpu.memory_space<vmem>>) semaphore(%arg15 : memref<!tpu.dma_semaphore, #tpu.memory_space<semaphore_mem>>)
      %dma_wait3A_475 = arith.constant 0 : i32
      %dma_wait3A_476 = arith.constant 0 : i32
      %dma_wait3A_477 = tpu.memref_slice %arg8[%dma_wait3A_475, %dma_wait3A_476] : memref<200x100xi32, #tpu.memory_space<vmem>> -> memref<1x100xi32, #tpu.memory_space<vmem>>
      %dma_wait3A_478 = tpu.memref_squeeze %dma_wait3A_477 : memref<1x100xi32, #tpu.memory_space<vmem>> -> memref<100xi32, #tpu.memory_space<vmem>>
      %dma_wait3A_479 = arith.constant 0 : i32
      %dma_wait3A_480 = arith.constant 0 : i32
      %dma_wait3A_481 = tpu.memref_slice %arg6[%dma_wait3A_479, %dma_wait3A_480] : memref<10000x64xf32, #tpu.memory_space<vmem_shared>> -> memref<10000x64xf32, #tpu.memory_space<vmem_shared>>
      tpu.wait_indirect_dma semaphore(%arg20 : memref<!tpu.dma_semaphore, #tpu.memory_space<semaphore_mem>>) src(%arg12 : memref<100x64xf32, #tpu.memory_space<vmem>>) dst(%dma_wait3A_481 : memref<10000x64xf32, #tpu.memory_space<vmem_shared>>)
      %add3A_482 = arith.constant 1 : i32
      %add3A_483 = arith.addi %scan3A_347, %add3A_482 : i32
      %mul3A_484 = arith.constant 4 : i32
      %mul3A_485 = arith.muli %mul3A_484, %add3A_483 : i32
      %add3A_486 = arith.constant 2 : i32
      %add3A_487 = arith.addi %mul3A_485, %add3A_486 : i32
      %dma_start3A_488 = arith.constant 0 : i32
      %dma_start3A_489 = tpu.memref_slice %arg7[%add3A_487, %dma_start3A_488] : memref<200x100xi32, #tpu.memory_space<vmem>> -> memref<1x100xi32, #tpu.memory_space<vmem>>
      %dma_start3A_490 = tpu.memref_squeeze %dma_start3A_489 : memref<1x100xi32, #tpu.memory_space<vmem>> -> memref<100xi32, #tpu.memory_space<vmem>>
      %dma_start3A_491 = arith.constant 0 : i32
      %dma_start3A_492 = arith.constant 0 : i32
      %dma_start3A_493 = tpu.memref_slice %arg2[%arg0, %dma_start3A_491, %dma_start3A_492] : memref<2x10000x64xf32, #tpu.memory_space<hbm>> -> memref<1x10000x64xf32, #tpu.memory_space<hbm>>
      %dma_start3A_494 = tpu.memref_squeeze %dma_start3A_493 : memref<1x10000x64xf32, #tpu.memory_space<hbm>> -> memref<10000x64xf32, #tpu.memory_space<hbm>>
      %dma_start3A_495 = arith.constant 0 : i32
      %dma_start3A_496 = arith.constant 0 : i32
      %dma_start3A_497 = tpu.memref_slice %dma_start3A_494[%dma_start3A_495, %dma_start3A_496] : memref<10000x64xf32, #tpu.memory_space<hbm>> -> memref<10000x64xf32, #tpu.memory_space<hbm>>
      tpu.enqueue_indirect_dma source(%dma_start3A_497 : memref<10000x64xf32, #tpu.memory_space<hbm>>) target(%arg12 : memref<100x64xf32, #tpu.memory_space<vmem>>) offsets(%dma_start3A_490 : memref<100xi32, #tpu.memory_space<vmem>>) semaphore(%arg16 : memref<!tpu.dma_semaphore, #tpu.memory_space<semaphore_mem>>)
      %dma_wait3A_498 = arith.constant 0 : i32
      %dma_wait3A_499 = arith.constant 0 : i32
      %dma_wait3A_500 = tpu.memref_slice %arg8[%dma_wait3A_498, %dma_wait3A_499] : memref<200x100xi32, #tpu.memory_space<vmem>> -> memref<1x100xi32, #tpu.memory_space<vmem>>
      %dma_wait3A_501 = tpu.memref_squeeze %dma_wait3A_500 : memref<1x100xi32, #tpu.memory_space<vmem>> -> memref<100xi32, #tpu.memory_space<vmem>>
      %dma_wait3A_502 = arith.constant 0 : i32
      %dma_wait3A_503 = arith.constant 0 : i32
      %dma_wait3A_504 = tpu.memref_slice %arg6[%dma_wait3A_502, %dma_wait3A_503] : memref<10000x64xf32, #tpu.memory_space<vmem_shared>> -> memref<10000x64xf32, #tpu.memory_space<vmem_shared>>
      tpu.wait_indirect_dma semaphore(%arg21 : memref<!tpu.dma_semaphore, #tpu.memory_space<semaphore_mem>>) src(%arg13 : memref<100x64xf32, #tpu.memory_space<vmem>>) dst(%dma_wait3A_504 : memref<10000x64xf32, #tpu.memory_space<vmem_shared>>)
      %add3A_505 = arith.constant 1 : i32
      %add3A_506 = arith.addi %scan3A_347, %add3A_505 : i32
      %mul3A_507 = arith.constant 4 : i32
      %mul3A_508 = arith.muli %mul3A_507, %add3A_506 : i32
      %add3A_509 = arith.constant 3 : i32
      %add3A_510 = arith.addi %mul3A_508, %add3A_509 : i32
      %dma_start3A_511 = arith.constant 0 : i32
      %dma_start3A_512 = tpu.memref_slice %arg7[%add3A_510, %dma_start3A_511] : memref<200x100xi32, #tpu.memory_space<vmem>> -> memref<1x100xi32, #tpu.memory_space<vmem>>
      %dma_start3A_513 = tpu.memref_squeeze %dma_start3A_512 : memref<1x100xi32, #tpu.memory_space<vmem>> -> memref<100xi32, #tpu.memory_space<vmem>>
      %dma_start3A_514 = arith.constant 0 : i32
      %dma_start3A_515 = arith.constant 0 : i32
      %dma_start3A_516 = tpu.memref_slice %arg2[%arg0, %dma_start3A_514, %dma_start3A_515] : memref<2x10000x64xf32, #tpu.memory_space<hbm>> -> memref<1x10000x64xf32, #tpu.memory_space<hbm>>
      %dma_start3A_517 = tpu.memref_squeeze %dma_start3A_516 : memref<1x10000x64xf32, #tpu.memory_space<hbm>> -> memref<10000x64xf32, #tpu.memory_space<hbm>>
      %dma_start3A_518 = arith.constant 0 : i32
      %dma_start3A_519 = arith.constant 0 : i32
      %dma_start3A_520 = tpu.memref_slice %dma_start3A_517[%dma_start3A_518, %dma_start3A_519] : memref<10000x64xf32, #tpu.memory_space<hbm>> -> memref<10000x64xf32, #tpu.memory_space<hbm>>
      tpu.enqueue_indirect_dma source(%dma_start3A_520 : memref<10000x64xf32, #tpu.memory_space<hbm>>) target(%arg13 : memref<100x64xf32, #tpu.memory_space<vmem>>) offsets(%dma_start3A_513 : memref<100xi32, #tpu.memory_space<vmem>>) semaphore(%arg17 : memref<!tpu.dma_semaphore, #tpu.memory_space<semaphore_mem>>)
      %scan3A_521 = arith.constant 0 : i32
      scf.yield %scan3A_521 : i32
    }
    %scan3A_236 = arith.constant 49 : i32
    %dma_wait3A_237 = arith.constant 196 : i32
    %dma_wait3A_238 = arith.constant 0 : i32
    %dma_wait3A_239 = tpu.memref_slice %arg7[%dma_wait3A_237, %dma_wait3A_238] : memref<200x100xi32, #tpu.memory_space<vmem>> -> memref<1x100xi32, #tpu.memory_space<vmem>>
    %dma_wait3A_240 = tpu.memref_squeeze %dma_wait3A_239 : memref<1x100xi32, #tpu.memory_space<vmem>> -> memref<100xi32, #tpu.memory_space<vmem>>
    %dma_wait3A_241 = arith.constant 0 : i32
    %dma_wait3A_242 = arith.constant 0 : i32
    %dma_wait3A_243 = tpu.memref_slice %arg2[%arg0, %dma_wait3A_241, %dma_wait3A_242] : memref<2x10000x64xf32, #tpu.memory_space<hbm>> -> memref<1x10000x64xf32, #tpu.memory_space<hbm>>
    %dma_wait3A_244 = tpu.memref_squeeze %dma_wait3A_243 : memref<1x10000x64xf32, #tpu.memory_space<hbm>> -> memref<10000x64xf32, #tpu.memory_space<hbm>>
    %dma_wait3A_245 = arith.constant 0 : i32
    %dma_wait3A_246 = arith.constant 0 : i32
    %dma_wait3A_247 = tpu.memref_slice %dma_wait3A_244[%dma_wait3A_245, %dma_wait3A_246] : memref<10000x64xf32, #tpu.memory_space<hbm>> -> memref<10000x64xf32, #tpu.memory_space<hbm>>
    tpu.wait_indirect_dma semaphore(%arg14 : memref<!tpu.dma_semaphore, #tpu.memory_space<semaphore_mem>>) src(%dma_wait3A_247 : memref<10000x64xf32, #tpu.memory_space<hbm>>) dst(%arg10 : memref<100x64xf32, #tpu.memory_space<vmem>>)
    %dma_start3A_248 = arith.constant 196 : i32
    %dma_start3A_249 = arith.constant 0 : i32
    %dma_start3A_250 = tpu.memref_slice %arg8[%dma_start3A_248, %dma_start3A_249] : memref<200x100xi32, #tpu.memory_space<vmem>> -> memref<1x100xi32, #tpu.memory_space<vmem>>
    %dma_start3A_251 = tpu.memref_squeeze %dma_start3A_250 : memref<1x100xi32, #tpu.memory_space<vmem>> -> memref<100xi32, #tpu.memory_space<vmem>>
    %dma_start3A_252 = arith.constant 0 : i32
    %dma_start3A_253 = arith.constant 0 : i32
    %dma_start3A_254 = tpu.memref_slice %arg6[%dma_start3A_252, %dma_start3A_253] : memref<10000x64xf32, #tpu.memory_space<vmem_shared>> -> memref<10000x64xf32, #tpu.memory_space<vmem_shared>>
    tpu.enqueue_indirect_dma source(%arg10 : memref<100x64xf32, #tpu.memory_space<vmem>>) target(%dma_start3A_254 : memref<10000x64xf32, #tpu.memory_space<vmem_shared>>) offsets(%dma_start3A_251 : memref<100xi32, #tpu.memory_space<vmem>>) semaphore(%arg18 : memref<!tpu.dma_semaphore, #tpu.memory_space<semaphore_mem>>) {add = true}
    %dma_wait3A_255 = arith.constant 197 : i32
    %dma_wait3A_256 = arith.constant 0 : i32
    %dma_wait3A_257 = tpu.memref_slice %arg7[%dma_wait3A_255, %dma_wait3A_256] : memref<200x100xi32, #tpu.memory_space<vmem>> -> memref<1x100xi32, #tpu.memory_space<vmem>>
    %dma_wait3A_258 = tpu.memref_squeeze %dma_wait3A_257 : memref<1x100xi32, #tpu.memory_space<vmem>> -> memref<100xi32, #tpu.memory_space<vmem>>
    %dma_wait3A_259 = arith.constant 0 : i32
    %dma_wait3A_260 = arith.constant 0 : i32
    %dma_wait3A_261 = tpu.memref_slice %arg2[%arg0, %dma_wait3A_259, %dma_wait3A_260] : memref<2x10000x64xf32, #tpu.memory_space<hbm>> -> memref<1x10000x64xf32, #tpu.memory_space<hbm>>
    %dma_wait3A_262 = tpu.memref_squeeze %dma_wait3A_261 : memref<1x10000x64xf32, #tpu.memory_space<hbm>> -> memref<10000x64xf32, #tpu.memory_space<hbm>>
    %dma_wait3A_263 = arith.constant 0 : i32
    %dma_wait3A_264 = arith.constant 0 : i32
    %dma_wait3A_265 = tpu.memref_slice %dma_wait3A_262[%dma_wait3A_263, %dma_wait3A_264] : memref<10000x64xf32, #tpu.memory_space<hbm>> -> memref<10000x64xf32, #tpu.memory_space<hbm>>
    tpu.wait_indirect_dma semaphore(%arg15 : memref<!tpu.dma_semaphore, #tpu.memory_space<semaphore_mem>>) src(%dma_wait3A_265 : memref<10000x64xf32, #tpu.memory_space<hbm>>) dst(%arg11 : memref<100x64xf32, #tpu.memory_space<vmem>>)
    %dma_start3A_266 = arith.constant 197 : i32
    %dma_start3A_267 = arith.constant 0 : i32
    %dma_start3A_268 = tpu.memref_slice %arg8[%dma_start3A_266, %dma_start3A_267] : memref<200x100xi32, #tpu.memory_space<vmem>> -> memref<1x100xi32, #tpu.memory_space<vmem>>
    %dma_start3A_269 = tpu.memref_squeeze %dma_start3A_268 : memref<1x100xi32, #tpu.memory_space<vmem>> -> memref<100xi32, #tpu.memory_space<vmem>>
    %dma_start3A_270 = arith.constant 0 : i32
    %dma_start3A_271 = arith.constant 0 : i32
    %dma_start3A_272 = tpu.memref_slice %arg6[%dma_start3A_270, %dma_start3A_271] : memref<10000x64xf32, #tpu.memory_space<vmem_shared>> -> memref<10000x64xf32, #tpu.memory_space<vmem_shared>>
    tpu.enqueue_indirect_dma source(%arg11 : memref<100x64xf32, #tpu.memory_space<vmem>>) target(%dma_start3A_272 : memref<10000x64xf32, #tpu.memory_space<vmem_shared>>) offsets(%dma_start3A_269 : memref<100xi32, #tpu.memory_space<vmem>>) semaphore(%arg19 : memref<!tpu.dma_semaphore, #tpu.memory_space<semaphore_mem>>) {add = true}
    %dma_wait3A_273 = arith.constant 198 : i32
    %dma_wait3A_274 = arith.constant 0 : i32
    %dma_wait3A_275 = tpu.memref_slice %arg7[%dma_wait3A_273, %dma_wait3A_274] : memref<200x100xi32, #tpu.memory_space<vmem>> -> memref<1x100xi32, #tpu.memory_space<vmem>>
    %dma_wait3A_276 = tpu.memref_squeeze %dma_wait3A_275 : memref<1x100xi32, #tpu.memory_space<vmem>> -> memref<100xi32, #tpu.memory_space<vmem>>
    %dma_wait3A_277 = arith.constant 0 : i32
    %dma_wait3A_278 = arith.constant 0 : i32
    %dma_wait3A_279 = tpu.memref_slice %arg2[%arg0, %dma_wait3A_277, %dma_wait3A_278] : memref<2x10000x64xf32, #tpu.memory_space<hbm>> -> memref<1x10000x64xf32, #tpu.memory_space<hbm>>
    %dma_wait3A_280 = tpu.memref_squeeze %dma_wait3A_279 : memref<1x10000x64xf32, #tpu.memory_space<hbm>> -> memref<10000x64xf32, #tpu.memory_space<hbm>>
    %dma_wait3A_281 = arith.constant 0 : i32
    %dma_wait3A_282 = arith.constant 0 : i32
    %dma_wait3A_283 = tpu.memref_slice %dma_wait3A_280[%dma_wait3A_281, %dma_wait3A_282] : memref<10000x64xf32, #tpu.memory_space<hbm>> -> memref<10000x64xf32, #tpu.memory_space<hbm>>
    tpu.wait_indirect_dma semaphore(%arg16 : memref<!tpu.dma_semaphore, #tpu.memory_space<semaphore_mem>>) src(%dma_wait3A_283 : memref<10000x64xf32, #tpu.memory_space<hbm>>) dst(%arg12 : memref<100x64xf32, #tpu.memory_space<vmem>>)
    %dma_start3A_284 = arith.constant 198 : i32
    %dma_start3A_285 = arith.constant 0 : i32
    %dma_start3A_286 = tpu.memref_slice %arg8[%dma_start3A_284, %dma_start3A_285] : memref<200x100xi32, #tpu.memory_space<vmem>> -> memref<1x100xi32, #tpu.memory_space<vmem>>
    %dma_start3A_287 = tpu.memref_squeeze %dma_start3A_286 : memref<1x100xi32, #tpu.memory_space<vmem>> -> memref<100xi32, #tpu.memory_space<vmem>>
    %dma_start3A_288 = arith.constant 0 : i32
    %dma_start3A_289 = arith.constant 0 : i32
    %dma_start3A_290 = tpu.memref_slice %arg6[%dma_start3A_288, %dma_start3A_289] : memref<10000x64xf32, #tpu.memory_space<vmem_shared>> -> memref<10000x64xf32, #tpu.memory_space<vmem_shared>>
    tpu.enqueue_indirect_dma source(%arg12 : memref<100x64xf32, #tpu.memory_space<vmem>>) target(%dma_start3A_290 : memref<10000x64xf32, #tpu.memory_space<vmem_shared>>) offsets(%dma_start3A_287 : memref<100xi32, #tpu.memory_space<vmem>>) semaphore(%arg20 : memref<!tpu.dma_semaphore, #tpu.memory_space<semaphore_mem>>) {add = true}
    %dma_wait3A_291 = arith.constant 199 : i32
    %dma_wait3A_292 = arith.constant 0 : i32
    %dma_wait3A_293 = tpu.memref_slice %arg7[%dma_wait3A_291, %dma_wait3A_292] : memref<200x100xi32, #tpu.memory_space<vmem>> -> memref<1x100xi32, #tpu.memory_space<vmem>>
    %dma_wait3A_294 = tpu.memref_squeeze %dma_wait3A_293 : memref<1x100xi32, #tpu.memory_space<vmem>> -> memref<100xi32, #tpu.memory_space<vmem>>
    %dma_wait3A_295 = arith.constant 0 : i32
    %dma_wait3A_296 = arith.constant 0 : i32
    %dma_wait3A_297 = tpu.memref_slice %arg2[%arg0, %dma_wait3A_295, %dma_wait3A_296] : memref<2x10000x64xf32, #tpu.memory_space<hbm>> -> memref<1x10000x64xf32, #tpu.memory_space<hbm>>
    %dma_wait3A_298 = tpu.memref_squeeze %dma_wait3A_297 : memref<1x10000x64xf32, #tpu.memory_space<hbm>> -> memref<10000x64xf32, #tpu.memory_space<hbm>>
    %dma_wait3A_299 = arith.constant 0 : i32
    %dma_wait3A_300 = arith.constant 0 : i32
    %dma_wait3A_301 = tpu.memref_slice %dma_wait3A_298[%dma_wait3A_299, %dma_wait3A_300] : memref<10000x64xf32, #tpu.memory_space<hbm>> -> memref<10000x64xf32, #tpu.memory_space<hbm>>
    tpu.wait_indirect_dma semaphore(%arg17 : memref<!tpu.dma_semaphore, #tpu.memory_space<semaphore_mem>>) src(%dma_wait3A_301 : memref<10000x64xf32, #tpu.memory_space<hbm>>) dst(%arg13 : memref<100x64xf32, #tpu.memory_space<vmem>>)
    %dma_start3A_302 = arith.constant 199 : i32
    %dma_start3A_303 = arith.constant 0 : i32
    %dma_start3A_304 = tpu.memref_slice %arg8[%dma_start3A_302, %dma_start3A_303] : memref<200x100xi32, #tpu.memory_space<vmem>> -> memref<1x100xi32, #tpu.memory_space<vmem>>
    %dma_start3A_305 = tpu.memref_squeeze %dma_start3A_304 : memref<1x100xi32, #tpu.memory_space<vmem>> -> memref<100xi32, #tpu.memory_space<vmem>>
    %dma_start3A_306 = arith.constant 0 : i32
    %dma_start3A_307 = arith.constant 0 : i32
    %dma_start3A_308 = tpu.memref_slice %arg6[%dma_start3A_306, %dma_start3A_307] : memref<10000x64xf32, #tpu.memory_space<vmem_shared>> -> memref<10000x64xf32, #tpu.memory_space<vmem_shared>>
    tpu.enqueue_indirect_dma source(%arg13 : memref<100x64xf32, #tpu.memory_space<vmem>>) target(%dma_start3A_308 : memref<10000x64xf32, #tpu.memory_space<vmem_shared>>) offsets(%dma_start3A_305 : memref<100xi32, #tpu.memory_space<vmem>>) semaphore(%arg21 : memref<!tpu.dma_semaphore, #tpu.memory_space<semaphore_mem>>) {add = true}
    %dma_wait3A_309 = arith.constant 0 : i32
    %dma_wait3A_310 = arith.constant 0 : i32
    %dma_wait3A_311 = tpu.memref_slice %arg8[%dma_wait3A_309, %dma_wait3A_310] : memref<200x100xi32, #tpu.memory_space<vmem>> -> memref<1x100xi32, #tpu.memory_space<vmem>>
    %dma_wait3A_312 = tpu.memref_squeeze %dma_wait3A_311 : memref<1x100xi32, #tpu.memory_space<vmem>> -> memref<100xi32, #tpu.memory_space<vmem>>
    %dma_wait3A_313 = arith.constant 0 : i32
    %dma_wait3A_314 = arith.constant 0 : i32
    %dma_wait3A_315 = tpu.memref_slice %arg6[%dma_wait3A_313, %dma_wait3A_314] : memref<10000x64xf32, #tpu.memory_space<vmem_shared>> -> memref<10000x64xf32, #tpu.memory_space<vmem_shared>>
    tpu.wait_indirect_dma semaphore(%arg18 : memref<!tpu.dma_semaphore, #tpu.memory_space<semaphore_mem>>) src(%arg10 : memref<100x64xf32, #tpu.memory_space<vmem>>) dst(%dma_wait3A_315 : memref<10000x64xf32, #tpu.memory_space<vmem_shared>>)
    %dma_wait3A_316 = arith.constant 0 : i32
    %dma_wait3A_317 = arith.constant 0 : i32
    %dma_wait3A_318 = tpu.memref_slice %arg8[%dma_wait3A_316, %dma_wait3A_317] : memref<200x100xi32, #tpu.memory_space<vmem>> -> memref<1x100xi32, #tpu.memory_space<vmem>>
    %dma_wait3A_319 = tpu.memref_squeeze %dma_wait3A_318 : memref<1x100xi32, #tpu.memory_space<vmem>> -> memref<100xi32, #tpu.memory_space<vmem>>
    %dma_wait3A_320 = arith.constant 0 : i32
    %dma_wait3A_321 = arith.constant 0 : i32
    %dma_wait3A_322 = tpu.memref_slice %arg6[%dma_wait3A_320, %dma_wait3A_321] : memref<10000x64xf32, #tpu.memory_space<vmem_shared>> -> memref<10000x64xf32, #tpu.memory_space<vmem_shared>>
    tpu.wait_indirect_dma semaphore(%arg19 : memref<!tpu.dma_semaphore, #tpu.memory_space<semaphore_mem>>) src(%arg11 : memref<100x64xf32, #tpu.memory_space<vmem>>) dst(%dma_wait3A_322 : memref<10000x64xf32, #tpu.memory_space<vmem_shared>>)
    %dma_wait3A_323 = arith.constant 0 : i32
    %dma_wait3A_324 = arith.constant 0 : i32
    %dma_wait3A_325 = tpu.memref_slice %arg8[%dma_wait3A_323, %dma_wait3A_324] : memref<200x100xi32, #tpu.memory_space<vmem>> -> memref<1x100xi32, #tpu.memory_space<vmem>>
    %dma_wait3A_326 = tpu.memref_squeeze %dma_wait3A_325 : memref<1x100xi32, #tpu.memory_space<vmem>> -> memref<100xi32, #tpu.memory_space<vmem>>
    %dma_wait3A_327 = arith.constant 0 : i32
    %dma_wait3A_328 = arith.constant 0 : i32
    %dma_wait3A_329 = tpu.memref_slice %arg6[%dma_wait3A_327, %dma_wait3A_328] : memref<10000x64xf32, #tpu.memory_space<vmem_shared>> -> memref<10000x64xf32, #tpu.memory_space<vmem_shared>>
    tpu.wait_indirect_dma semaphore(%arg20 : memref<!tpu.dma_semaphore, #tpu.memory_space<semaphore_mem>>) src(%arg12 : memref<100x64xf32, #tpu.memory_space<vmem>>) dst(%dma_wait3A_329 : memref<10000x64xf32, #tpu.memory_space<vmem_shared>>)
    %dma_wait3A_330 = arith.constant 0 : i32
    %dma_wait3A_331 = arith.constant 0 : i32
    %dma_wait3A_332 = tpu.memref_slice %arg8[%dma_wait3A_330, %dma_wait3A_331] : memref<200x100xi32, #tpu.memory_space<vmem>> -> memref<1x100xi32, #tpu.memory_space<vmem>>
    %dma_wait3A_333 = tpu.memref_squeeze %dma_wait3A_332 : memref<1x100xi32, #tpu.memory_space<vmem>> -> memref<100xi32, #tpu.memory_space<vmem>>
    %dma_wait3A_334 = arith.constant 0 : i32
    %dma_wait3A_335 = arith.constant 0 : i32
    %dma_wait3A_336 = tpu.memref_slice %arg6[%dma_wait3A_334, %dma_wait3A_335] : memref<10000x64xf32, #tpu.memory_space<vmem_shared>> -> memref<10000x64xf32, #tpu.memory_space<vmem_shared>>
    tpu.wait_indirect_dma semaphore(%arg21 : memref<!tpu.dma_semaphore, #tpu.memory_space<semaphore_mem>>) src(%arg13 : memref<100x64xf32, #tpu.memory_space<vmem>>) dst(%dma_wait3A_336 : memref<10000x64xf32, #tpu.memory_space<vmem_shared>>)
    %barrier3A_337 = arith.constant 0 : index
    tpu.barrier barrier_id(%barrier3A_337)
    %mul3A_338 = arith.constant 624 : i32
    %mul3A_339 = arith.muli %arg1, %mul3A_338 : i32
    %mul3A_340 = arith.constant 624 : i32
    %mul3A_341 = arith.muli %arg1, %mul3A_340 : i32
    "tpu.region"() ({
      %run_scoped3A = tpu.sem_alloc : memref<!tpu.dma_semaphore, #tpu.memory_space<semaphore_mem>>
      %dma_start3A_347 = arith.constant 0 : i32
      %dma_start3A_348 = tpu.memref_slice %arg5[%arg0, %mul3A_341, %dma_start3A_347] : memref<2x10000x64xf32, #tpu.memory_space<hbm>> -> memref<1x624x64xf32, #tpu.memory_space<hbm>>
      %dma_start3A_349 = tpu.memref_squeeze %dma_start3A_348 : memref<1x624x64xf32, #tpu.memory_space<hbm>> -> memref<624x64xf32, #tpu.memory_space<hbm>>
      %dma_start3A_350 = arith.constant 0 : i32
      %dma_start3A_351 = tpu.memref_slice %arg6[%mul3A_339, %dma_start3A_350] : memref<10000x64xf32, #tpu.memory_space<vmem_shared>> -> memref<624x64xf32, #tpu.memory_space<vmem_shared>>
      tpu.enqueue_dma source(%dma_start3A_351 : memref<624x64xf32, #tpu.memory_space<vmem_shared>>) target(%dma_start3A_349 : memref<624x64xf32, #tpu.memory_space<hbm>>) target_semaphore(%run_scoped3A : memref<!tpu.dma_semaphore, #tpu.memory_space<semaphore_mem>>)
      %dma_wait3A_352 = arith.constant 0 : i32
      %dma_wait3A_353 = tpu.memref_slice %arg5[%arg0, %mul3A_341, %dma_wait3A_352] : memref<2x10000x64xf32, #tpu.memory_space<hbm>> -> memref<1x624x64xf32, #tpu.memory_space<hbm>>
      %dma_wait3A_354 = tpu.memref_squeeze %dma_wait3A_353 : memref<1x624x64xf32, #tpu.memory_space<hbm>> -> memref<624x64xf32, #tpu.memory_space<hbm>>
      %dma_wait3A_355 = arith.constant 0 : i32
      %dma_wait3A_356 = tpu.memref_slice %arg6[%mul3A_339, %dma_wait3A_355] : memref<10000x64xf32, #tpu.memory_space<vmem_shared>> -> memref<624x64xf32, #tpu.memory_space<vmem_shared>>
      tpu.wait_dma2 semaphore(%run_scoped3A : memref<!tpu.dma_semaphore, #tpu.memory_space<semaphore_mem>>) src(%dma_wait3A_356 : memref<624x64xf32, #tpu.memory_space<vmem_shared>>) dst(%dma_wait3A_354 : memref<624x64xf32, #tpu.memory_space<hbm>>)
      tpu.yield
    }) : () -> ()
    %eq3A_342 = arith.constant 15 : i32
    %eq3A_343 = arith.cmpi eq, %arg1, %eq3A_342 : i32
    %convert_element_type3A_344 = arith.extui %eq3A_343 : i1 to i32
    %cond3A_345 = arith.constant 0 : i32
    %cond3A_346 = arith.cmpi ne, %convert_element_type3A_344, %cond3A_345 : i32
    scf.if %cond3A_346 {
      "tpu.region"() ({
        %run_scoped3A = tpu.sem_alloc : memref<!tpu.dma_semaphore, #tpu.memory_space<semaphore_mem>>
        %dma_start3A_347 = arith.constant 9984 : i32
        %dma_start3A_348 = arith.constant 0 : i32
        %dma_start3A_349 = tpu.memref_slice %arg5[%arg0, %dma_start3A_347, %dma_start3A_348] : memref<2x10000x64xf32, #tpu.memory_space<hbm>> -> memref<1x16x64xf32, #tpu.memory_space<hbm>>
        %dma_start3A_350 = tpu.memref_squeeze %dma_start3A_349 : memref<1x16x64xf32, #tpu.memory_space<hbm>> -> memref<16x64xf32, #tpu.memory_space<hbm>>
        %dma_start3A_351 = arith.constant 9984 : i32
        %dma_start3A_352 = arith.constant 0 : i32
        %dma_start3A_353 = tpu.memref_slice %arg6[%dma_start3A_351, %dma_start3A_352] : memref<10000x64xf32, #tpu.memory_space<vmem_shared>> -> memref<16x64xf32, #tpu.memory_space<vmem_shared>>
        tpu.enqueue_dma source(%dma_start3A_353 : memref<16x64xf32, #tpu.memory_space<vmem_shared>>) target(%dma_start3A_350 : memref<16x64xf32, #tpu.memory_space<hbm>>) target_semaphore(%run_scoped3A : memref<!tpu.dma_semaphore, #tpu.memory_space<semaphore_mem>>)
        %dma_wait3A_354 = arith.constant 9984 : i32
        %dma_wait3A_355 = arith.constant 0 : i32
        %dma_wait3A_356 = tpu.memref_slice %arg5[%arg0, %dma_wait3A_354, %dma_wait3A_355] : memref<2x10000x64xf32, #tpu.memory_space<hbm>> -> memref<1x16x64xf32, #tpu.memory_space<hbm>>
        %dma_wait3A_357 = tpu.memref_squeeze %dma_wait3A_356 : memref<1x16x64xf32, #tpu.memory_space<hbm>> -> memref<16x64xf32, #tpu.memory_space<hbm>>
        %dma_wait3A_358 = arith.constant 9984 : i32
        %dma_wait3A_359 = arith.constant 0 : i32
        %dma_wait3A_360 = tpu.memref_slice %arg6[%dma_wait3A_358, %dma_wait3A_359] : memref<10000x64xf32, #tpu.memory_space<vmem_shared>> -> memref<16x64xf32, #tpu.memory_space<vmem_shared>>
        tpu.wait_dma2 semaphore(%run_scoped3A : memref<!tpu.dma_semaphore, #tpu.memory_space<semaphore_mem>>) src(%dma_wait3A_360 : memref<16x64xf32, #tpu.memory_space<vmem_shared>>) dst(%dma_wait3A_357 : memref<16x64xf32, #tpu.memory_space<hbm>>)
        tpu.yield
      }) : () -> ()
    } else {
    }
    return
  }
}

#map = affine_map<(d0, d1) -> (0, 0, 0)>
#map1 = affine_map<(d0, d1) -> (0, 0)>
module attributes {stable_mosaic.version = 14 : i64} {
  func.func @k(%arg0: i32, %arg1: i32, %arg2: memref<32x125x80xi32, #tpu.memory_space<hbm>>, %arg3: memref<2x10240xf32, #tpu.memory_space<hbm>>, %arg4: memref<10240xf32, #tpu.memory_space<vmem_shared>>, %arg5: memref<125x80xi32, #tpu.memory_space<vmem>>, %arg6: memref<80xf32, #tpu.memory_space<vmem>>, %arg7: memref<640xf32, #tpu.memory_space<vmem>>, %arg8: memref<!tpu.dma_semaphore, #tpu.memory_space<semaphore_mem>>, %arg9: memref<!tpu.dma_semaphore, #tpu.memory_space<semaphore_mem>>, %arg10: memref<!tpu.dma_semaphore, #tpu.memory_space<semaphore_mem>>, %arg11: memref<!tpu.dma_semaphore, #tpu.memory_space<semaphore_mem>>) attributes {dimension_semantics = [#tpu.dimension_semantics<core_parallel>, #tpu.dimension_semantics<subcore_parallel>], iteration_bounds = array<i64: 2, 16>, scalar_prefetch = 0 : i64, scratch_operands = 8 : i64, tpu.core_type = #tpu.core_type<sc_vector_subcore>, window_params = [{transform_indices = #map}, {transform_indices = #map1}]} {
    %mul3A = arith.constant 2 : i32
    %mul3A_0 = arith.muli %arg1, %mul3A : i32
    %add3A = arith.addi %mul3A_0, %arg0 : i32
    %broadcast_in_dim3A = arith.constant 1.000000e+00 : f32
    %broadcast_in_dim3A_1 = vector.broadcast %broadcast_in_dim3A : f32 to vector<16xf32>
    %swap3A = arith.constant 0 : index
    %swap3A_2 = tpu.vector_load %arg6[%swap3A] {strides = array<i32>} : memref<80xf32, #tpu.memory_space<vmem>>, vector<16xf32>,
    %swap3A_3 = vector.shape_cast %swap3A_2 : vector<16xf32> to vector<16xf32>
    %swap3A_4 = vector.shape_cast %broadcast_in_dim3A_1 : vector<16xf32> to vector<16xf32>
    tpu.vector_store %arg6[%swap3A], %swap3A_4 {strides = array<i32>} : memref<80xf32, #tpu.memory_space<vmem>>, vector<16xf32>,
    %broadcast_in_dim3A_5 = arith.constant 1.000000e+00 : f32
    %broadcast_in_dim3A_6 = vector.broadcast %broadcast_in_dim3A_5 : f32 to vector<16xf32>
    %swap3A_7 = arith.constant 16 : index
    %swap3A_8 = tpu.vector_load %arg6[%swap3A_7] {strides = array<i32>} : memref<80xf32, #tpu.memory_space<vmem>>, vector<16xf32>,
    %swap3A_9 = vector.shape_cast %swap3A_8 : vector<16xf32> to vector<16xf32>
    %swap3A_10 = vector.shape_cast %broadcast_in_dim3A_6 : vector<16xf32> to vector<16xf32>
    tpu.vector_store %arg6[%swap3A_7], %swap3A_10 {strides = array<i32>} : memref<80xf32, #tpu.memory_space<vmem>>, vector<16xf32>,
    %broadcast_in_dim3A_11 = arith.constant 1.000000e+00 : f32
    %broadcast_in_dim3A_12 = vector.broadcast %broadcast_in_dim3A_11 : f32 to vector<16xf32>
    %swap3A_13 = arith.constant 32 : index
    %swap3A_14 = tpu.vector_load %arg6[%swap3A_13] {strides = array<i32>} : memref<80xf32, #tpu.memory_space<vmem>>, vector<16xf32>,
    %swap3A_15 = vector.shape_cast %swap3A_14 : vector<16xf32> to vector<16xf32>
    %swap3A_16 = vector.shape_cast %broadcast_in_dim3A_12 : vector<16xf32> to vector<16xf32>
    tpu.vector_store %arg6[%swap3A_13], %swap3A_16 {strides = array<i32>} : memref<80xf32, #tpu.memory_space<vmem>>, vector<16xf32>,
    %broadcast_in_dim3A_17 = arith.constant 1.000000e+00 : f32
    %broadcast_in_dim3A_18 = vector.broadcast %broadcast_in_dim3A_17 : f32 to vector<16xf32>
    %swap3A_19 = arith.constant 48 : index
    %swap3A_20 = tpu.vector_load %arg6[%swap3A_19] {strides = array<i32>} : memref<80xf32, #tpu.memory_space<vmem>>, vector<16xf32>,
    %swap3A_21 = vector.shape_cast %swap3A_20 : vector<16xf32> to vector<16xf32>
    %swap3A_22 = vector.shape_cast %broadcast_in_dim3A_18 : vector<16xf32> to vector<16xf32>
    tpu.vector_store %arg6[%swap3A_19], %swap3A_22 {strides = array<i32>} : memref<80xf32, #tpu.memory_space<vmem>>, vector<16xf32>,
    %broadcast_in_dim3A_23 = arith.constant 1.000000e+00 : f32
    %broadcast_in_dim3A_24 = vector.broadcast %broadcast_in_dim3A_23 : f32 to vector<16xf32>
    %swap3A_25 = arith.constant 64 : index
    %swap3A_26 = tpu.vector_load %arg6[%swap3A_25] {strides = array<i32>} : memref<80xf32, #tpu.memory_space<vmem>>, vector<16xf32>,
    %swap3A_27 = vector.shape_cast %swap3A_26 : vector<16xf32> to vector<16xf32>
    %swap3A_28 = vector.shape_cast %broadcast_in_dim3A_24 : vector<16xf32> to vector<16xf32>
    tpu.vector_store %arg6[%swap3A_25], %swap3A_28 {strides = array<i32>} : memref<80xf32, #tpu.memory_space<vmem>>, vector<16xf32>,
    %scan3A = arith.constant 0 : i32
    %scan3A_29 = arith.constant 0 : i32
    %scan3A_30 = arith.constant 40 : i32
    %scan3A_31 = arith.addi %scan3A_29, %scan3A_30 : i32
    %scan3A_32 = arith.constant 1 : i32
    %scan3A_33 = scf.for %scan3A_107 = %scan3A_29 to %scan3A_31 step %scan3A_32 iter_args(%scan3A_108 = %scan3A) -> (i32)  : i32 {
      %broadcast_in_dim3A_109 = arith.constant 0.000000e+00 : f32
      %broadcast_in_dim3A_110 = vector.broadcast %broadcast_in_dim3A_109 : f32 to vector<16xf32>
      %mul3A_111 = arith.constant 16 : i32
      %mul3A_112 = arith.muli %scan3A_107, %mul3A_111 : i32
      %swap3A_113 = arith.index_cast %mul3A_112 : i32 to index
      %swap3A_114 = tpu.vector_load %arg7[%swap3A_113] {strides = array<i32>} : memref<640xf32, #tpu.memory_space<vmem>>, vector<16xf32>,
      %swap3A_115 = vector.shape_cast %swap3A_114 : vector<16xf32> to vector<16xf32>
      %swap3A_116 = vector.shape_cast %broadcast_in_dim3A_110 : vector<16xf32> to vector<16xf32>
      tpu.vector_store %arg7[%swap3A_113], %swap3A_116 {strides = array<i32>} : memref<640xf32, #tpu.memory_space<vmem>>, vector<16xf32>,
      %scan3A_117 = arith.constant 0 : i32
      scf.yield %scan3A_117 : i32
    }
    %scan3A_34 = arith.constant 40 : i32
    %mul3A_35 = arith.constant 640 : i32
    %mul3A_36 = arith.muli %arg1, %mul3A_35 : i32
    "tpu.region"() ({
      %run_scoped3A = tpu.sem_alloc : memref<!tpu.dma_semaphore, #tpu.memory_space<semaphore_mem>>
      %dma_start3A_107 = tpu.memref_slice %arg4[%mul3A_36] : memref<10240xf32, #tpu.memory_space<vmem_shared>> -> memref<640xf32, #tpu.memory_space<vmem_shared>>
      %dma_start3A_108 = tpu.memref_slice %arg4[%mul3A_36] : memref<10240xf32, #tpu.memory_space<vmem_shared>> -> memref<640xf32, #tpu.memory_space<vmem_shared>>
      tpu.enqueue_dma source(%arg7 : memref<640xf32, #tpu.memory_space<vmem>>) target(%dma_start3A_108 : memref<640xf32, #tpu.memory_space<vmem_shared>>) target_semaphore(%run_scoped3A : memref<!tpu.dma_semaphore, #tpu.memory_space<semaphore_mem>>)
      %dma_wait3A_109 = tpu.memref_slice %arg4[%mul3A_36] : memref<10240xf32, #tpu.memory_space<vmem_shared>> -> memref<640xf32, #tpu.memory_space<vmem_shared>>
      %dma_wait3A_110 = tpu.memref_slice %arg4[%mul3A_36] : memref<10240xf32, #tpu.memory_space<vmem_shared>> -> memref<640xf32, #tpu.memory_space<vmem_shared>>
      tpu.wait_dma2 semaphore(%run_scoped3A : memref<!tpu.dma_semaphore, #tpu.memory_space<semaphore_mem>>) src(%arg7 : memref<640xf32, #tpu.memory_space<vmem>>) dst(%dma_wait3A_110 : memref<640xf32, #tpu.memory_space<vmem_shared>>)
      tpu.yield
    }) : () -> ()
    "tpu.region"() ({
      %run_scoped3A = tpu.sem_alloc : memref<!tpu.dma_semaphore, #tpu.memory_space<semaphore_mem>>
      %dma_start3A_107 = arith.constant 0 : i32
      %dma_start3A_108 = arith.constant 0 : i32
      %dma_start3A_109 = tpu.memref_slice %arg2[%add3A, %dma_start3A_107, %dma_start3A_108] : memref<32x125x80xi32, #tpu.memory_space<hbm>> -> memref<1x125x80xi32, #tpu.memory_space<hbm>>
      %dma_start3A_110 = tpu.memref_squeeze %dma_start3A_109 : memref<1x125x80xi32, #tpu.memory_space<hbm>> -> memref<125x80xi32, #tpu.memory_space<hbm>>
      %dma_start3A_111 = arith.constant 0 : i32
      %dma_start3A_112 = arith.constant 0 : i32
      %dma_start3A_113 = tpu.memref_slice %arg2[%add3A, %dma_start3A_111, %dma_start3A_112] : memref<32x125x80xi32, #tpu.memory_space<hbm>> -> memref<1x125x80xi32, #tpu.memory_space<hbm>>
      %dma_start3A_114 = tpu.memref_squeeze %dma_start3A_113 : memref<1x125x80xi32, #tpu.memory_space<hbm>> -> memref<125x80xi32, #tpu.memory_space<hbm>>
      tpu.enqueue_dma source(%dma_start3A_114 : memref<125x80xi32, #tpu.memory_space<hbm>>) target(%arg5 : memref<125x80xi32, #tpu.memory_space<vmem>>) target_semaphore(%run_scoped3A : memref<!tpu.dma_semaphore, #tpu.memory_space<semaphore_mem>>)
      %dma_wait3A_115 = arith.constant 0 : i32
      %dma_wait3A_116 = arith.constant 0 : i32
      %dma_wait3A_117 = tpu.memref_slice %arg2[%add3A, %dma_wait3A_115, %dma_wait3A_116] : memref<32x125x80xi32, #tpu.memory_space<hbm>> -> memref<1x125x80xi32, #tpu.memory_space<hbm>>
      %dma_wait3A_118 = tpu.memref_squeeze %dma_wait3A_117 : memref<1x125x80xi32, #tpu.memory_space<hbm>> -> memref<125x80xi32, #tpu.memory_space<hbm>>
      %dma_wait3A_119 = arith.constant 0 : i32
      %dma_wait3A_120 = arith.constant 0 : i32
      %dma_wait3A_121 = tpu.memref_slice %arg2[%add3A, %dma_wait3A_119, %dma_wait3A_120] : memref<32x125x80xi32, #tpu.memory_space<hbm>> -> memref<1x125x80xi32, #tpu.memory_space<hbm>>
      %dma_wait3A_122 = tpu.memref_squeeze %dma_wait3A_121 : memref<1x125x80xi32, #tpu.memory_space<hbm>> -> memref<125x80xi32, #tpu.memory_space<hbm>>
      tpu.wait_dma2 semaphore(%run_scoped3A : memref<!tpu.dma_semaphore, #tpu.memory_space<semaphore_mem>>) src(%dma_wait3A_122 : memref<125x80xi32, #tpu.memory_space<hbm>>) dst(%arg5 : memref<125x80xi32, #tpu.memory_space<vmem>>)
      tpu.yield
    }) : () -> ()
    %barrier3A = arith.constant 0 : index
    tpu.barrier barrier_id(%barrier3A)
    %dma_start3A = arith.constant 0 : i32
    %dma_start3A_37 = arith.constant 0 : i32
    %dma_start3A_38 = tpu.memref_slice %arg5[%dma_start3A, %dma_start3A_37] : memref<125x80xi32, #tpu.memory_space<vmem>> -> memref<1x80xi32, #tpu.memory_space<vmem>>
    %dma_start3A_39 = tpu.memref_squeeze %dma_start3A_38 : memref<1x80xi32, #tpu.memory_space<vmem>> -> memref<80xi32, #tpu.memory_space<vmem>>
    %dma_start3A_40 = arith.constant 0 : i32
    %dma_start3A_41 = tpu.memref_slice %arg4[%dma_start3A_40] : memref<10240xf32, #tpu.memory_space<vmem_shared>> -> memref<10240xf32, #tpu.memory_space<vmem_shared>>
    tpu.enqueue_indirect_dma source(%arg6 : memref<80xf32, #tpu.memory_space<vmem>>) target(%dma_start3A_41 : memref<10240xf32, #tpu.memory_space<vmem_shared>>) offsets(%dma_start3A_39 : memref<80xi32, #tpu.memory_space<vmem>>) semaphore(%arg8 : memref<!tpu.dma_semaphore, #tpu.memory_space<semaphore_mem>>) {add = true}
    %dma_start3A_42 = arith.constant 1 : i32
    %dma_start3A_43 = arith.constant 0 : i32
    %dma_start3A_44 = tpu.memref_slice %arg5[%dma_start3A_42, %dma_start3A_43] : memref<125x80xi32, #tpu.memory_space<vmem>> -> memref<1x80xi32, #tpu.memory_space<vmem>>
    %dma_start3A_45 = tpu.memref_squeeze %dma_start3A_44 : memref<1x80xi32, #tpu.memory_space<vmem>> -> memref<80xi32, #tpu.memory_space<vmem>>
    %dma_start3A_46 = arith.constant 0 : i32
    %dma_start3A_47 = tpu.memref_slice %arg4[%dma_start3A_46] : memref<10240xf32, #tpu.memory_space<vmem_shared>> -> memref<10240xf32, #tpu.memory_space<vmem_shared>>
    tpu.enqueue_indirect_dma source(%arg6 : memref<80xf32, #tpu.memory_space<vmem>>) target(%dma_start3A_47 : memref<10240xf32, #tpu.memory_space<vmem_shared>>) offsets(%dma_start3A_45 : memref<80xi32, #tpu.memory_space<vmem>>) semaphore(%arg9 : memref<!tpu.dma_semaphore, #tpu.memory_space<semaphore_mem>>) {add = true}
    %dma_start3A_48 = arith.constant 2 : i32
    %dma_start3A_49 = arith.constant 0 : i32
    %dma_start3A_50 = tpu.memref_slice %arg5[%dma_start3A_48, %dma_start3A_49] : memref<125x80xi32, #tpu.memory_space<vmem>> -> memref<1x80xi32, #tpu.memory_space<vmem>>
    %dma_start3A_51 = tpu.memref_squeeze %dma_start3A_50 : memref<1x80xi32, #tpu.memory_space<vmem>> -> memref<80xi32, #tpu.memory_space<vmem>>
    %dma_start3A_52 = arith.constant 0 : i32
    %dma_start3A_53 = tpu.memref_slice %arg4[%dma_start3A_52] : memref<10240xf32, #tpu.memory_space<vmem_shared>> -> memref<10240xf32, #tpu.memory_space<vmem_shared>>
    tpu.enqueue_indirect_dma source(%arg6 : memref<80xf32, #tpu.memory_space<vmem>>) target(%dma_start3A_53 : memref<10240xf32, #tpu.memory_space<vmem_shared>>) offsets(%dma_start3A_51 : memref<80xi32, #tpu.memory_space<vmem>>) semaphore(%arg10 : memref<!tpu.dma_semaphore, #tpu.memory_space<semaphore_mem>>) {add = true}
    %dma_start3A_54 = arith.constant 3 : i32
    %dma_start3A_55 = arith.constant 0 : i32
    %dma_start3A_56 = tpu.memref_slice %arg5[%dma_start3A_54, %dma_start3A_55] : memref<125x80xi32, #tpu.memory_space<vmem>> -> memref<1x80xi32, #tpu.memory_space<vmem>>
    %dma_start3A_57 = tpu.memref_squeeze %dma_start3A_56 : memref<1x80xi32, #tpu.memory_space<vmem>> -> memref<80xi32, #tpu.memory_space<vmem>>
    %dma_start3A_58 = arith.constant 0 : i32
    %dma_start3A_59 = tpu.memref_slice %arg4[%dma_start3A_58] : memref<10240xf32, #tpu.memory_space<vmem_shared>> -> memref<10240xf32, #tpu.memory_space<vmem_shared>>
    tpu.enqueue_indirect_dma source(%arg6 : memref<80xf32, #tpu.memory_space<vmem>>) target(%dma_start3A_59 : memref<10240xf32, #tpu.memory_space<vmem_shared>>) offsets(%dma_start3A_57 : memref<80xi32, #tpu.memory_space<vmem>>) semaphore(%arg11 : memref<!tpu.dma_semaphore, #tpu.memory_space<semaphore_mem>>) {add = true}
    %scan3A_60 = arith.constant 0 : i32
    %scan3A_61 = arith.constant 0 : i32
    %scan3A_62 = arith.constant 30 : i32
    %scan3A_63 = arith.addi %scan3A_61, %scan3A_62 : i32
    %scan3A_64 = arith.constant 1 : i32
    %scan3A_65 = scf.for %scan3A_107 = %scan3A_61 to %scan3A_63 step %scan3A_64 iter_args(%scan3A_108 = %scan3A_60) -> (i32)  : i32 {
      %mul3A_109 = arith.constant 4 : i32
      %mul3A_110 = arith.muli %mul3A_109, %scan3A_107 : i32
      %add3A_111 = arith.constant 0 : i32
      %add3A_112 = arith.addi %mul3A_110, %add3A_111 : i32
      %dma_wait3A_113 = arith.constant 0 : i32
      %dma_wait3A_114 = tpu.memref_slice %arg5[%add3A_112, %dma_wait3A_113] : memref<125x80xi32, #tpu.memory_space<vmem>> -> memref<1x80xi32, #tpu.memory_space<vmem>>
      %dma_wait3A_115 = tpu.memref_squeeze %dma_wait3A_114 : memref<1x80xi32, #tpu.memory_space<vmem>> -> memref<80xi32, #tpu.memory_space<vmem>>
      %dma_wait3A_116 = arith.constant 0 : i32
      %dma_wait3A_117 = tpu.memref_slice %arg4[%dma_wait3A_116] : memref<10240xf32, #tpu.memory_space<vmem_shared>> -> memref<10240xf32, #tpu.memory_space<vmem_shared>>
      tpu.wait_indirect_dma semaphore(%arg8 : memref<!tpu.dma_semaphore, #tpu.memory_space<semaphore_mem>>) src(%arg6 : memref<80xf32, #tpu.memory_space<vmem>>) dst(%dma_wait3A_117 : memref<10240xf32, #tpu.memory_space<vmem_shared>>)
      %add3A_118 = arith.constant 1 : i32
      %add3A_119 = arith.addi %scan3A_107, %add3A_118 : i32
      %mul3A_120 = arith.constant 4 : i32
      %mul3A_121 = arith.muli %mul3A_120, %add3A_119 : i32
      %add3A_122 = arith.constant 0 : i32
      %add3A_123 = arith.addi %mul3A_121, %add3A_122 : i32
      %dma_start3A_124 = arith.constant 0 : i32
      %dma_start3A_125 = tpu.memref_slice %arg5[%add3A_123, %dma_start3A_124] : memref<125x80xi32, #tpu.memory_space<vmem>> -> memref<1x80xi32, #tpu.memory_space<vmem>>
      %dma_start3A_126 = tpu.memref_squeeze %dma_start3A_125 : memref<1x80xi32, #tpu.memory_space<vmem>> -> memref<80xi32, #tpu.memory_space<vmem>>
      %dma_start3A_127 = arith.constant 0 : i32
      %dma_start3A_128 = tpu.memref_slice %arg4[%dma_start3A_127] : memref<10240xf32, #tpu.memory_space<vmem_shared>> -> memref<10240xf32, #tpu.memory_space<vmem_shared>>
      tpu.enqueue_indirect_dma source(%arg6 : memref<80xf32, #tpu.memory_space<vmem>>) target(%dma_start3A_128 : memref<10240xf32, #tpu.memory_space<vmem_shared>>) offsets(%dma_start3A_126 : memref<80xi32, #tpu.memory_space<vmem>>) semaphore(%arg8 : memref<!tpu.dma_semaphore, #tpu.memory_space<semaphore_mem>>) {add = true}
      %mul3A_129 = arith.constant 4 : i32
      %mul3A_130 = arith.muli %mul3A_129, %scan3A_107 : i32
      %add3A_131 = arith.constant 1 : i32
      %add3A_132 = arith.addi %mul3A_130, %add3A_131 : i32
      %dma_wait3A_133 = arith.constant 0 : i32
      %dma_wait3A_134 = tpu.memref_slice %arg5[%add3A_132, %dma_wait3A_133] : memref<125x80xi32, #tpu.memory_space<vmem>> -> memref<1x80xi32, #tpu.memory_space<vmem>>
      %dma_wait3A_135 = tpu.memref_squeeze %dma_wait3A_134 : memref<1x80xi32, #tpu.memory_space<vmem>> -> memref<80xi32, #tpu.memory_space<vmem>>
      %dma_wait3A_136 = arith.constant 0 : i32
      %dma_wait3A_137 = tpu.memref_slice %arg4[%dma_wait3A_136] : memref<10240xf32, #tpu.memory_space<vmem_shared>> -> memref<10240xf32, #tpu.memory_space<vmem_shared>>
      tpu.wait_indirect_dma semaphore(%arg9 : memref<!tpu.dma_semaphore, #tpu.memory_space<semaphore_mem>>) src(%arg6 : memref<80xf32, #tpu.memory_space<vmem>>) dst(%dma_wait3A_137 : memref<10240xf32, #tpu.memory_space<vmem_shared>>)
      %add3A_138 = arith.constant 1 : i32
      %add3A_139 = arith.addi %scan3A_107, %add3A_138 : i32
      %mul3A_140 = arith.constant 4 : i32
      %mul3A_141 = arith.muli %mul3A_140, %add3A_139 : i32
      %add3A_142 = arith.constant 1 : i32
      %add3A_143 = arith.addi %mul3A_141, %add3A_142 : i32
      %dma_start3A_144 = arith.constant 0 : i32
      %dma_start3A_145 = tpu.memref_slice %arg5[%add3A_143, %dma_start3A_144] : memref<125x80xi32, #tpu.memory_space<vmem>> -> memref<1x80xi32, #tpu.memory_space<vmem>>
      %dma_start3A_146 = tpu.memref_squeeze %dma_start3A_145 : memref<1x80xi32, #tpu.memory_space<vmem>> -> memref<80xi32, #tpu.memory_space<vmem>>
      %dma_start3A_147 = arith.constant 0 : i32
      %dma_start3A_148 = tpu.memref_slice %arg4[%dma_start3A_147] : memref<10240xf32, #tpu.memory_space<vmem_shared>> -> memref<10240xf32, #tpu.memory_space<vmem_shared>>
      tpu.enqueue_indirect_dma source(%arg6 : memref<80xf32, #tpu.memory_space<vmem>>) target(%dma_start3A_148 : memref<10240xf32, #tpu.memory_space<vmem_shared>>) offsets(%dma_start3A_146 : memref<80xi32, #tpu.memory_space<vmem>>) semaphore(%arg9 : memref<!tpu.dma_semaphore, #tpu.memory_space<semaphore_mem>>) {add = true}
      %mul3A_149 = arith.constant 4 : i32
      %mul3A_150 = arith.muli %mul3A_149, %scan3A_107 : i32
      %add3A_151 = arith.constant 2 : i32
      %add3A_152 = arith.addi %mul3A_150, %add3A_151 : i32
      %dma_wait3A_153 = arith.constant 0 : i32
      %dma_wait3A_154 = tpu.memref_slice %arg5[%add3A_152, %dma_wait3A_153] : memref<125x80xi32, #tpu.memory_space<vmem>> -> memref<1x80xi32, #tpu.memory_space<vmem>>
      %dma_wait3A_155 = tpu.memref_squeeze %dma_wait3A_154 : memref<1x80xi32, #tpu.memory_space<vmem>> -> memref<80xi32, #tpu.memory_space<vmem>>
      %dma_wait3A_156 = arith.constant 0 : i32
      %dma_wait3A_157 = tpu.memref_slice %arg4[%dma_wait3A_156] : memref<10240xf32, #tpu.memory_space<vmem_shared>> -> memref<10240xf32, #tpu.memory_space<vmem_shared>>
      tpu.wait_indirect_dma semaphore(%arg10 : memref<!tpu.dma_semaphore, #tpu.memory_space<semaphore_mem>>) src(%arg6 : memref<80xf32, #tpu.memory_space<vmem>>) dst(%dma_wait3A_157 : memref<10240xf32, #tpu.memory_space<vmem_shared>>)
      %add3A_158 = arith.constant 1 : i32
      %add3A_159 = arith.addi %scan3A_107, %add3A_158 : i32
      %mul3A_160 = arith.constant 4 : i32
      %mul3A_161 = arith.muli %mul3A_160, %add3A_159 : i32
      %add3A_162 = arith.constant 2 : i32
      %add3A_163 = arith.addi %mul3A_161, %add3A_162 : i32
      %dma_start3A_164 = arith.constant 0 : i32
      %dma_start3A_165 = tpu.memref_slice %arg5[%add3A_163, %dma_start3A_164] : memref<125x80xi32, #tpu.memory_space<vmem>> -> memref<1x80xi32, #tpu.memory_space<vmem>>
      %dma_start3A_166 = tpu.memref_squeeze %dma_start3A_165 : memref<1x80xi32, #tpu.memory_space<vmem>> -> memref<80xi32, #tpu.memory_space<vmem>>
      %dma_start3A_167 = arith.constant 0 : i32
      %dma_start3A_168 = tpu.memref_slice %arg4[%dma_start3A_167] : memref<10240xf32, #tpu.memory_space<vmem_shared>> -> memref<10240xf32, #tpu.memory_space<vmem_shared>>
      tpu.enqueue_indirect_dma source(%arg6 : memref<80xf32, #tpu.memory_space<vmem>>) target(%dma_start3A_168 : memref<10240xf32, #tpu.memory_space<vmem_shared>>) offsets(%dma_start3A_166 : memref<80xi32, #tpu.memory_space<vmem>>) semaphore(%arg10 : memref<!tpu.dma_semaphore, #tpu.memory_space<semaphore_mem>>) {add = true}
      %mul3A_169 = arith.constant 4 : i32
      %mul3A_170 = arith.muli %mul3A_169, %scan3A_107 : i32
      %add3A_171 = arith.constant 3 : i32
      %add3A_172 = arith.addi %mul3A_170, %add3A_171 : i32
      %dma_wait3A_173 = arith.constant 0 : i32
      %dma_wait3A_174 = tpu.memref_slice %arg5[%add3A_172, %dma_wait3A_173] : memref<125x80xi32, #tpu.memory_space<vmem>> -> memref<1x80xi32, #tpu.memory_space<vmem>>
      %dma_wait3A_175 = tpu.memref_squeeze %dma_wait3A_174 : memref<1x80xi32, #tpu.memory_space<vmem>> -> memref<80xi32, #tpu.memory_space<vmem>>
      %dma_wait3A_176 = arith.constant 0 : i32
      %dma_wait3A_177 = tpu.memref_slice %arg4[%dma_wait3A_176] : memref<10240xf32, #tpu.memory_space<vmem_shared>> -> memref<10240xf32, #tpu.memory_space<vmem_shared>>
      tpu.wait_indirect_dma semaphore(%arg11 : memref<!tpu.dma_semaphore, #tpu.memory_space<semaphore_mem>>) src(%arg6 : memref<80xf32, #tpu.memory_space<vmem>>) dst(%dma_wait3A_177 : memref<10240xf32, #tpu.memory_space<vmem_shared>>)
      %add3A_178 = arith.constant 1 : i32
      %add3A_179 = arith.addi %scan3A_107, %add3A_178 : i32
      %mul3A_180 = arith.constant 4 : i32
      %mul3A_181 = arith.muli %mul3A_180, %add3A_179 : i32
      %add3A_182 = arith.constant 3 : i32
      %add3A_183 = arith.addi %mul3A_181, %add3A_182 : i32
      %dma_start3A_184 = arith.constant 0 : i32
      %dma_start3A_185 = tpu.memref_slice %arg5[%add3A_183, %dma_start3A_184] : memref<125x80xi32, #tpu.memory_space<vmem>> -> memref<1x80xi32, #tpu.memory_space<vmem>>
      %dma_start3A_186 = tpu.memref_squeeze %dma_start3A_185 : memref<1x80xi32, #tpu.memory_space<vmem>> -> memref<80xi32, #tpu.memory_space<vmem>>
      %dma_start3A_187 = arith.constant 0 : i32
      %dma_start3A_188 = tpu.memref_slice %arg4[%dma_start3A_187] : memref<10240xf32, #tpu.memory_space<vmem_shared>> -> memref<10240xf32, #tpu.memory_space<vmem_shared>>
      tpu.enqueue_indirect_dma source(%arg6 : memref<80xf32, #tpu.memory_space<vmem>>) target(%dma_start3A_188 : memref<10240xf32, #tpu.memory_space<vmem_shared>>) offsets(%dma_start3A_186 : memref<80xi32, #tpu.memory_space<vmem>>) semaphore(%arg11 : memref<!tpu.dma_semaphore, #tpu.memory_space<semaphore_mem>>) {add = true}
      %scan3A_189 = arith.constant 0 : i32
      scf.yield %scan3A_189 : i32
    }
    %scan3A_66 = arith.constant 30 : i32
    %dma_wait3A = arith.constant 124 : i32
    %dma_wait3A_67 = arith.constant 0 : i32
    %dma_wait3A_68 = tpu.memref_slice %arg5[%dma_wait3A, %dma_wait3A_67] : memref<125x80xi32, #tpu.memory_space<vmem>> -> memref<1x80xi32, #tpu.memory_space<vmem>>
    %dma_wait3A_69 = tpu.memref_squeeze %dma_wait3A_68 : memref<1x80xi32, #tpu.memory_space<vmem>> -> memref<80xi32, #tpu.memory_space<vmem>>
    %dma_wait3A_70 = arith.constant 0 : i32
    %dma_wait3A_71 = tpu.memref_slice %arg4[%dma_wait3A_70] : memref<10240xf32, #tpu.memory_space<vmem_shared>> -> memref<10240xf32, #tpu.memory_space<vmem_shared>>
    tpu.wait_indirect_dma semaphore(%arg8 : memref<!tpu.dma_semaphore, #tpu.memory_space<semaphore_mem>>) src(%arg6 : memref<80xf32, #tpu.memory_space<vmem>>) dst(%dma_wait3A_71 : memref<10240xf32, #tpu.memory_space<vmem_shared>>)
    %dma_start3A_72 = arith.constant 124 : i32
    %dma_start3A_73 = arith.constant 0 : i32
    %dma_start3A_74 = tpu.memref_slice %arg5[%dma_start3A_72, %dma_start3A_73] : memref<125x80xi32, #tpu.memory_space<vmem>> -> memref<1x80xi32, #tpu.memory_space<vmem>>
    %dma_start3A_75 = tpu.memref_squeeze %dma_start3A_74 : memref<1x80xi32, #tpu.memory_space<vmem>> -> memref<80xi32, #tpu.memory_space<vmem>>
    %dma_start3A_76 = arith.constant 0 : i32
    %dma_start3A_77 = tpu.memref_slice %arg4[%dma_start3A_76] : memref<10240xf32, #tpu.memory_space<vmem_shared>> -> memref<10240xf32, #tpu.memory_space<vmem_shared>>
    tpu.enqueue_indirect_dma source(%arg6 : memref<80xf32, #tpu.memory_space<vmem>>) target(%dma_start3A_77 : memref<10240xf32, #tpu.memory_space<vmem_shared>>) offsets(%dma_start3A_75 : memref<80xi32, #tpu.memory_space<vmem>>) semaphore(%arg8 : memref<!tpu.dma_semaphore, #tpu.memory_space<semaphore_mem>>) {add = true}
    %dma_wait3A_78 = arith.constant 0 : i32
    %dma_wait3A_79 = arith.constant 0 : i32
    %dma_wait3A_80 = tpu.memref_slice %arg5[%dma_wait3A_78, %dma_wait3A_79] : memref<125x80xi32, #tpu.memory_space<vmem>> -> memref<1x80xi32, #tpu.memory_space<vmem>>
    %dma_wait3A_81 = tpu.memref_squeeze %dma_wait3A_80 : memref<1x80xi32, #tpu.memory_space<vmem>> -> memref<80xi32, #tpu.memory_space<vmem>>
    %dma_wait3A_82 = arith.constant 0 : i32
    %dma_wait3A_83 = tpu.memref_slice %arg4[%dma_wait3A_82] : memref<10240xf32, #tpu.memory_space<vmem_shared>> -> memref<10240xf32, #tpu.memory_space<vmem_shared>>
    tpu.wait_indirect_dma semaphore(%arg8 : memref<!tpu.dma_semaphore, #tpu.memory_space<semaphore_mem>>) src(%arg6 : memref<80xf32, #tpu.memory_space<vmem>>) dst(%dma_wait3A_83 : memref<10240xf32, #tpu.memory_space<vmem_shared>>)
    %dma_wait3A_84 = arith.constant 0 : i32
    %dma_wait3A_85 = arith.constant 0 : i32
    %dma_wait3A_86 = tpu.memref_slice %arg5[%dma_wait3A_84, %dma_wait3A_85] : memref<125x80xi32, #tpu.memory_space<vmem>> -> memref<1x80xi32, #tpu.memory_space<vmem>>
    %dma_wait3A_87 = tpu.memref_squeeze %dma_wait3A_86 : memref<1x80xi32, #tpu.memory_space<vmem>> -> memref<80xi32, #tpu.memory_space<vmem>>
    %dma_wait3A_88 = arith.constant 0 : i32
    %dma_wait3A_89 = tpu.memref_slice %arg4[%dma_wait3A_88] : memref<10240xf32, #tpu.memory_space<vmem_shared>> -> memref<10240xf32, #tpu.memory_space<vmem_shared>>
    tpu.wait_indirect_dma semaphore(%arg9 : memref<!tpu.dma_semaphore, #tpu.memory_space<semaphore_mem>>) src(%arg6 : memref<80xf32, #tpu.memory_space<vmem>>) dst(%dma_wait3A_89 : memref<10240xf32, #tpu.memory_space<vmem_shared>>)
    %dma_wait3A_90 = arith.constant 0 : i32
    %dma_wait3A_91 = arith.constant 0 : i32
    %dma_wait3A_92 = tpu.memref_slice %arg5[%dma_wait3A_90, %dma_wait3A_91] : memref<125x80xi32, #tpu.memory_space<vmem>> -> memref<1x80xi32, #tpu.memory_space<vmem>>
    %dma_wait3A_93 = tpu.memref_squeeze %dma_wait3A_92 : memref<1x80xi32, #tpu.memory_space<vmem>> -> memref<80xi32, #tpu.memory_space<vmem>>
    %dma_wait3A_94 = arith.constant 0 : i32
    %dma_wait3A_95 = tpu.memref_slice %arg4[%dma_wait3A_94] : memref<10240xf32, #tpu.memory_space<vmem_shared>> -> memref<10240xf32, #tpu.memory_space<vmem_shared>>
    tpu.wait_indirect_dma semaphore(%arg10 : memref<!tpu.dma_semaphore, #tpu.memory_space<semaphore_mem>>) src(%arg6 : memref<80xf32, #tpu.memory_space<vmem>>) dst(%dma_wait3A_95 : memref<10240xf32, #tpu.memory_space<vmem_shared>>)
    %dma_wait3A_96 = arith.constant 0 : i32
    %dma_wait3A_97 = arith.constant 0 : i32
    %dma_wait3A_98 = tpu.memref_slice %arg5[%dma_wait3A_96, %dma_wait3A_97] : memref<125x80xi32, #tpu.memory_space<vmem>> -> memref<1x80xi32, #tpu.memory_space<vmem>>
    %dma_wait3A_99 = tpu.memref_squeeze %dma_wait3A_98 : memref<1x80xi32, #tpu.memory_space<vmem>> -> memref<80xi32, #tpu.memory_space<vmem>>
    %dma_wait3A_100 = arith.constant 0 : i32
    %dma_wait3A_101 = tpu.memref_slice %arg4[%dma_wait3A_100] : memref<10240xf32, #tpu.memory_space<vmem_shared>> -> memref<10240xf32, #tpu.memory_space<vmem_shared>>
    tpu.wait_indirect_dma semaphore(%arg11 : memref<!tpu.dma_semaphore, #tpu.memory_space<semaphore_mem>>) src(%arg6 : memref<80xf32, #tpu.memory_space<vmem>>) dst(%dma_wait3A_101 : memref<10240xf32, #tpu.memory_space<vmem_shared>>)
    %barrier3A_102 = arith.constant 0 : index
    tpu.barrier barrier_id(%barrier3A_102)
    %mul3A_103 = arith.constant 640 : i32
    %mul3A_104 = arith.muli %arg1, %mul3A_103 : i32
    %mul3A_105 = arith.constant 640 : i32
    %mul3A_106 = arith.muli %arg1, %mul3A_105 : i32
    "tpu.region"() ({
      %run_scoped3A = tpu.sem_alloc : memref<!tpu.dma_semaphore, #tpu.memory_space<semaphore_mem>>
      %dma_start3A_107 = tpu.memref_slice %arg3[%arg0, %mul3A_106] : memref<2x10240xf32, #tpu.memory_space<hbm>> -> memref<1x640xf32, #tpu.memory_space<hbm>>
      %dma_start3A_108 = tpu.memref_squeeze %dma_start3A_107 : memref<1x640xf32, #tpu.memory_space<hbm>> -> memref<640xf32, #tpu.memory_space<hbm>>
      %dma_start3A_109 = tpu.memref_slice %arg4[%mul3A_104] : memref<10240xf32, #tpu.memory_space<vmem_shared>> -> memref<640xf32, #tpu.memory_space<vmem_shared>>
      tpu.enqueue_dma source(%dma_start3A_109 : memref<640xf32, #tpu.memory_space<vmem_shared>>) target(%dma_start3A_108 : memref<640xf32, #tpu.memory_space<hbm>>) target_semaphore(%run_scoped3A : memref<!tpu.dma_semaphore, #tpu.memory_space<semaphore_mem>>)
      %dma_wait3A_110 = tpu.memref_slice %arg3[%arg0, %mul3A_106] : memref<2x10240xf32, #tpu.memory_space<hbm>> -> memref<1x640xf32, #tpu.memory_space<hbm>>
      %dma_wait3A_111 = tpu.memref_squeeze %dma_wait3A_110 : memref<1x640xf32, #tpu.memory_space<hbm>> -> memref<640xf32, #tpu.memory_space<hbm>>
      %dma_wait3A_112 = tpu.memref_slice %arg4[%mul3A_104] : memref<10240xf32, #tpu.memory_space<vmem_shared>> -> memref<640xf32, #tpu.memory_space<vmem_shared>>
      tpu.wait_dma2 semaphore(%run_scoped3A : memref<!tpu.dma_semaphore, #tpu.memory_space<semaphore_mem>>) src(%dma_wait3A_112 : memref<640xf32, #tpu.memory_space<vmem_shared>>) dst(%dma_wait3A_111 : memref<640xf32, #tpu.memory_space<hbm>>)
      tpu.yield
    }) : () -> ()
    return
  }
}

#map = affine_map<(d0, d1) -> (0, 0, 0)>
module attributes {stable_mosaic.version = 14 : i64} {
  func.func @k(%arg0: i32, %arg1: i32, %arg2: memref<2x10000x64xf32, #tpu.memory_space<hbm>>, %arg3: memref<16x200x100xi32, #tpu.memory_space<hbm>>, %arg4: memref<16x200x100xi32, #tpu.memory_space<hbm>>, %arg5: memref<2x10000x64xf32, #tpu.memory_space<hbm>>, %arg6: memref<10000x64xf32, #tpu.memory_space<vmem_shared>>, %arg7: memref<200x100xi32, #tpu.memory_space<vmem>>, %arg8: memref<200x100xi32, #tpu.memory_space<vmem>>, %arg9: memref<48x64xf32, #tpu.memory_space<vmem>>, %arg10: memref<100x64xf32, #tpu.memory_space<vmem>>, %arg11: memref<100x64xf32, #tpu.memory_space<vmem>>, %arg12: memref<100x64xf32, #tpu.memory_space<vmem>>, %arg13: memref<100x64xf32, #tpu.memory_space<vmem>>, %arg14: memref<!tpu.dma_semaphore, #tpu.memory_space<semaphore_mem>>, %arg15: memref<!tpu.dma_semaphore, #tpu.memory_space<semaphore_mem>>, %arg16: memref<!tpu.dma_semaphore, #tpu.memory_space<semaphore_mem>>, %arg17: memref<!tpu.dma_semaphore, #tpu.memory_space<semaphore_mem>>, %arg18: memref<!tpu.dma_semaphore, #tpu.memory_space<semaphore_mem>>, %arg19: memref<!tpu.dma_semaphore, #tpu.memory_space<semaphore_mem>>, %arg20: memref<!tpu.dma_semaphore, #tpu.memory_space<semaphore_mem>>, %arg21: memref<!tpu.dma_semaphore, #tpu.memory_space<semaphore_mem>>, %arg22: memref<!tpu.dma_semaphore, #tpu.memory_space<semaphore_mem>>) attributes {dimension_semantics = [#tpu.dimension_semantics<core_parallel>, #tpu.dimension_semantics<subcore_parallel>], iteration_bounds = array<i64: 2, 16>, scalar_prefetch = 0 : i64, scratch_operands = 17 : i64, tpu.core_type = #tpu.core_type<sc_vector_subcore>, window_params = [{transform_indices = #map}, {transform_indices = #map}, {transform_indices = #map}, {transform_indices = #map}]} {
    %scan3A = arith.constant 0 : i32
    %scan3A_0 = arith.constant 0 : i32
    %scan3A_1 = arith.constant 48 : i32
    %scan3A_2 = arith.addi %scan3A_0, %scan3A_1 : i32
    %scan3A_3 = arith.constant 1 : i32
    %scan3A_4 = scf.for %scan3A_347 = %scan3A_0 to %scan3A_2 step %scan3A_3 iter_args(%scan3A_348 = %scan3A) -> (i32)  : i32 {
      %broadcast_in_dim3A = arith.constant 0.000000e+00 : f32
      %broadcast_in_dim3A_349 = vector.broadcast %broadcast_in_dim3A : f32 to vector<16xf32>
      %swap3A = arith.index_cast %scan3A_347 : i32 to index
      %swap3A_350 = arith.constant 0 : index
      %swap3A_351 = tpu.vector_load %arg9[%swap3A, %swap3A_350] {strides = array<i32>} : memref<48x64xf32, #tpu.memory_space<vmem>>, vector<1x16xf32>,
      %swap3A_352 = vector.shape_cast %swap3A_351 : vector<1x16xf32> to vector<16xf32>
      %swap3A_353 = vector.shape_cast %broadcast_in_dim3A_349 : vector<16xf32> to vector<1x16xf32>
      tpu.vector_store %arg9[%swap3A, %swap3A_350], %swap3A_353 {strides = array<i32>} : memref<48x64xf32, #tpu.memory_space<vmem>>, vector<1x16xf32>,
      %broadcast_in_dim3A_354 = arith.constant 0.000000e+00 : f32
      %broadcast_in_dim3A_355 = vector.broadcast %broadcast_in_dim3A_354 : f32 to vector<16xf32>
      %swap3A_356 = arith.index_cast %scan3A_347 : i32 to index
      %swap3A_357 = arith.constant 16 : index
      %swap3A_358 = tpu.vector_load %arg9[%swap3A_356, %swap3A_357] {strides = array<i32>} : memref<48x64xf32, #tpu.memory_space<vmem>>, vector<1x16xf32>,
      %swap3A_359 = vector.shape_cast %swap3A_358 : vector<1x16xf32> to vector<16xf32>
      %swap3A_360 = vector.shape_cast %broadcast_in_dim3A_355 : vector<16xf32> to vector<1x16xf32>
      tpu.vector_store %arg9[%swap3A_356, %swap3A_357], %swap3A_360 {strides = array<i32>} : memref<48x64xf32, #tpu.memory_space<vmem>>, vector<1x16xf32>,
      %broadcast_in_dim3A_361 = arith.constant 0.000000e+00 : f32
      %broadcast_in_dim3A_362 = vector.broadcast %broadcast_in_dim3A_361 : f32 to vector<16xf32>
      %swap3A_363 = arith.index_cast %scan3A_347 : i32 to index
      %swap3A_364 = arith.constant 32 : index
      %swap3A_365 = tpu.vector_load %arg9[%swap3A_363, %swap3A_364] {strides = array<i32>} : memref<48x64xf32, #tpu.memory_space<vmem>>, vector<1x16xf32>,
      %swap3A_366 = vector.shape_cast %swap3A_365 : vector<1x16xf32> to vector<16xf32>
      %swap3A_367 = vector.shape_cast %broadcast_in_dim3A_362 : vector<16xf32> to vector<1x16xf32>
      tpu.vector_store %arg9[%swap3A_363, %swap3A_364], %swap3A_367 {strides = array<i32>} : memref<48x64xf32, #tpu.memory_space<vmem>>, vector<1x16xf32>,
      %broadcast_in_dim3A_368 = arith.constant 0.000000e+00 : f32
      %broadcast_in_dim3A_369 = vector.broadcast %broadcast_in_dim3A_368 : f32 to vector<16xf32>
      %swap3A_370 = arith.index_cast %scan3A_347 : i32 to index
      %swap3A_371 = arith.constant 48 : index
      %swap3A_372 = tpu.vector_load %arg9[%swap3A_370, %swap3A_371] {strides = array<i32>} : memref<48x64xf32, #tpu.memory_space<vmem>>, vector<1x16xf32>,
      %swap3A_373 = vector.shape_cast %swap3A_372 : vector<1x16xf32> to vector<16xf32>
      %swap3A_374 = vector.shape_cast %broadcast_in_dim3A_369 : vector<16xf32> to vector<1x16xf32>
      tpu.vector_store %arg9[%swap3A_370, %swap3A_371], %swap3A_374 {strides = array<i32>} : memref<48x64xf32, #tpu.memory_space<vmem>>, vector<1x16xf32>,
      %scan3A_375 = arith.constant 0 : i32
      scf.yield %scan3A_375 : i32
    }
    %scan3A_5 = arith.constant 48 : i32
    %mul3A = arith.constant 624 : i32
    %mul3A_6 = arith.muli %arg1, %mul3A : i32
    %add3A = arith.constant 0 : i32
    %add3A_7 = arith.addi %mul3A_6, %add3A : i32
    %dma_start3A = arith.constant 0 : i32
    %dma_start3A_8 = tpu.memref_slice %arg6[%add3A_7, %dma_start3A] : memref<10000x64xf32, #tpu.memory_space<vmem_shared>> -> memref<48x64xf32, #tpu.memory_space<vmem_shared>>
    %dma_start3A_9 = arith.constant 0 : i32
    %dma_start3A_10 = tpu.memref_slice %arg6[%add3A_7, %dma_start3A_9] : memref<10000x64xf32, #tpu.memory_space<vmem_shared>> -> memref<48x64xf32, #tpu.memory_space<vmem_shared>>
    tpu.enqueue_dma source(%arg9 : memref<48x64xf32, #tpu.memory_space<vmem>>) target(%dma_start3A_10 : memref<48x64xf32, #tpu.memory_space<vmem_shared>>) target_semaphore(%arg22 : memref<!tpu.dma_semaphore, #tpu.memory_space<semaphore_mem>>)
    %mul3A_11 = arith.constant 624 : i32
    %mul3A_12 = arith.muli %arg1, %mul3A_11 : i32
    %add3A_13 = arith.constant 48 : i32
    %add3A_14 = arith.addi %mul3A_12, %add3A_13 : i32
    %dma_start3A_15 = arith.constant 0 : i32
    %dma_start3A_16 = tpu.memref_slice %arg6[%add3A_14, %dma_start3A_15] : memref<10000x64xf32, #tpu.memory_space<vmem_shared>> -> memref<48x64xf32, #tpu.memory_space<vmem_shared>>
    %dma_start3A_17 = arith.constant 0 : i32
    %dma_start3A_18 = tpu.memref_slice %arg6[%add3A_14, %dma_start3A_17] : memref<10000x64xf32, #tpu.memory_space<vmem_shared>> -> memref<48x64xf32, #tpu.memory_space<vmem_shared>>
    tpu.enqueue_dma source(%arg9 : memref<48x64xf32, #tpu.memory_space<vmem>>) target(%dma_start3A_18 : memref<48x64xf32, #tpu.memory_space<vmem_shared>>) target_semaphore(%arg22 : memref<!tpu.dma_semaphore, #tpu.memory_space<semaphore_mem>>)
    %mul3A_19 = arith.constant 624 : i32
    %mul3A_20 = arith.muli %arg1, %mul3A_19 : i32
    %add3A_21 = arith.constant 96 : i32
    %add3A_22 = arith.addi %mul3A_20, %add3A_21 : i32
    %dma_start3A_23 = arith.constant 0 : i32
    %dma_start3A_24 = tpu.memref_slice %arg6[%add3A_22, %dma_start3A_23] : memref<10000x64xf32, #tpu.memory_space<vmem_shared>> -> memref<48x64xf32, #tpu.memory_space<vmem_shared>>
    %dma_start3A_25 = arith.constant 0 : i32
    %dma_start3A_26 = tpu.memref_slice %arg6[%add3A_22, %dma_start3A_25] : memref<10000x64xf32, #tpu.memory_space<vmem_shared>> -> memref<48x64xf32, #tpu.memory_space<vmem_shared>>
    tpu.enqueue_dma source(%arg9 : memref<48x64xf32, #tpu.memory_space<vmem>>) target(%dma_start3A_26 : memref<48x64xf32, #tpu.memory_space<vmem_shared>>) target_semaphore(%arg22 : memref<!tpu.dma_semaphore, #tpu.memory_space<semaphore_mem>>)
    %mul3A_27 = arith.constant 624 : i32
    %mul3A_28 = arith.muli %arg1, %mul3A_27 : i32
    %add3A_29 = arith.constant 144 : i32
    %add3A_30 = arith.addi %mul3A_28, %add3A_29 : i32
    %dma_start3A_31 = arith.constant 0 : i32
    %dma_start3A_32 = tpu.memref_slice %arg6[%add3A_30, %dma_start3A_31] : memref<10000x64xf32, #tpu.memory_space<vmem_shared>> -> memref<48x64xf32, #tpu.memory_space<vmem_shared>>
    %dma_start3A_33 = arith.constant 0 : i32
    %dma_start3A_34 = tpu.memref_slice %arg6[%add3A_30, %dma_start3A_33] : memref<10000x64xf32, #tpu.memory_space<vmem_shared>> -> memref<48x64xf32, #tpu.memory_space<vmem_shared>>
    tpu.enqueue_dma source(%arg9 : memref<48x64xf32, #tpu.memory_space<vmem>>) target(%dma_start3A_34 : memref<48x64xf32, #tpu.memory_space<vmem_shared>>) target_semaphore(%arg22 : memref<!tpu.dma_semaphore, #tpu.memory_space<semaphore_mem>>)
    %mul3A_35 = arith.constant 624 : i32
    %mul3A_36 = arith.muli %arg1, %mul3A_35 : i32
    %add3A_37 = arith.constant 192 : i32
    %add3A_38 = arith.addi %mul3A_36, %add3A_37 : i32
    %dma_start3A_39 = arith.constant 0 : i32
    %dma_start3A_40 = tpu.memref_slice %arg6[%add3A_38, %dma_start3A_39] : memref<10000x64xf32, #tpu.memory_space<vmem_shared>> -> memref<48x64xf32, #tpu.memory_space<vmem_shared>>
    %dma_start3A_41 = arith.constant 0 : i32
    %dma_start3A_42 = tpu.memref_slice %arg6[%add3A_38, %dma_start3A_41] : memref<10000x64xf32, #tpu.memory_space<vmem_shared>> -> memref<48x64xf32, #tpu.memory_space<vmem_shared>>
    tpu.enqueue_dma source(%arg9 : memref<48x64xf32, #tpu.memory_space<vmem>>) target(%dma_start3A_42 : memref<48x64xf32, #tpu.memory_space<vmem_shared>>) target_semaphore(%arg22 : memref<!tpu.dma_semaphore, #tpu.memory_space<semaphore_mem>>)
    %mul3A_43 = arith.constant 624 : i32
    %mul3A_44 = arith.muli %arg1, %mul3A_43 : i32
    %add3A_45 = arith.constant 240 : i32
    %add3A_46 = arith.addi %mul3A_44, %add3A_45 : i32
    %dma_start3A_47 = arith.constant 0 : i32
    %dma_start3A_48 = tpu.memref_slice %arg6[%add3A_46, %dma_start3A_47] : memref<10000x64xf32, #tpu.memory_space<vmem_shared>> -> memref<48x64xf32, #tpu.memory_space<vmem_shared>>
    %dma_start3A_49 = arith.constant 0 : i32
    %dma_start3A_50 = tpu.memref_slice %arg6[%add3A_46, %dma_start3A_49] : memref<10000x64xf32, #tpu.memory_space<vmem_shared>> -> memref<48x64xf32, #tpu.memory_space<vmem_shared>>
    tpu.enqueue_dma source(%arg9 : memref<48x64xf32, #tpu.memory_space<vmem>>) target(%dma_start3A_50 : memref<48x64xf32, #tpu.memory_space<vmem_shared>>) target_semaphore(%arg22 : memref<!tpu.dma_semaphore, #tpu.memory_space<semaphore_mem>>)
    %mul3A_51 = arith.constant 624 : i32
    %mul3A_52 = arith.muli %arg1, %mul3A_51 : i32
    %add3A_53 = arith.constant 288 : i32
    %add3A_54 = arith.addi %mul3A_52, %add3A_53 : i32
    %dma_start3A_55 = arith.constant 0 : i32
    %dma_start3A_56 = tpu.memref_slice %arg6[%add3A_54, %dma_start3A_55] : memref<10000x64xf32, #tpu.memory_space<vmem_shared>> -> memref<48x64xf32, #tpu.memory_space<vmem_shared>>
    %dma_start3A_57 = arith.constant 0 : i32
    %dma_start3A_58 = tpu.memref_slice %arg6[%add3A_54, %dma_start3A_57] : memref<10000x64xf32, #tpu.memory_space<vmem_shared>> -> memref<48x64xf32, #tpu.memory_space<vmem_shared>>
    tpu.enqueue_dma source(%arg9 : memref<48x64xf32, #tpu.memory_space<vmem>>) target(%dma_start3A_58 : memref<48x64xf32, #tpu.memory_space<vmem_shared>>) target_semaphore(%arg22 : memref<!tpu.dma_semaphore, #tpu.memory_space<semaphore_mem>>)
    %mul3A_59 = arith.constant 624 : i32
    %mul3A_60 = arith.muli %arg1, %mul3A_59 : i32
    %add3A_61 = arith.constant 336 : i32
    %add3A_62 = arith.addi %mul3A_60, %add3A_61 : i32
    %dma_start3A_63 = arith.constant 0 : i32
    %dma_start3A_64 = tpu.memref_slice %arg6[%add3A_62, %dma_start3A_63] : memref<10000x64xf32, #tpu.memory_space<vmem_shared>> -> memref<48x64xf32, #tpu.memory_space<vmem_shared>>
    %dma_start3A_65 = arith.constant 0 : i32
    %dma_start3A_66 = tpu.memref_slice %arg6[%add3A_62, %dma_start3A_65] : memref<10000x64xf32, #tpu.memory_space<vmem_shared>> -> memref<48x64xf32, #tpu.memory_space<vmem_shared>>
    tpu.enqueue_dma source(%arg9 : memref<48x64xf32, #tpu.memory_space<vmem>>) target(%dma_start3A_66 : memref<48x64xf32, #tpu.memory_space<vmem_shared>>) target_semaphore(%arg22 : memref<!tpu.dma_semaphore, #tpu.memory_space<semaphore_mem>>)
    %mul3A_67 = arith.constant 624 : i32
    %mul3A_68 = arith.muli %arg1, %mul3A_67 : i32
    %add3A_69 = arith.constant 384 : i32
    %add3A_70 = arith.addi %mul3A_68, %add3A_69 : i32
    %dma_start3A_71 = arith.constant 0 : i32
    %dma_start3A_72 = tpu.memref_slice %arg6[%add3A_70, %dma_start3A_71] : memref<10000x64xf32, #tpu.memory_space<vmem_shared>> -> memref<48x64xf32, #tpu.memory_space<vmem_shared>>
    %dma_start3A_73 = arith.constant 0 : i32
    %dma_start3A_74 = tpu.memref_slice %arg6[%add3A_70, %dma_start3A_73] : memref<10000x64xf32, #tpu.memory_space<vmem_shared>> -> memref<48x64xf32, #tpu.memory_space<vmem_shared>>
    tpu.enqueue_dma source(%arg9 : memref<48x64xf32, #tpu.memory_space<vmem>>) target(%dma_start3A_74 : memref<48x64xf32, #tpu.memory_space<vmem_shared>>) target_semaphore(%arg22 : memref<!tpu.dma_semaphore, #tpu.memory_space<semaphore_mem>>)
    %mul3A_75 = arith.constant 624 : i32
    %mul3A_76 = arith.muli %arg1, %mul3A_75 : i32
    %add3A_77 = arith.constant 432 : i32
    %add3A_78 = arith.addi %mul3A_76, %add3A_77 : i32
    %dma_start3A_79 = arith.constant 0 : i32
    %dma_start3A_80 = tpu.memref_slice %arg6[%add3A_78, %dma_start3A_79] : memref<10000x64xf32, #tpu.memory_space<vmem_shared>> -> memref<48x64xf32, #tpu.memory_space<vmem_shared>>
    %dma_start3A_81 = arith.constant 0 : i32
    %dma_start3A_82 = tpu.memref_slice %arg6[%add3A_78, %dma_start3A_81] : memref<10000x64xf32, #tpu.memory_space<vmem_shared>> -> memref<48x64xf32, #tpu.memory_space<vmem_shared>>
    tpu.enqueue_dma source(%arg9 : memref<48x64xf32, #tpu.memory_space<vmem>>) target(%dma_start3A_82 : memref<48x64xf32, #tpu.memory_space<vmem_shared>>) target_semaphore(%arg22 : memref<!tpu.dma_semaphore, #tpu.memory_space<semaphore_mem>>)
    %mul3A_83 = arith.constant 624 : i32
    %mul3A_84 = arith.muli %arg1, %mul3A_83 : i32
    %add3A_85 = arith.constant 480 : i32
    %add3A_86 = arith.addi %mul3A_84, %add3A_85 : i32
    %dma_start3A_87 = arith.constant 0 : i32
    %dma_start3A_88 = tpu.memref_slice %arg6[%add3A_86, %dma_start3A_87] : memref<10000x64xf32, #tpu.memory_space<vmem_shared>> -> memref<48x64xf32, #tpu.memory_space<vmem_shared>>
    %dma_start3A_89 = arith.constant 0 : i32
    %dma_start3A_90 = tpu.memref_slice %arg6[%add3A_86, %dma_start3A_89] : memref<10000x64xf32, #tpu.memory_space<vmem_shared>> -> memref<48x64xf32, #tpu.memory_space<vmem_shared>>
    tpu.enqueue_dma source(%arg9 : memref<48x64xf32, #tpu.memory_space<vmem>>) target(%dma_start3A_90 : memref<48x64xf32, #tpu.memory_space<vmem_shared>>) target_semaphore(%arg22 : memref<!tpu.dma_semaphore, #tpu.memory_space<semaphore_mem>>)
    %mul3A_91 = arith.constant 624 : i32
    %mul3A_92 = arith.muli %arg1, %mul3A_91 : i32
    %add3A_93 = arith.constant 528 : i32
    %add3A_94 = arith.addi %mul3A_92, %add3A_93 : i32
    %dma_start3A_95 = arith.constant 0 : i32
    %dma_start3A_96 = tpu.memref_slice %arg6[%add3A_94, %dma_start3A_95] : memref<10000x64xf32, #tpu.memory_space<vmem_shared>> -> memref<48x64xf32, #tpu.memory_space<vmem_shared>>
    %dma_start3A_97 = arith.constant 0 : i32
    %dma_start3A_98 = tpu.memref_slice %arg6[%add3A_94, %dma_start3A_97] : memref<10000x64xf32, #tpu.memory_space<vmem_shared>> -> memref<48x64xf32, #tpu.memory_space<vmem_shared>>
    tpu.enqueue_dma source(%arg9 : memref<48x64xf32, #tpu.memory_space<vmem>>) target(%dma_start3A_98 : memref<48x64xf32, #tpu.memory_space<vmem_shared>>) target_semaphore(%arg22 : memref<!tpu.dma_semaphore, #tpu.memory_space<semaphore_mem>>)
    %mul3A_99 = arith.constant 624 : i32
    %mul3A_100 = arith.muli %arg1, %mul3A_99 : i32
    %add3A_101 = arith.constant 576 : i32
    %add3A_102 = arith.addi %mul3A_100, %add3A_101 : i32
    %dma_start3A_103 = arith.constant 0 : i32
    %dma_start3A_104 = tpu.memref_slice %arg6[%add3A_102, %dma_start3A_103] : memref<10000x64xf32, #tpu.memory_space<vmem_shared>> -> memref<48x64xf32, #tpu.memory_space<vmem_shared>>
    %dma_start3A_105 = arith.constant 0 : i32
    %dma_start3A_106 = tpu.memref_slice %arg6[%add3A_102, %dma_start3A_105] : memref<10000x64xf32, #tpu.memory_space<vmem_shared>> -> memref<48x64xf32, #tpu.memory_space<vmem_shared>>
    tpu.enqueue_dma source(%arg9 : memref<48x64xf32, #tpu.memory_space<vmem>>) target(%dma_start3A_106 : memref<48x64xf32, #tpu.memory_space<vmem_shared>>) target_semaphore(%arg22 : memref<!tpu.dma_semaphore, #tpu.memory_space<semaphore_mem>>)
    "tpu.region"() ({
      %run_scoped3A = tpu.sem_alloc : memref<!tpu.dma_semaphore, #tpu.memory_space<semaphore_mem>>
      %dma_start3A_347 = arith.constant 0 : i32
      %dma_start3A_348 = arith.constant 0 : i32
      %dma_start3A_349 = tpu.memref_slice %arg3[%arg1, %dma_start3A_347, %dma_start3A_348] : memref<16x200x100xi32, #tpu.memory_space<hbm>> -> memref<1x200x100xi32, #tpu.memory_space<hbm>>
      %dma_start3A_350 = tpu.memref_squeeze %dma_start3A_349 : memref<1x200x100xi32, #tpu.memory_space<hbm>> -> memref<200x100xi32, #tpu.memory_space<hbm>>
      %dma_start3A_351 = arith.constant 0 : i32
      %dma_start3A_352 = arith.constant 0 : i32
      %dma_start3A_353 = tpu.memref_slice %arg3[%arg1, %dma_start3A_351, %dma_start3A_352] : memref<16x200x100xi32, #tpu.memory_space<hbm>> -> memref<1x200x100xi32, #tpu.memory_space<hbm>>
      %dma_start3A_354 = tpu.memref_squeeze %dma_start3A_353 : memref<1x200x100xi32, #tpu.memory_space<hbm>> -> memref<200x100xi32, #tpu.memory_space<hbm>>
      tpu.enqueue_dma source(%dma_start3A_354 : memref<200x100xi32, #tpu.memory_space<hbm>>) target(%arg7 : memref<200x100xi32, #tpu.memory_space<vmem>>) target_semaphore(%run_scoped3A : memref<!tpu.dma_semaphore, #tpu.memory_space<semaphore_mem>>)
      %dma_wait3A_355 = arith.constant 0 : i32
      %dma_wait3A_356 = arith.constant 0 : i32
      %dma_wait3A_357 = tpu.memref_slice %arg3[%arg1, %dma_wait3A_355, %dma_wait3A_356] : memref<16x200x100xi32, #tpu.memory_space<hbm>> -> memref<1x200x100xi32, #tpu.memory_space<hbm>>
      %dma_wait3A_358 = tpu.memref_squeeze %dma_wait3A_357 : memref<1x200x100xi32, #tpu.memory_space<hbm>> -> memref<200x100xi32, #tpu.memory_space<hbm>>
      %dma_wait3A_359 = arith.constant 0 : i32
      %dma_wait3A_360 = arith.constant 0 : i32
      %dma_wait3A_361 = tpu.memref_slice %arg3[%arg1, %dma_wait3A_359, %dma_wait3A_360] : memref<16x200x100xi32, #tpu.memory_space<hbm>> -> memref<1x200x100xi32, #tpu.memory_space<hbm>>
      %dma_wait3A_362 = tpu.memref_squeeze %dma_wait3A_361 : memref<1x200x100xi32, #tpu.memory_space<hbm>> -> memref<200x100xi32, #tpu.memory_space<hbm>>
      tpu.wait_dma2 semaphore(%run_scoped3A : memref<!tpu.dma_semaphore, #tpu.memory_space<semaphore_mem>>) src(%dma_wait3A_362 : memref<200x100xi32, #tpu.memory_space<hbm>>) dst(%arg7 : memref<200x100xi32, #tpu.memory_space<vmem>>)
      tpu.yield
    }) : () -> ()
    "tpu.region"() ({
      %run_scoped3A = tpu.sem_alloc : memref<!tpu.dma_semaphore, #tpu.memory_space<semaphore_mem>>
      %dma_start3A_347 = arith.constant 0 : i32
      %dma_start3A_348 = arith.constant 0 : i32
      %dma_start3A_349 = tpu.memref_slice %arg4[%arg1, %dma_start3A_347, %dma_start3A_348] : memref<16x200x100xi32, #tpu.memory_space<hbm>> -> memref<1x200x100xi32, #tpu.memory_space<hbm>>
      %dma_start3A_350 = tpu.memref_squeeze %dma_start3A_349 : memref<1x200x100xi32, #tpu.memory_space<hbm>> -> memref<200x100xi32, #tpu.memory_space<hbm>>
      %dma_start3A_351 = arith.constant 0 : i32
      %dma_start3A_352 = arith.constant 0 : i32
      %dma_start3A_353 = tpu.memref_slice %arg4[%arg1, %dma_start3A_351, %dma_start3A_352] : memref<16x200x100xi32, #tpu.memory_space<hbm>> -> memref<1x200x100xi32, #tpu.memory_space<hbm>>
      %dma_start3A_354 = tpu.memref_squeeze %dma_start3A_353 : memref<1x200x100xi32, #tpu.memory_space<hbm>> -> memref<200x100xi32, #tpu.memory_space<hbm>>
      tpu.enqueue_dma source(%dma_start3A_354 : memref<200x100xi32, #tpu.memory_space<hbm>>) target(%arg8 : memref<200x100xi32, #tpu.memory_space<vmem>>) target_semaphore(%run_scoped3A : memref<!tpu.dma_semaphore, #tpu.memory_space<semaphore_mem>>)
      %dma_wait3A_355 = arith.constant 0 : i32
      %dma_wait3A_356 = arith.constant 0 : i32
      %dma_wait3A_357 = tpu.memref_slice %arg4[%arg1, %dma_wait3A_355, %dma_wait3A_356] : memref<16x200x100xi32, #tpu.memory_space<hbm>> -> memref<1x200x100xi32, #tpu.memory_space<hbm>>
      %dma_wait3A_358 = tpu.memref_squeeze %dma_wait3A_357 : memref<1x200x100xi32, #tpu.memory_space<hbm>> -> memref<200x100xi32, #tpu.memory_space<hbm>>
      %dma_wait3A_359 = arith.constant 0 : i32
      %dma_wait3A_360 = arith.constant 0 : i32
      %dma_wait3A_361 = tpu.memref_slice %arg4[%arg1, %dma_wait3A_359, %dma_wait3A_360] : memref<16x200x100xi32, #tpu.memory_space<hbm>> -> memref<1x200x100xi32, #tpu.memory_space<hbm>>
      %dma_wait3A_362 = tpu.memref_squeeze %dma_wait3A_361 : memref<1x200x100xi32, #tpu.memory_space<hbm>> -> memref<200x100xi32, #tpu.memory_space<hbm>>
      tpu.wait_dma2 semaphore(%run_scoped3A : memref<!tpu.dma_semaphore, #tpu.memory_space<semaphore_mem>>) src(%dma_wait3A_362 : memref<200x100xi32, #tpu.memory_space<hbm>>) dst(%arg8 : memref<200x100xi32, #tpu.memory_space<vmem>>)
      tpu.yield
    }) : () -> ()
    %mul3A_107 = arith.constant 624 : i32
    %mul3A_108 = arith.muli %arg1, %mul3A_107 : i32
    %dma_wait3A = arith.constant 0 : i32
    %dma_wait3A_109 = tpu.memref_slice %arg6[%mul3A_108, %dma_wait3A] : memref<10000x64xf32, #tpu.memory_space<vmem_shared>> -> memref<48x64xf32, #tpu.memory_space<vmem_shared>>
    %dma_wait3A_110 = arith.constant 0 : i32
    %dma_wait3A_111 = tpu.memref_slice %arg6[%mul3A_108, %dma_wait3A_110] : memref<10000x64xf32, #tpu.memory_space<vmem_shared>> -> memref<48x64xf32, #tpu.memory_space<vmem_shared>>
    tpu.wait_dma2 semaphore(%arg22 : memref<!tpu.dma_semaphore, #tpu.memory_space<semaphore_mem>>) src(%arg9 : memref<48x64xf32, #tpu.memory_space<vmem>>) dst(%dma_wait3A_111 : memref<48x64xf32, #tpu.memory_space<vmem_shared>>)
    %mul3A_112 = arith.constant 624 : i32
    %mul3A_113 = arith.muli %arg1, %mul3A_112 : i32
    %dma_wait3A_114 = arith.constant 0 : i32
    %dma_wait3A_115 = tpu.memref_slice %arg6[%mul3A_113, %dma_wait3A_114] : memref<10000x64xf32, #tpu.memory_space<vmem_shared>> -> memref<48x64xf32, #tpu.memory_space<vmem_shared>>
    %dma_wait3A_116 = arith.constant 0 : i32
    %dma_wait3A_117 = tpu.memref_slice %arg6[%mul3A_113, %dma_wait3A_116] : memref<10000x64xf32, #tpu.memory_space<vmem_shared>> -> memref<48x64xf32, #tpu.memory_space<vmem_shared>>
    tpu.wait_dma2 semaphore(%arg22 : memref<!tpu.dma_semaphore, #tpu.memory_space<semaphore_mem>>) src(%arg9 : memref<48x64xf32, #tpu.memory_space<vmem>>) dst(%dma_wait3A_117 : memref<48x64xf32, #tpu.memory_space<vmem_shared>>)
    %mul3A_118 = arith.constant 624 : i32
    %mul3A_119 = arith.muli %arg1, %mul3A_118 : i32
    %dma_wait3A_120 = arith.constant 0 : i32
    %dma_wait3A_121 = tpu.memref_slice %arg6[%mul3A_119, %dma_wait3A_120] : memref<10000x64xf32, #tpu.memory_space<vmem_shared>> -> memref<48x64xf32, #tpu.memory_space<vmem_shared>>
    %dma_wait3A_122 = arith.constant 0 : i32
    %dma_wait3A_123 = tpu.memref_slice %arg6[%mul3A_119, %dma_wait3A_122] : memref<10000x64xf32, #tpu.memory_space<vmem_shared>> -> memref<48x64xf32, #tpu.memory_space<vmem_shared>>
    tpu.wait_dma2 semaphore(%arg22 : memref<!tpu.dma_semaphore, #tpu.memory_space<semaphore_mem>>) src(%arg9 : memref<48x64xf32, #tpu.memory_space<vmem>>) dst(%dma_wait3A_123 : memref<48x64xf32, #tpu.memory_space<vmem_shared>>)
    %mul3A_124 = arith.constant 624 : i32
    %mul3A_125 = arith.muli %arg1, %mul3A_124 : i32
    %dma_wait3A_126 = arith.constant 0 : i32
    %dma_wait3A_127 = tpu.memref_slice %arg6[%mul3A_125, %dma_wait3A_126] : memref<10000x64xf32, #tpu.memory_space<vmem_shared>> -> memref<48x64xf32, #tpu.memory_space<vmem_shared>>
    %dma_wait3A_128 = arith.constant 0 : i32
    %dma_wait3A_129 = tpu.memref_slice %arg6[%mul3A_125, %dma_wait3A_128] : memref<10000x64xf32, #tpu.memory_space<vmem_shared>> -> memref<48x64xf32, #tpu.memory_space<vmem_shared>>
    tpu.wait_dma2 semaphore(%arg22 : memref<!tpu.dma_semaphore, #tpu.memory_space<semaphore_mem>>) src(%arg9 : memref<48x64xf32, #tpu.memory_space<vmem>>) dst(%dma_wait3A_129 : memref<48x64xf32, #tpu.memory_space<vmem_shared>>)
    %mul3A_130 = arith.constant 624 : i32
    %mul3A_131 = arith.muli %arg1, %mul3A_130 : i32
    %dma_wait3A_132 = arith.constant 0 : i32
    %dma_wait3A_133 = tpu.memref_slice %arg6[%mul3A_131, %dma_wait3A_132] : memref<10000x64xf32, #tpu.memory_space<vmem_shared>> -> memref<48x64xf32, #tpu.memory_space<vmem_shared>>
    %dma_wait3A_134 = arith.constant 0 : i32
    %dma_wait3A_135 = tpu.memref_slice %arg6[%mul3A_131, %dma_wait3A_134] : memref<10000x64xf32, #tpu.memory_space<vmem_shared>> -> memref<48x64xf32, #tpu.memory_space<vmem_shared>>
    tpu.wait_dma2 semaphore(%arg22 : memref<!tpu.dma_semaphore, #tpu.memory_space<semaphore_mem>>) src(%arg9 : memref<48x64xf32, #tpu.memory_space<vmem>>) dst(%dma_wait3A_135 : memref<48x64xf32, #tpu.memory_space<vmem_shared>>)
    %mul3A_136 = arith.constant 624 : i32
    %mul3A_137 = arith.muli %arg1, %mul3A_136 : i32
    %dma_wait3A_138 = arith.constant 0 : i32
    %dma_wait3A_139 = tpu.memref_slice %arg6[%mul3A_137, %dma_wait3A_138] : memref<10000x64xf32, #tpu.memory_space<vmem_shared>> -> memref<48x64xf32, #tpu.memory_space<vmem_shared>>
    %dma_wait3A_140 = arith.constant 0 : i32
    %dma_wait3A_141 = tpu.memref_slice %arg6[%mul3A_137, %dma_wait3A_140] : memref<10000x64xf32, #tpu.memory_space<vmem_shared>> -> memref<48x64xf32, #tpu.memory_space<vmem_shared>>
    tpu.wait_dma2 semaphore(%arg22 : memref<!tpu.dma_semaphore, #tpu.memory_space<semaphore_mem>>) src(%arg9 : memref<48x64xf32, #tpu.memory_space<vmem>>) dst(%dma_wait3A_141 : memref<48x64xf32, #tpu.memory_space<vmem_shared>>)
    %mul3A_142 = arith.constant 624 : i32
    %mul3A_143 = arith.muli %arg1, %mul3A_142 : i32
    %dma_wait3A_144 = arith.constant 0 : i32
    %dma_wait3A_145 = tpu.memref_slice %arg6[%mul3A_143, %dma_wait3A_144] : memref<10000x64xf32, #tpu.memory_space<vmem_shared>> -> memref<48x64xf32, #tpu.memory_space<vmem_shared>>
    %dma_wait3A_146 = arith.constant 0 : i32
    %dma_wait3A_147 = tpu.memref_slice %arg6[%mul3A_143, %dma_wait3A_146] : memref<10000x64xf32, #tpu.memory_space<vmem_shared>> -> memref<48x64xf32, #tpu.memory_space<vmem_shared>>
    tpu.wait_dma2 semaphore(%arg22 : memref<!tpu.dma_semaphore, #tpu.memory_space<semaphore_mem>>) src(%arg9 : memref<48x64xf32, #tpu.memory_space<vmem>>) dst(%dma_wait3A_147 : memref<48x64xf32, #tpu.memory_space<vmem_shared>>)
    %mul3A_148 = arith.constant 624 : i32
    %mul3A_149 = arith.muli %arg1, %mul3A_148 : i32
    %dma_wait3A_150 = arith.constant 0 : i32
    %dma_wait3A_151 = tpu.memref_slice %arg6[%mul3A_149, %dma_wait3A_150] : memref<10000x64xf32, #tpu.memory_space<vmem_shared>> -> memref<48x64xf32, #tpu.memory_space<vmem_shared>>
    %dma_wait3A_152 = arith.constant 0 : i32
    %dma_wait3A_153 = tpu.memref_slice %arg6[%mul3A_149, %dma_wait3A_152] : memref<10000x64xf32, #tpu.memory_space<vmem_shared>> -> memref<48x64xf32, #tpu.memory_space<vmem_shared>>
    tpu.wait_dma2 semaphore(%arg22 : memref<!tpu.dma_semaphore, #tpu.memory_space<semaphore_mem>>) src(%arg9 : memref<48x64xf32, #tpu.memory_space<vmem>>) dst(%dma_wait3A_153 : memref<48x64xf32, #tpu.memory_space<vmem_shared>>)
    %mul3A_154 = arith.constant 624 : i32
    %mul3A_155 = arith.muli %arg1, %mul3A_154 : i32
    %dma_wait3A_156 = arith.constant 0 : i32
    %dma_wait3A_157 = tpu.memref_slice %arg6[%mul3A_155, %dma_wait3A_156] : memref<10000x64xf32, #tpu.memory_space<vmem_shared>> -> memref<48x64xf32, #tpu.memory_space<vmem_shared>>
    %dma_wait3A_158 = arith.constant 0 : i32
    %dma_wait3A_159 = tpu.memref_slice %arg6[%mul3A_155, %dma_wait3A_158] : memref<10000x64xf32, #tpu.memory_space<vmem_shared>> -> memref<48x64xf32, #tpu.memory_space<vmem_shared>>
    tpu.wait_dma2 semaphore(%arg22 : memref<!tpu.dma_semaphore, #tpu.memory_space<semaphore_mem>>) src(%arg9 : memref<48x64xf32, #tpu.memory_space<vmem>>) dst(%dma_wait3A_159 : memref<48x64xf32, #tpu.memory_space<vmem_shared>>)
    %mul3A_160 = arith.constant 624 : i32
    %mul3A_161 = arith.muli %arg1, %mul3A_160 : i32
    %dma_wait3A_162 = arith.constant 0 : i32
    %dma_wait3A_163 = tpu.memref_slice %arg6[%mul3A_161, %dma_wait3A_162] : memref<10000x64xf32, #tpu.memory_space<vmem_shared>> -> memref<48x64xf32, #tpu.memory_space<vmem_shared>>
    %dma_wait3A_164 = arith.constant 0 : i32
    %dma_wait3A_165 = tpu.memref_slice %arg6[%mul3A_161, %dma_wait3A_164] : memref<10000x64xf32, #tpu.memory_space<vmem_shared>> -> memref<48x64xf32, #tpu.memory_space<vmem_shared>>
    tpu.wait_dma2 semaphore(%arg22 : memref<!tpu.dma_semaphore, #tpu.memory_space<semaphore_mem>>) src(%arg9 : memref<48x64xf32, #tpu.memory_space<vmem>>) dst(%dma_wait3A_165 : memref<48x64xf32, #tpu.memory_space<vmem_shared>>)
    %mul3A_166 = arith.constant 624 : i32
    %mul3A_167 = arith.muli %arg1, %mul3A_166 : i32
    %dma_wait3A_168 = arith.constant 0 : i32
    %dma_wait3A_169 = tpu.memref_slice %arg6[%mul3A_167, %dma_wait3A_168] : memref<10000x64xf32, #tpu.memory_space<vmem_shared>> -> memref<48x64xf32, #tpu.memory_space<vmem_shared>>
    %dma_wait3A_170 = arith.constant 0 : i32
    %dma_wait3A_171 = tpu.memref_slice %arg6[%mul3A_167, %dma_wait3A_170] : memref<10000x64xf32, #tpu.memory_space<vmem_shared>> -> memref<48x64xf32, #tpu.memory_space<vmem_shared>>
    tpu.wait_dma2 semaphore(%arg22 : memref<!tpu.dma_semaphore, #tpu.memory_space<semaphore_mem>>) src(%arg9 : memref<48x64xf32, #tpu.memory_space<vmem>>) dst(%dma_wait3A_171 : memref<48x64xf32, #tpu.memory_space<vmem_shared>>)
    %mul3A_172 = arith.constant 624 : i32
    %mul3A_173 = arith.muli %arg1, %mul3A_172 : i32
    %dma_wait3A_174 = arith.constant 0 : i32
    %dma_wait3A_175 = tpu.memref_slice %arg6[%mul3A_173, %dma_wait3A_174] : memref<10000x64xf32, #tpu.memory_space<vmem_shared>> -> memref<48x64xf32, #tpu.memory_space<vmem_shared>>
    %dma_wait3A_176 = arith.constant 0 : i32
    %dma_wait3A_177 = tpu.memref_slice %arg6[%mul3A_173, %dma_wait3A_176] : memref<10000x64xf32, #tpu.memory_space<vmem_shared>> -> memref<48x64xf32, #tpu.memory_space<vmem_shared>>
    tpu.wait_dma2 semaphore(%arg22 : memref<!tpu.dma_semaphore, #tpu.memory_space<semaphore_mem>>) src(%arg9 : memref<48x64xf32, #tpu.memory_space<vmem>>) dst(%dma_wait3A_177 : memref<48x64xf32, #tpu.memory_space<vmem_shared>>)
    %mul3A_178 = arith.constant 624 : i32
    %mul3A_179 = arith.muli %arg1, %mul3A_178 : i32
    %dma_wait3A_180 = arith.constant 0 : i32
    %dma_wait3A_181 = tpu.memref_slice %arg6[%mul3A_179, %dma_wait3A_180] : memref<10000x64xf32, #tpu.memory_space<vmem_shared>> -> memref<48x64xf32, #tpu.memory_space<vmem_shared>>
    %dma_wait3A_182 = arith.constant 0 : i32
    %dma_wait3A_183 = tpu.memref_slice %arg6[%mul3A_179, %dma_wait3A_182] : memref<10000x64xf32, #tpu.memory_space<vmem_shared>> -> memref<48x64xf32, #tpu.memory_space<vmem_shared>>
    tpu.wait_dma2 semaphore(%arg22 : memref<!tpu.dma_semaphore, #tpu.memory_space<semaphore_mem>>) src(%arg9 : memref<48x64xf32, #tpu.memory_space<vmem>>) dst(%dma_wait3A_183 : memref<48x64xf32, #tpu.memory_space<vmem_shared>>)
    %eq3A = arith.constant 15 : i32
    %eq3A_184 = arith.cmpi eq, %arg1, %eq3A : i32
    %convert_element_type3A = arith.extui %eq3A_184 : i1 to i32
    %cond3A = arith.constant 0 : i32
    %cond3A_185 = arith.cmpi ne, %convert_element_type3A, %cond3A : i32
    scf.if %cond3A_185 {
      "tpu.region"() ({
        %run_scoped3A = tpu.sem_alloc : memref<!tpu.dma_semaphore, #tpu.memory_space<semaphore_mem>>
        %dma_start3A_347 = arith.constant 0 : i32
        %dma_start3A_348 = arith.constant 0 : i32
        %dma_start3A_349 = tpu.memref_slice %arg9[%dma_start3A_347, %dma_start3A_348] : memref<48x64xf32, #tpu.memory_space<vmem>> -> memref<16x64xf32, #tpu.memory_space<vmem>>
        %dma_start3A_350 = arith.constant 9984 : i32
        %dma_start3A_351 = arith.constant 0 : i32
        %dma_start3A_352 = tpu.memref_slice %arg6[%dma_start3A_350, %dma_start3A_351] : memref<10000x64xf32, #tpu.memory_space<vmem_shared>> -> memref<16x64xf32, #tpu.memory_space<vmem_shared>>
        %dma_start3A_353 = arith.constant 9984 : i32
        %dma_start3A_354 = arith.constant 0 : i32
        %dma_start3A_355 = tpu.memref_slice %arg6[%dma_start3A_353, %dma_start3A_354] : memref<10000x64xf32, #tpu.memory_space<vmem_shared>> -> memref<16x64xf32, #tpu.memory_space<vmem_shared>>
        %dma_start3A_356 = arith.constant 0 : i32
        %dma_start3A_357 = arith.constant 0 : i32
        %dma_start3A_358 = tpu.memref_slice %arg9[%dma_start3A_356, %dma_start3A_357] : memref<48x64xf32, #tpu.memory_space<vmem>> -> memref<16x64xf32, #tpu.memory_space<vmem>>
        tpu.enqueue_dma source(%dma_start3A_358 : memref<16x64xf32, #tpu.memory_space<vmem>>) target(%dma_start3A_355 : memref<16x64xf32, #tpu.memory_space<vmem_shared>>) target_semaphore(%run_scoped3A : memref<!tpu.dma_semaphore, #tpu.memory_space<semaphore_mem>>)
        %dma_wait3A_359 = arith.constant 0 : i32
        %dma_wait3A_360 = arith.constant 0 : i32
        %dma_wait3A_361 = tpu.memref_slice %arg9[%dma_wait3A_359, %dma_wait3A_360] : memref<48x64xf32, #tpu.memory_space<vmem>> -> memref<16x64xf32, #tpu.memory_space<vmem>>
        %dma_wait3A_362 = arith.constant 9984 : i32
        %dma_wait3A_363 = arith.constant 0 : i32
        %dma_wait3A_364 = tpu.memref_slice %arg6[%dma_wait3A_362, %dma_wait3A_363] : memref<10000x64xf32, #tpu.memory_space<vmem_shared>> -> memref<16x64xf32, #tpu.memory_space<vmem_shared>>
        %dma_wait3A_365 = arith.constant 9984 : i32
        %dma_wait3A_366 = arith.constant 0 : i32
        %dma_wait3A_367 = tpu.memref_slice %arg6[%dma_wait3A_365, %dma_wait3A_366] : memref<10000x64xf32, #tpu.memory_space<vmem_shared>> -> memref<16x64xf32, #tpu.memory_space<vmem_shared>>
        %dma_wait3A_368 = arith.constant 0 : i32
        %dma_wait3A_369 = arith.constant 0 : i32
        %dma_wait3A_370 = tpu.memref_slice %arg9[%dma_wait3A_368, %dma_wait3A_369] : memref<48x64xf32, #tpu.memory_space<vmem>> -> memref<16x64xf32, #tpu.memory_space<vmem>>
        tpu.wait_dma2 semaphore(%run_scoped3A : memref<!tpu.dma_semaphore, #tpu.memory_space<semaphore_mem>>) src(%dma_wait3A_370 : memref<16x64xf32, #tpu.memory_space<vmem>>) dst(%dma_wait3A_367 : memref<16x64xf32, #tpu.memory_space<vmem_shared>>)
        tpu.yield
      }) : () -> ()
    } else {
    }
    %barrier3A = arith.constant 0 : index
    tpu.barrier barrier_id(%barrier3A)
    %dma_start3A_186 = arith.constant 0 : i32
    %dma_start3A_187 = arith.constant 0 : i32
    %dma_start3A_188 = tpu.memref_slice %arg7[%dma_start3A_186, %dma_start3A_187] : memref<200x100xi32, #tpu.memory_space<vmem>> -> memref<1x100xi32, #tpu.memory_space<vmem>>
    %dma_start3A_189 = tpu.memref_squeeze %dma_start3A_188 : memref<1x100xi32, #tpu.memory_space<vmem>> -> memref<100xi32, #tpu.memory_space<vmem>>
    %dma_start3A_190 = arith.constant 0 : i32
    %dma_start3A_191 = arith.constant 0 : i32
    %dma_start3A_192 = tpu.memref_slice %arg2[%arg0, %dma_start3A_190, %dma_start3A_191] : memref<2x10000x64xf32, #tpu.memory_space<hbm>> -> memref<1x10000x64xf32, #tpu.memory_space<hbm>>
    %dma_start3A_193 = tpu.memref_squeeze %dma_start3A_192 : memref<1x10000x64xf32, #tpu.memory_space<hbm>> -> memref<10000x64xf32, #tpu.memory_space<hbm>>
    %dma_start3A_194 = arith.constant 0 : i32
    %dma_start3A_195 = arith.constant 0 : i32
    %dma_start3A_196 = tpu.memref_slice %dma_start3A_193[%dma_start3A_194, %dma_start3A_195] : memref<10000x64xf32, #tpu.memory_space<hbm>> -> memref<10000x64xf32, #tpu.memory_space<hbm>>
    tpu.enqueue_indirect_dma source(%dma_start3A_196 : memref<10000x64xf32, #tpu.memory_space<hbm>>) target(%arg10 : memref<100x64xf32, #tpu.memory_space<vmem>>) offsets(%dma_start3A_189 : memref<100xi32, #tpu.memory_space<vmem>>) semaphore(%arg14 : memref<!tpu.dma_semaphore, #tpu.memory_space<semaphore_mem>>)
    %dma_start3A_197 = arith.constant 1 : i32
    %dma_start3A_198 = arith.constant 0 : i32
    %dma_start3A_199 = tpu.memref_slice %arg7[%dma_start3A_197, %dma_start3A_198] : memref<200x100xi32, #tpu.memory_space<vmem>> -> memref<1x100xi32, #tpu.memory_space<vmem>>
    %dma_start3A_200 = tpu.memref_squeeze %dma_start3A_199 : memref<1x100xi32, #tpu.memory_space<vmem>> -> memref<100xi32, #tpu.memory_space<vmem>>
    %dma_start3A_201 = arith.constant 0 : i32
    %dma_start3A_202 = arith.constant 0 : i32
    %dma_start3A_203 = tpu.memref_slice %arg2[%arg0, %dma_start3A_201, %dma_start3A_202] : memref<2x10000x64xf32, #tpu.memory_space<hbm>> -> memref<1x10000x64xf32, #tpu.memory_space<hbm>>
    %dma_start3A_204 = tpu.memref_squeeze %dma_start3A_203 : memref<1x10000x64xf32, #tpu.memory_space<hbm>> -> memref<10000x64xf32, #tpu.memory_space<hbm>>
    %dma_start3A_205 = arith.constant 0 : i32
    %dma_start3A_206 = arith.constant 0 : i32
    %dma_start3A_207 = tpu.memref_slice %dma_start3A_204[%dma_start3A_205, %dma_start3A_206] : memref<10000x64xf32, #tpu.memory_space<hbm>> -> memref<10000x64xf32, #tpu.memory_space<hbm>>
    tpu.enqueue_indirect_dma source(%dma_start3A_207 : memref<10000x64xf32, #tpu.memory_space<hbm>>) target(%arg11 : memref<100x64xf32, #tpu.memory_space<vmem>>) offsets(%dma_start3A_200 : memref<100xi32, #tpu.memory_space<vmem>>) semaphore(%arg15 : memref<!tpu.dma_semaphore, #tpu.memory_space<semaphore_mem>>)
    %dma_start3A_208 = arith.constant 2 : i32
    %dma_start3A_209 = arith.constant 0 : i32
    %dma_start3A_210 = tpu.memref_slice %arg7[%dma_start3A_208, %dma_start3A_209] : memref<200x100xi32, #tpu.memory_space<vmem>> -> memref<1x100xi32, #tpu.memory_space<vmem>>
    %dma_start3A_211 = tpu.memref_squeeze %dma_start3A_210 : memref<1x100xi32, #tpu.memory_space<vmem>> -> memref<100xi32, #tpu.memory_space<vmem>>
    %dma_start3A_212 = arith.constant 0 : i32
    %dma_start3A_213 = arith.constant 0 : i32
    %dma_start3A_214 = tpu.memref_slice %arg2[%arg0, %dma_start3A_212, %dma_start3A_213] : memref<2x10000x64xf32, #tpu.memory_space<hbm>> -> memref<1x10000x64xf32, #tpu.memory_space<hbm>>
    %dma_start3A_215 = tpu.memref_squeeze %dma_start3A_214 : memref<1x10000x64xf32, #tpu.memory_space<hbm>> -> memref<10000x64xf32, #tpu.memory_space<hbm>>
    %dma_start3A_216 = arith.constant 0 : i32
    %dma_start3A_217 = arith.constant 0 : i32
    %dma_start3A_218 = tpu.memref_slice %dma_start3A_215[%dma_start3A_216, %dma_start3A_217] : memref<10000x64xf32, #tpu.memory_space<hbm>> -> memref<10000x64xf32, #tpu.memory_space<hbm>>
    tpu.enqueue_indirect_dma source(%dma_start3A_218 : memref<10000x64xf32, #tpu.memory_space<hbm>>) target(%arg12 : memref<100x64xf32, #tpu.memory_space<vmem>>) offsets(%dma_start3A_211 : memref<100xi32, #tpu.memory_space<vmem>>) semaphore(%arg16 : memref<!tpu.dma_semaphore, #tpu.memory_space<semaphore_mem>>)
    %dma_start3A_219 = arith.constant 3 : i32
    %dma_start3A_220 = arith.constant 0 : i32
    %dma_start3A_221 = tpu.memref_slice %arg7[%dma_start3A_219, %dma_start3A_220] : memref<200x100xi32, #tpu.memory_space<vmem>> -> memref<1x100xi32, #tpu.memory_space<vmem>>
    %dma_start3A_222 = tpu.memref_squeeze %dma_start3A_221 : memref<1x100xi32, #tpu.memory_space<vmem>> -> memref<100xi32, #tpu.memory_space<vmem>>
    %dma_start3A_223 = arith.constant 0 : i32
    %dma_start3A_224 = arith.constant 0 : i32
    %dma_start3A_225 = tpu.memref_slice %arg2[%arg0, %dma_start3A_223, %dma_start3A_224] : memref<2x10000x64xf32, #tpu.memory_space<hbm>> -> memref<1x10000x64xf32, #tpu.memory_space<hbm>>
    %dma_start3A_226 = tpu.memref_squeeze %dma_start3A_225 : memref<1x10000x64xf32, #tpu.memory_space<hbm>> -> memref<10000x64xf32, #tpu.memory_space<hbm>>
    %dma_start3A_227 = arith.constant 0 : i32
    %dma_start3A_228 = arith.constant 0 : i32
    %dma_start3A_229 = tpu.memref_slice %dma_start3A_226[%dma_start3A_227, %dma_start3A_228] : memref<10000x64xf32, #tpu.memory_space<hbm>> -> memref<10000x64xf32, #tpu.memory_space<hbm>>
    tpu.enqueue_indirect_dma source(%dma_start3A_229 : memref<10000x64xf32, #tpu.memory_space<hbm>>) target(%arg13 : memref<100x64xf32, #tpu.memory_space<vmem>>) offsets(%dma_start3A_222 : memref<100xi32, #tpu.memory_space<vmem>>) semaphore(%arg17 : memref<!tpu.dma_semaphore, #tpu.memory_space<semaphore_mem>>)
    %scan3A_230 = arith.constant 0 : i32
    %scan3A_231 = arith.constant 0 : i32
    %scan3A_232 = arith.constant 49 : i32
    %scan3A_233 = arith.addi %scan3A_231, %scan3A_232 : i32
    %scan3A_234 = arith.constant 1 : i32
    %scan3A_235 = scf.for %scan3A_347 = %scan3A_231 to %scan3A_233 step %scan3A_234 iter_args(%scan3A_348 = %scan3A_230) -> (i32)  : i32 {
      %mul3A_349 = arith.constant 4 : i32
      %mul3A_350 = arith.muli %mul3A_349, %scan3A_347 : i32
      %add3A_351 = arith.constant 0 : i32
      %add3A_352 = arith.addi %mul3A_350, %add3A_351 : i32
      %dma_wait3A_353 = arith.constant 0 : i32
      %dma_wait3A_354 = tpu.memref_slice %arg7[%add3A_352, %dma_wait3A_353] : memref<200x100xi32, #tpu.memory_space<vmem>> -> memref<1x100xi32, #tpu.memory_space<vmem>>
      %dma_wait3A_355 = tpu.memref_squeeze %dma_wait3A_354 : memref<1x100xi32, #tpu.memory_space<vmem>> -> memref<100xi32, #tpu.memory_space<vmem>>
      %dma_wait3A_356 = arith.constant 0 : i32
      %dma_wait3A_357 = arith.constant 0 : i32
      %dma_wait3A_358 = tpu.memref_slice %arg2[%arg0, %dma_wait3A_356, %dma_wait3A_357] : memref<2x10000x64xf32, #tpu.memory_space<hbm>> -> memref<1x10000x64xf32, #tpu.memory_space<hbm>>
      %dma_wait3A_359 = tpu.memref_squeeze %dma_wait3A_358 : memref<1x10000x64xf32, #tpu.memory_space<hbm>> -> memref<10000x64xf32, #tpu.memory_space<hbm>>
      %dma_wait3A_360 = arith.constant 0 : i32
      %dma_wait3A_361 = arith.constant 0 : i32
      %dma_wait3A_362 = tpu.memref_slice %dma_wait3A_359[%dma_wait3A_360, %dma_wait3A_361] : memref<10000x64xf32, #tpu.memory_space<hbm>> -> memref<10000x64xf32, #tpu.memory_space<hbm>>
      tpu.wait_indirect_dma semaphore(%arg14 : memref<!tpu.dma_semaphore, #tpu.memory_space<semaphore_mem>>) src(%dma_wait3A_362 : memref<10000x64xf32, #tpu.memory_space<hbm>>) dst(%arg10 : memref<100x64xf32, #tpu.memory_space<vmem>>)
      %dma_start3A_363 = arith.constant 0 : i32
      %dma_start3A_364 = tpu.memref_slice %arg8[%add3A_352, %dma_start3A_363] : memref<200x100xi32, #tpu.memory_space<vmem>> -> memref<1x100xi32, #tpu.memory_space<vmem>>
      %dma_start3A_365 = tpu.memref_squeeze %dma_start3A_364 : memref<1x100xi32, #tpu.memory_space<vmem>> -> memref<100xi32, #tpu.memory_space<vmem>>
      %dma_start3A_366 = arith.constant 0 : i32
      %dma_start3A_367 = arith.constant 0 : i32
      %dma_start3A_368 = tpu.memref_slice %arg6[%dma_start3A_366, %dma_start3A_367] : memref<10000x64xf32, #tpu.memory_space<vmem_shared>> -> memref<10000x64xf32, #tpu.memory_space<vmem_shared>>
      tpu.enqueue_indirect_dma source(%arg10 : memref<100x64xf32, #tpu.memory_space<vmem>>) target(%dma_start3A_368 : memref<10000x64xf32, #tpu.memory_space<vmem_shared>>) offsets(%dma_start3A_365 : memref<100xi32, #tpu.memory_space<vmem>>) semaphore(%arg18 : memref<!tpu.dma_semaphore, #tpu.memory_space<semaphore_mem>>) {add = true}
      %mul3A_369 = arith.constant 4 : i32
      %mul3A_370 = arith.muli %mul3A_369, %scan3A_347 : i32
      %add3A_371 = arith.constant 1 : i32
      %add3A_372 = arith.addi %mul3A_370, %add3A_371 : i32
      %dma_wait3A_373 = arith.constant 0 : i32
      %dma_wait3A_374 = tpu.memref_slice %arg7[%add3A_372, %dma_wait3A_373] : memref<200x100xi32, #tpu.memory_space<vmem>> -> memref<1x100xi32, #tpu.memory_space<vmem>>
      %dma_wait3A_375 = tpu.memref_squeeze %dma_wait3A_374 : memref<1x100xi32, #tpu.memory_space<vmem>> -> memref<100xi32, #tpu.memory_space<vmem>>
      %dma_wait3A_376 = arith.constant 0 : i32
      %dma_wait3A_377 = arith.constant 0 : i32
      %dma_wait3A_378 = tpu.memref_slice %arg2[%arg0, %dma_wait3A_376, %dma_wait3A_377] : memref<2x10000x64xf32, #tpu.memory_space<hbm>> -> memref<1x10000x64xf32, #tpu.memory_space<hbm>>
      %dma_wait3A_379 = tpu.memref_squeeze %dma_wait3A_378 : memref<1x10000x64xf32, #tpu.memory_space<hbm>> -> memref<10000x64xf32, #tpu.memory_space<hbm>>
      %dma_wait3A_380 = arith.constant 0 : i32
      %dma_wait3A_381 = arith.constant 0 : i32
      %dma_wait3A_382 = tpu.memref_slice %dma_wait3A_379[%dma_wait3A_380, %dma_wait3A_381] : memref<10000x64xf32, #tpu.memory_space<hbm>> -> memref<10000x64xf32, #tpu.memory_space<hbm>>
      tpu.wait_indirect_dma semaphore(%arg15 : memref<!tpu.dma_semaphore, #tpu.memory_space<semaphore_mem>>) src(%dma_wait3A_382 : memref<10000x64xf32, #tpu.memory_space<hbm>>) dst(%arg11 : memref<100x64xf32, #tpu.memory_space<vmem>>)
      %dma_start3A_383 = arith.constant 0 : i32
      %dma_start3A_384 = tpu.memref_slice %arg8[%add3A_372, %dma_start3A_383] : memref<200x100xi32, #tpu.memory_space<vmem>> -> memref<1x100xi32, #tpu.memory_space<vmem>>
      %dma_start3A_385 = tpu.memref_squeeze %dma_start3A_384 : memref<1x100xi32, #tpu.memory_space<vmem>> -> memref<100xi32, #tpu.memory_space<vmem>>
      %dma_start3A_386 = arith.constant 0 : i32
      %dma_start3A_387 = arith.constant 0 : i32
      %dma_start3A_388 = tpu.memref_slice %arg6[%dma_start3A_386, %dma_start3A_387] : memref<10000x64xf32, #tpu.memory_space<vmem_shared>> -> memref<10000x64xf32, #tpu.memory_space<vmem_shared>>
      tpu.enqueue_indirect_dma source(%arg11 : memref<100x64xf32, #tpu.memory_space<vmem>>) target(%dma_start3A_388 : memref<10000x64xf32, #tpu.memory_space<vmem_shared>>) offsets(%dma_start3A_385 : memref<100xi32, #tpu.memory_space<vmem>>) semaphore(%arg19 : memref<!tpu.dma_semaphore, #tpu.memory_space<semaphore_mem>>) {add = true}
      %mul3A_389 = arith.constant 4 : i32
      %mul3A_390 = arith.muli %mul3A_389, %scan3A_347 : i32
      %add3A_391 = arith.constant 2 : i32
      %add3A_392 = arith.addi %mul3A_390, %add3A_391 : i32
      %dma_wait3A_393 = arith.constant 0 : i32
      %dma_wait3A_394 = tpu.memref_slice %arg7[%add3A_392, %dma_wait3A_393] : memref<200x100xi32, #tpu.memory_space<vmem>> -> memref<1x100xi32, #tpu.memory_space<vmem>>
      %dma_wait3A_395 = tpu.memref_squeeze %dma_wait3A_394 : memref<1x100xi32, #tpu.memory_space<vmem>> -> memref<100xi32, #tpu.memory_space<vmem>>
      %dma_wait3A_396 = arith.constant 0 : i32
      %dma_wait3A_397 = arith.constant 0 : i32
      %dma_wait3A_398 = tpu.memref_slice %arg2[%arg0, %dma_wait3A_396, %dma_wait3A_397] : memref<2x10000x64xf32, #tpu.memory_space<hbm>> -> memref<1x10000x64xf32, #tpu.memory_space<hbm>>
      %dma_wait3A_399 = tpu.memref_squeeze %dma_wait3A_398 : memref<1x10000x64xf32, #tpu.memory_space<hbm>> -> memref<10000x64xf32, #tpu.memory_space<hbm>>
      %dma_wait3A_400 = arith.constant 0 : i32
      %dma_wait3A_401 = arith.constant 0 : i32
      %dma_wait3A_402 = tpu.memref_slice %dma_wait3A_399[%dma_wait3A_400, %dma_wait3A_401] : memref<10000x64xf32, #tpu.memory_space<hbm>> -> memref<10000x64xf32, #tpu.memory_space<hbm>>
      tpu.wait_indirect_dma semaphore(%arg16 : memref<!tpu.dma_semaphore, #tpu.memory_space<semaphore_mem>>) src(%dma_wait3A_402 : memref<10000x64xf32, #tpu.memory_space<hbm>>) dst(%arg12 : memref<100x64xf32, #tpu.memory_space<vmem>>)
      %dma_start3A_403 = arith.constant 0 : i32
      %dma_start3A_404 = tpu.memref_slice %arg8[%add3A_392, %dma_start3A_403] : memref<200x100xi32, #tpu.memory_space<vmem>> -> memref<1x100xi32, #tpu.memory_space<vmem>>
      %dma_start3A_405 = tpu.memref_squeeze %dma_start3A_404 : memref<1x100xi32, #tpu.memory_space<vmem>> -> memref<100xi32, #tpu.memory_space<vmem>>
      %dma_start3A_406 = arith.constant 0 : i32
      %dma_start3A_407 = arith.constant 0 : i32
      %dma_start3A_408 = tpu.memref_slice %arg6[%dma_start3A_406, %dma_start3A_407] : memref<10000x64xf32, #tpu.memory_space<vmem_shared>> -> memref<10000x64xf32, #tpu.memory_space<vmem_shared>>
      tpu.enqueue_indirect_dma source(%arg12 : memref<100x64xf32, #tpu.memory_space<vmem>>) target(%dma_start3A_408 : memref<10000x64xf32, #tpu.memory_space<vmem_shared>>) offsets(%dma_start3A_405 : memref<100xi32, #tpu.memory_space<vmem>>) semaphore(%arg20 : memref<!tpu.dma_semaphore, #tpu.memory_space<semaphore_mem>>) {add = true}
      %mul3A_409 = arith.constant 4 : i32
      %mul3A_410 = arith.muli %mul3A_409, %scan3A_347 : i32
      %add3A_411 = arith.constant 3 : i32
      %add3A_412 = arith.addi %mul3A_410, %add3A_411 : i32
      %dma_wait3A_413 = arith.constant 0 : i32
      %dma_wait3A_414 = tpu.memref_slice %arg7[%add3A_412, %dma_wait3A_413] : memref<200x100xi32, #tpu.memory_space<vmem>> -> memref<1x100xi32, #tpu.memory_space<vmem>>
      %dma_wait3A_415 = tpu.memref_squeeze %dma_wait3A_414 : memref<1x100xi32, #tpu.memory_space<vmem>> -> memref<100xi32, #tpu.memory_space<vmem>>
      %dma_wait3A_416 = arith.constant 0 : i32
      %dma_wait3A_417 = arith.constant 0 : i32
      %dma_wait3A_418 = tpu.memref_slice %arg2[%arg0, %dma_wait3A_416, %dma_wait3A_417] : memref<2x10000x64xf32, #tpu.memory_space<hbm>> -> memref<1x10000x64xf32, #tpu.memory_space<hbm>>
      %dma_wait3A_419 = tpu.memref_squeeze %dma_wait3A_418 : memref<1x10000x64xf32, #tpu.memory_space<hbm>> -> memref<10000x64xf32, #tpu.memory_space<hbm>>
      %dma_wait3A_420 = arith.constant 0 : i32
      %dma_wait3A_421 = arith.constant 0 : i32
      %dma_wait3A_422 = tpu.memref_slice %dma_wait3A_419[%dma_wait3A_420, %dma_wait3A_421] : memref<10000x64xf32, #tpu.memory_space<hbm>> -> memref<10000x64xf32, #tpu.memory_space<hbm>>
      tpu.wait_indirect_dma semaphore(%arg17 : memref<!tpu.dma_semaphore, #tpu.memory_space<semaphore_mem>>) src(%dma_wait3A_422 : memref<10000x64xf32, #tpu.memory_space<hbm>>) dst(%arg13 : memref<100x64xf32, #tpu.memory_space<vmem>>)
      %dma_start3A_423 = arith.constant 0 : i32
      %dma_start3A_424 = tpu.memref_slice %arg8[%add3A_412, %dma_start3A_423] : memref<200x100xi32, #tpu.memory_space<vmem>> -> memref<1x100xi32, #tpu.memory_space<vmem>>
      %dma_start3A_425 = tpu.memref_squeeze %dma_start3A_424 : memref<1x100xi32, #tpu.memory_space<vmem>> -> memref<100xi32, #tpu.memory_space<vmem>>
      %dma_start3A_426 = arith.constant 0 : i32
      %dma_start3A_427 = arith.constant 0 : i32
      %dma_start3A_428 = tpu.memref_slice %arg6[%dma_start3A_426, %dma_start3A_427] : memref<10000x64xf32, #tpu.memory_space<vmem_shared>> -> memref<10000x64xf32, #tpu.memory_space<vmem_shared>>
      tpu.enqueue_indirect_dma source(%arg13 : memref<100x64xf32, #tpu.memory_space<vmem>>) target(%dma_start3A_428 : memref<10000x64xf32, #tpu.memory_space<vmem_shared>>) offsets(%dma_start3A_425 : memref<100xi32, #tpu.memory_space<vmem>>) semaphore(%arg21 : memref<!tpu.dma_semaphore, #tpu.memory_space<semaphore_mem>>) {add = true}
      %dma_wait3A_429 = arith.constant 0 : i32
      %dma_wait3A_430 = arith.constant 0 : i32
      %dma_wait3A_431 = tpu.memref_slice %arg8[%dma_wait3A_429, %dma_wait3A_430] : memref<200x100xi32, #tpu.memory_space<vmem>> -> memref<1x100xi32, #tpu.memory_space<vmem>>
      %dma_wait3A_432 = tpu.memref_squeeze %dma_wait3A_431 : memref<1x100xi32, #tpu.memory_space<vmem>> -> memref<100xi32, #tpu.memory_space<vmem>>
      %dma_wait3A_433 = arith.constant 0 : i32
      %dma_wait3A_434 = arith.constant 0 : i32
      %dma_wait3A_435 = tpu.memref_slice %arg6[%dma_wait3A_433, %dma_wait3A_434] : memref<10000x64xf32, #tpu.memory_space<vmem_shared>> -> memref<10000x64xf32, #tpu.memory_space<vmem_shared>>
      tpu.wait_indirect_dma semaphore(%arg18 : memref<!tpu.dma_semaphore, #tpu.memory_space<semaphore_mem>>) src(%arg10 : memref<100x64xf32, #tpu.memory_space<vmem>>) dst(%dma_wait3A_435 : memref<10000x64xf32, #tpu.memory_space<vmem_shared>>)
      %add3A_436 = arith.constant 1 : i32
      %add3A_437 = arith.addi %scan3A_347, %add3A_436 : i32
      %mul3A_438 = arith.constant 4 : i32
      %mul3A_439 = arith.muli %mul3A_438, %add3A_437 : i32
      %add3A_440 = arith.constant 0 : i32
      %add3A_441 = arith.addi %mul3A_439, %add3A_440 : i32
      %dma_start3A_442 = arith.constant 0 : i32
      %dma_start3A_443 = tpu.memref_slice %arg7[%add3A_441, %dma_start3A_442] : memref<200x100xi32, #tpu.memory_space<vmem>> -> memref<1x100xi32, #tpu.memory_space<vmem>>
      %dma_start3A_444 = tpu.memref_squeeze %dma_start3A_443 : memref<1x100xi32, #tpu.memory_space<vmem>> -> memref<100xi32, #tpu.memory_space<vmem>>
      %dma_start3A_445 = arith.constant 0 : i32
      %dma_start3A_446 = arith.constant 0 : i32
      %dma_start3A_447 = tpu.memref_slice %arg2[%arg0, %dma_start3A_445, %dma_start3A_446] : memref<2x10000x64xf32, #tpu.memory_space<hbm>> -> memref<1x10000x64xf32, #tpu.memory_space<hbm>>
      %dma_start3A_448 = tpu.memref_squeeze %dma_start3A_447 : memref<1x10000x64xf32, #tpu.memory_space<hbm>> -> memref<10000x64xf32, #tpu.memory_space<hbm>>
      %dma_start3A_449 = arith.constant 0 : i32
      %dma_start3A_450 = arith.constant 0 : i32
      %dma_start3A_451 = tpu.memref_slice %dma_start3A_448[%dma_start3A_449, %dma_start3A_450] : memref<10000x64xf32, #tpu.memory_space<hbm>> -> memref<10000x64xf32, #tpu.memory_space<hbm>>
      tpu.enqueue_indirect_dma source(%dma_start3A_451 : memref<10000x64xf32, #tpu.memory_space<hbm>>) target(%arg10 : memref<100x64xf32, #tpu.memory_space<vmem>>) offsets(%dma_start3A_444 : memref<100xi32, #tpu.memory_space<vmem>>) semaphore(%arg14 : memref<!tpu.dma_semaphore, #tpu.memory_space<semaphore_mem>>)
      %dma_wait3A_452 = arith.constant 0 : i32
      %dma_wait3A_453 = arith.constant 0 : i32
      %dma_wait3A_454 = tpu.memref_slice %arg8[%dma_wait3A_452, %dma_wait3A_453] : memref<200x100xi32, #tpu.memory_space<vmem>> -> memref<1x100xi32, #tpu.memory_space<vmem>>
      %dma_wait3A_455 = tpu.memref_squeeze %dma_wait3A_454 : memref<1x100xi32, #tpu.memory_space<vmem>> -> memref<100xi32, #tpu.memory_space<vmem>>
      %dma_wait3A_456 = arith.constant 0 : i32
      %dma_wait3A_457 = arith.constant 0 : i32
      %dma_wait3A_458 = tpu.memref_slice %arg6[%dma_wait3A_456, %dma_wait3A_457] : memref<10000x64xf32, #tpu.memory_space<vmem_shared>> -> memref<10000x64xf32, #tpu.memory_space<vmem_shared>>
      tpu.wait_indirect_dma semaphore(%arg19 : memref<!tpu.dma_semaphore, #tpu.memory_space<semaphore_mem>>) src(%arg11 : memref<100x64xf32, #tpu.memory_space<vmem>>) dst(%dma_wait3A_458 : memref<10000x64xf32, #tpu.memory_space<vmem_shared>>)
      %add3A_459 = arith.constant 1 : i32
      %add3A_460 = arith.addi %scan3A_347, %add3A_459 : i32
      %mul3A_461 = arith.constant 4 : i32
      %mul3A_462 = arith.muli %mul3A_461, %add3A_460 : i32
      %add3A_463 = arith.constant 1 : i32
      %add3A_464 = arith.addi %mul3A_462, %add3A_463 : i32
      %dma_start3A_465 = arith.constant 0 : i32
      %dma_start3A_466 = tpu.memref_slice %arg7[%add3A_464, %dma_start3A_465] : memref<200x100xi32, #tpu.memory_space<vmem>> -> memref<1x100xi32, #tpu.memory_space<vmem>>
      %dma_start3A_467 = tpu.memref_squeeze %dma_start3A_466 : memref<1x100xi32, #tpu.memory_space<vmem>> -> memref<100xi32, #tpu.memory_space<vmem>>
      %dma_start3A_468 = arith.constant 0 : i32
      %dma_start3A_469 = arith.constant 0 : i32
      %dma_start3A_470 = tpu.memref_slice %arg2[%arg0, %dma_start3A_468, %dma_start3A_469] : memref<2x10000x64xf32, #tpu.memory_space<hbm>> -> memref<1x10000x64xf32, #tpu.memory_space<hbm>>
      %dma_start3A_471 = tpu.memref_squeeze %dma_start3A_470 : memref<1x10000x64xf32, #tpu.memory_space<hbm>> -> memref<10000x64xf32, #tpu.memory_space<hbm>>
      %dma_start3A_472 = arith.constant 0 : i32
      %dma_start3A_473 = arith.constant 0 : i32
      %dma_start3A_474 = tpu.memref_slice %dma_start3A_471[%dma_start3A_472, %dma_start3A_473] : memref<10000x64xf32, #tpu.memory_space<hbm>> -> memref<10000x64xf32, #tpu.memory_space<hbm>>
      tpu.enqueue_indirect_dma source(%dma_start3A_474 : memref<10000x64xf32, #tpu.memory_space<hbm>>) target(%arg11 : memref<100x64xf32, #tpu.memory_space<vmem>>) offsets(%dma_start3A_467 : memref<100xi32, #tpu.memory_space<vmem>>) semaphore(%arg15 : memref<!tpu.dma_semaphore, #tpu.memory_space<semaphore_mem>>)
      %dma_wait3A_475 = arith.constant 0 : i32
      %dma_wait3A_476 = arith.constant 0 : i32
      %dma_wait3A_477 = tpu.memref_slice %arg8[%dma_wait3A_475, %dma_wait3A_476] : memref<200x100xi32, #tpu.memory_space<vmem>> -> memref<1x100xi32, #tpu.memory_space<vmem>>
      %dma_wait3A_478 = tpu.memref_squeeze %dma_wait3A_477 : memref<1x100xi32, #tpu.memory_space<vmem>> -> memref<100xi32, #tpu.memory_space<vmem>>
      %dma_wait3A_479 = arith.constant 0 : i32
      %dma_wait3A_480 = arith.constant 0 : i32
      %dma_wait3A_481 = tpu.memref_slice %arg6[%dma_wait3A_479, %dma_wait3A_480] : memref<10000x64xf32, #tpu.memory_space<vmem_shared>> -> memref<10000x64xf32, #tpu.memory_space<vmem_shared>>
      tpu.wait_indirect_dma semaphore(%arg20 : memref<!tpu.dma_semaphore, #tpu.memory_space<semaphore_mem>>) src(%arg12 : memref<100x64xf32, #tpu.memory_space<vmem>>) dst(%dma_wait3A_481 : memref<10000x64xf32, #tpu.memory_space<vmem_shared>>)
      %add3A_482 = arith.constant 1 : i32
      %add3A_483 = arith.addi %scan3A_347, %add3A_482 : i32
      %mul3A_484 = arith.constant 4 : i32
      %mul3A_485 = arith.muli %mul3A_484, %add3A_483 : i32
      %add3A_486 = arith.constant 2 : i32
      %add3A_487 = arith.addi %mul3A_485, %add3A_486 : i32
      %dma_start3A_488 = arith.constant 0 : i32
      %dma_start3A_489 = tpu.memref_slice %arg7[%add3A_487, %dma_start3A_488] : memref<200x100xi32, #tpu.memory_space<vmem>> -> memref<1x100xi32, #tpu.memory_space<vmem>>
      %dma_start3A_490 = tpu.memref_squeeze %dma_start3A_489 : memref<1x100xi32, #tpu.memory_space<vmem>> -> memref<100xi32, #tpu.memory_space<vmem>>
      %dma_start3A_491 = arith.constant 0 : i32
      %dma_start3A_492 = arith.constant 0 : i32
      %dma_start3A_493 = tpu.memref_slice %arg2[%arg0, %dma_start3A_491, %dma_start3A_492] : memref<2x10000x64xf32, #tpu.memory_space<hbm>> -> memref<1x10000x64xf32, #tpu.memory_space<hbm>>
      %dma_start3A_494 = tpu.memref_squeeze %dma_start3A_493 : memref<1x10000x64xf32, #tpu.memory_space<hbm>> -> memref<10000x64xf32, #tpu.memory_space<hbm>>
      %dma_start3A_495 = arith.constant 0 : i32
      %dma_start3A_496 = arith.constant 0 : i32
      %dma_start3A_497 = tpu.memref_slice %dma_start3A_494[%dma_start3A_495, %dma_start3A_496] : memref<10000x64xf32, #tpu.memory_space<hbm>> -> memref<10000x64xf32, #tpu.memory_space<hbm>>
      tpu.enqueue_indirect_dma source(%dma_start3A_497 : memref<10000x64xf32, #tpu.memory_space<hbm>>) target(%arg12 : memref<100x64xf32, #tpu.memory_space<vmem>>) offsets(%dma_start3A_490 : memref<100xi32, #tpu.memory_space<vmem>>) semaphore(%arg16 : memref<!tpu.dma_semaphore, #tpu.memory_space<semaphore_mem>>)
      %dma_wait3A_498 = arith.constant 0 : i32
      %dma_wait3A_499 = arith.constant 0 : i32
      %dma_wait3A_500 = tpu.memref_slice %arg8[%dma_wait3A_498, %dma_wait3A_499] : memref<200x100xi32, #tpu.memory_space<vmem>> -> memref<1x100xi32, #tpu.memory_space<vmem>>
      %dma_wait3A_501 = tpu.memref_squeeze %dma_wait3A_500 : memref<1x100xi32, #tpu.memory_space<vmem>> -> memref<100xi32, #tpu.memory_space<vmem>>
      %dma_wait3A_502 = arith.constant 0 : i32
      %dma_wait3A_503 = arith.constant 0 : i32
      %dma_wait3A_504 = tpu.memref_slice %arg6[%dma_wait3A_502, %dma_wait3A_503] : memref<10000x64xf32, #tpu.memory_space<vmem_shared>> -> memref<10000x64xf32, #tpu.memory_space<vmem_shared>>
      tpu.wait_indirect_dma semaphore(%arg21 : memref<!tpu.dma_semaphore, #tpu.memory_space<semaphore_mem>>) src(%arg13 : memref<100x64xf32, #tpu.memory_space<vmem>>) dst(%dma_wait3A_504 : memref<10000x64xf32, #tpu.memory_space<vmem_shared>>)
      %add3A_505 = arith.constant 1 : i32
      %add3A_506 = arith.addi %scan3A_347, %add3A_505 : i32
      %mul3A_507 = arith.constant 4 : i32
      %mul3A_508 = arith.muli %mul3A_507, %add3A_506 : i32
      %add3A_509 = arith.constant 3 : i32
      %add3A_510 = arith.addi %mul3A_508, %add3A_509 : i32
      %dma_start3A_511 = arith.constant 0 : i32
      %dma_start3A_512 = tpu.memref_slice %arg7[%add3A_510, %dma_start3A_511] : memref<200x100xi32, #tpu.memory_space<vmem>> -> memref<1x100xi32, #tpu.memory_space<vmem>>
      %dma_start3A_513 = tpu.memref_squeeze %dma_start3A_512 : memref<1x100xi32, #tpu.memory_space<vmem>> -> memref<100xi32, #tpu.memory_space<vmem>>
      %dma_start3A_514 = arith.constant 0 : i32
      %dma_start3A_515 = arith.constant 0 : i32
      %dma_start3A_516 = tpu.memref_slice %arg2[%arg0, %dma_start3A_514, %dma_start3A_515] : memref<2x10000x64xf32, #tpu.memory_space<hbm>> -> memref<1x10000x64xf32, #tpu.memory_space<hbm>>
      %dma_start3A_517 = tpu.memref_squeeze %dma_start3A_516 : memref<1x10000x64xf32, #tpu.memory_space<hbm>> -> memref<10000x64xf32, #tpu.memory_space<hbm>>
      %dma_start3A_518 = arith.constant 0 : i32
      %dma_start3A_519 = arith.constant 0 : i32
      %dma_start3A_520 = tpu.memref_slice %dma_start3A_517[%dma_start3A_518, %dma_start3A_519] : memref<10000x64xf32, #tpu.memory_space<hbm>> -> memref<10000x64xf32, #tpu.memory_space<hbm>>
      tpu.enqueue_indirect_dma source(%dma_start3A_520 : memref<10000x64xf32, #tpu.memory_space<hbm>>) target(%arg13 : memref<100x64xf32, #tpu.memory_space<vmem>>) offsets(%dma_start3A_513 : memref<100xi32, #tpu.memory_space<vmem>>) semaphore(%arg17 : memref<!tpu.dma_semaphore, #tpu.memory_space<semaphore_mem>>)
      %scan3A_521 = arith.constant 0 : i32
      scf.yield %scan3A_521 : i32
    }
    %scan3A_236 = arith.constant 49 : i32
    %dma_wait3A_237 = arith.constant 196 : i32
    %dma_wait3A_238 = arith.constant 0 : i32
    %dma_wait3A_239 = tpu.memref_slice %arg7[%dma_wait3A_237, %dma_wait3A_238] : memref<200x100xi32, #tpu.memory_space<vmem>> -> memref<1x100xi32, #tpu.memory_space<vmem>>
    %dma_wait3A_240 = tpu.memref_squeeze %dma_wait3A_239 : memref<1x100xi32, #tpu.memory_space<vmem>> -> memref<100xi32, #tpu.memory_space<vmem>>
    %dma_wait3A_241 = arith.constant 0 : i32
    %dma_wait3A_242 = arith.constant 0 : i32
    %dma_wait3A_243 = tpu.memref_slice %arg2[%arg0, %dma_wait3A_241, %dma_wait3A_242] : memref<2x10000x64xf32, #tpu.memory_space<hbm>> -> memref<1x10000x64xf32, #tpu.memory_space<hbm>>
    %dma_wait3A_244 = tpu.memref_squeeze %dma_wait3A_243 : memref<1x10000x64xf32, #tpu.memory_space<hbm>> -> memref<10000x64xf32, #tpu.memory_space<hbm>>
    %dma_wait3A_245 = arith.constant 0 : i32
    %dma_wait3A_246 = arith.constant 0 : i32
    %dma_wait3A_247 = tpu.memref_slice %dma_wait3A_244[%dma_wait3A_245, %dma_wait3A_246] : memref<10000x64xf32, #tpu.memory_space<hbm>> -> memref<10000x64xf32, #tpu.memory_space<hbm>>
    tpu.wait_indirect_dma semaphore(%arg14 : memref<!tpu.dma_semaphore, #tpu.memory_space<semaphore_mem>>) src(%dma_wait3A_247 : memref<10000x64xf32, #tpu.memory_space<hbm>>) dst(%arg10 : memref<100x64xf32, #tpu.memory_space<vmem>>)
    %dma_start3A_248 = arith.constant 196 : i32
    %dma_start3A_249 = arith.constant 0 : i32
    %dma_start3A_250 = tpu.memref_slice %arg8[%dma_start3A_248, %dma_start3A_249] : memref<200x100xi32, #tpu.memory_space<vmem>> -> memref<1x100xi32, #tpu.memory_space<vmem>>
    %dma_start3A_251 = tpu.memref_squeeze %dma_start3A_250 : memref<1x100xi32, #tpu.memory_space<vmem>> -> memref<100xi32, #tpu.memory_space<vmem>>
    %dma_start3A_252 = arith.constant 0 : i32
    %dma_start3A_253 = arith.constant 0 : i32
    %dma_start3A_254 = tpu.memref_slice %arg6[%dma_start3A_252, %dma_start3A_253] : memref<10000x64xf32, #tpu.memory_space<vmem_shared>> -> memref<10000x64xf32, #tpu.memory_space<vmem_shared>>
    tpu.enqueue_indirect_dma source(%arg10 : memref<100x64xf32, #tpu.memory_space<vmem>>) target(%dma_start3A_254 : memref<10000x64xf32, #tpu.memory_space<vmem_shared>>) offsets(%dma_start3A_251 : memref<100xi32, #tpu.memory_space<vmem>>) semaphore(%arg18 : memref<!tpu.dma_semaphore, #tpu.memory_space<semaphore_mem>>) {add = true}
    %dma_wait3A_255 = arith.constant 197 : i32
    %dma_wait3A_256 = arith.constant 0 : i32
    %dma_wait3A_257 = tpu.memref_slice %arg7[%dma_wait3A_255, %dma_wait3A_256] : memref<200x100xi32, #tpu.memory_space<vmem>> -> memref<1x100xi32, #tpu.memory_space<vmem>>
    %dma_wait3A_258 = tpu.memref_squeeze %dma_wait3A_257 : memref<1x100xi32, #tpu.memory_space<vmem>> -> memref<100xi32, #tpu.memory_space<vmem>>
    %dma_wait3A_259 = arith.constant 0 : i32
    %dma_wait3A_260 = arith.constant 0 : i32
    %dma_wait3A_261 = tpu.memref_slice %arg2[%arg0, %dma_wait3A_259, %dma_wait3A_260] : memref<2x10000x64xf32, #tpu.memory_space<hbm>> -> memref<1x10000x64xf32, #tpu.memory_space<hbm>>
    %dma_wait3A_262 = tpu.memref_squeeze %dma_wait3A_261 : memref<1x10000x64xf32, #tpu.memory_space<hbm>> -> memref<10000x64xf32, #tpu.memory_space<hbm>>
    %dma_wait3A_263 = arith.constant 0 : i32
    %dma_wait3A_264 = arith.constant 0 : i32
    %dma_wait3A_265 = tpu.memref_slice %dma_wait3A_262[%dma_wait3A_263, %dma_wait3A_264] : memref<10000x64xf32, #tpu.memory_space<hbm>> -> memref<10000x64xf32, #tpu.memory_space<hbm>>
    tpu.wait_indirect_dma semaphore(%arg15 : memref<!tpu.dma_semaphore, #tpu.memory_space<semaphore_mem>>) src(%dma_wait3A_265 : memref<10000x64xf32, #tpu.memory_space<hbm>>) dst(%arg11 : memref<100x64xf32, #tpu.memory_space<vmem>>)
    %dma_start3A_266 = arith.constant 197 : i32
    %dma_start3A_267 = arith.constant 0 : i32
    %dma_start3A_268 = tpu.memref_slice %arg8[%dma_start3A_266, %dma_start3A_267] : memref<200x100xi32, #tpu.memory_space<vmem>> -> memref<1x100xi32, #tpu.memory_space<vmem>>
    %dma_start3A_269 = tpu.memref_squeeze %dma_start3A_268 : memref<1x100xi32, #tpu.memory_space<vmem>> -> memref<100xi32, #tpu.memory_space<vmem>>
    %dma_start3A_270 = arith.constant 0 : i32
    %dma_start3A_271 = arith.constant 0 : i32
    %dma_start3A_272 = tpu.memref_slice %arg6[%dma_start3A_270, %dma_start3A_271] : memref<10000x64xf32, #tpu.memory_space<vmem_shared>> -> memref<10000x64xf32, #tpu.memory_space<vmem_shared>>
    tpu.enqueue_indirect_dma source(%arg11 : memref<100x64xf32, #tpu.memory_space<vmem>>) target(%dma_start3A_272 : memref<10000x64xf32, #tpu.memory_space<vmem_shared>>) offsets(%dma_start3A_269 : memref<100xi32, #tpu.memory_space<vmem>>) semaphore(%arg19 : memref<!tpu.dma_semaphore, #tpu.memory_space<semaphore_mem>>) {add = true}
    %dma_wait3A_273 = arith.constant 198 : i32
    %dma_wait3A_274 = arith.constant 0 : i32
    %dma_wait3A_275 = tpu.memref_slice %arg7[%dma_wait3A_273, %dma_wait3A_274] : memref<200x100xi32, #tpu.memory_space<vmem>> -> memref<1x100xi32, #tpu.memory_space<vmem>>
    %dma_wait3A_276 = tpu.memref_squeeze %dma_wait3A_275 : memref<1x100xi32, #tpu.memory_space<vmem>> -> memref<100xi32, #tpu.memory_space<vmem>>
    %dma_wait3A_277 = arith.constant 0 : i32
    %dma_wait3A_278 = arith.constant 0 : i32
    %dma_wait3A_279 = tpu.memref_slice %arg2[%arg0, %dma_wait3A_277, %dma_wait3A_278] : memref<2x10000x64xf32, #tpu.memory_space<hbm>> -> memref<1x10000x64xf32, #tpu.memory_space<hbm>>
    %dma_wait3A_280 = tpu.memref_squeeze %dma_wait3A_279 : memref<1x10000x64xf32, #tpu.memory_space<hbm>> -> memref<10000x64xf32, #tpu.memory_space<hbm>>
    %dma_wait3A_281 = arith.constant 0 : i32
    %dma_wait3A_282 = arith.constant 0 : i32
    %dma_wait3A_283 = tpu.memref_slice %dma_wait3A_280[%dma_wait3A_281, %dma_wait3A_282] : memref<10000x64xf32, #tpu.memory_space<hbm>> -> memref<10000x64xf32, #tpu.memory_space<hbm>>
    tpu.wait_indirect_dma semaphore(%arg16 : memref<!tpu.dma_semaphore, #tpu.memory_space<semaphore_mem>>) src(%dma_wait3A_283 : memref<10000x64xf32, #tpu.memory_space<hbm>>) dst(%arg12 : memref<100x64xf32, #tpu.memory_space<vmem>>)
    %dma_start3A_284 = arith.constant 198 : i32
    %dma_start3A_285 = arith.constant 0 : i32
    %dma_start3A_286 = tpu.memref_slice %arg8[%dma_start3A_284, %dma_start3A_285] : memref<200x100xi32, #tpu.memory_space<vmem>> -> memref<1x100xi32, #tpu.memory_space<vmem>>
    %dma_start3A_287 = tpu.memref_squeeze %dma_start3A_286 : memref<1x100xi32, #tpu.memory_space<vmem>> -> memref<100xi32, #tpu.memory_space<vmem>>
    %dma_start3A_288 = arith.constant 0 : i32
    %dma_start3A_289 = arith.constant 0 : i32
    %dma_start3A_290 = tpu.memref_slice %arg6[%dma_start3A_288, %dma_start3A_289] : memref<10000x64xf32, #tpu.memory_space<vmem_shared>> -> memref<10000x64xf32, #tpu.memory_space<vmem_shared>>
    tpu.enqueue_indirect_dma source(%arg12 : memref<100x64xf32, #tpu.memory_space<vmem>>) target(%dma_start3A_290 : memref<10000x64xf32, #tpu.memory_space<vmem_shared>>) offsets(%dma_start3A_287 : memref<100xi32, #tpu.memory_space<vmem>>) semaphore(%arg20 : memref<!tpu.dma_semaphore, #tpu.memory_space<semaphore_mem>>) {add = true}
    %dma_wait3A_291 = arith.constant 199 : i32
    %dma_wait3A_292 = arith.constant 0 : i32
    %dma_wait3A_293 = tpu.memref_slice %arg7[%dma_wait3A_291, %dma_wait3A_292] : memref<200x100xi32, #tpu.memory_space<vmem>> -> memref<1x100xi32, #tpu.memory_space<vmem>>
    %dma_wait3A_294 = tpu.memref_squeeze %dma_wait3A_293 : memref<1x100xi32, #tpu.memory_space<vmem>> -> memref<100xi32, #tpu.memory_space<vmem>>
    %dma_wait3A_295 = arith.constant 0 : i32
    %dma_wait3A_296 = arith.constant 0 : i32
    %dma_wait3A_297 = tpu.memref_slice %arg2[%arg0, %dma_wait3A_295, %dma_wait3A_296] : memref<2x10000x64xf32, #tpu.memory_space<hbm>> -> memref<1x10000x64xf32, #tpu.memory_space<hbm>>
    %dma_wait3A_298 = tpu.memref_squeeze %dma_wait3A_297 : memref<1x10000x64xf32, #tpu.memory_space<hbm>> -> memref<10000x64xf32, #tpu.memory_space<hbm>>
    %dma_wait3A_299 = arith.constant 0 : i32
    %dma_wait3A_300 = arith.constant 0 : i32
    %dma_wait3A_301 = tpu.memref_slice %dma_wait3A_298[%dma_wait3A_299, %dma_wait3A_300] : memref<10000x64xf32, #tpu.memory_space<hbm>> -> memref<10000x64xf32, #tpu.memory_space<hbm>>
    tpu.wait_indirect_dma semaphore(%arg17 : memref<!tpu.dma_semaphore, #tpu.memory_space<semaphore_mem>>) src(%dma_wait3A_301 : memref<10000x64xf32, #tpu.memory_space<hbm>>) dst(%arg13 : memref<100x64xf32, #tpu.memory_space<vmem>>)
    %dma_start3A_302 = arith.constant 199 : i32
    %dma_start3A_303 = arith.constant 0 : i32
    %dma_start3A_304 = tpu.memref_slice %arg8[%dma_start3A_302, %dma_start3A_303] : memref<200x100xi32, #tpu.memory_space<vmem>> -> memref<1x100xi32, #tpu.memory_space<vmem>>
    %dma_start3A_305 = tpu.memref_squeeze %dma_start3A_304 : memref<1x100xi32, #tpu.memory_space<vmem>> -> memref<100xi32, #tpu.memory_space<vmem>>
    %dma_start3A_306 = arith.constant 0 : i32
    %dma_start3A_307 = arith.constant 0 : i32
    %dma_start3A_308 = tpu.memref_slice %arg6[%dma_start3A_306, %dma_start3A_307] : memref<10000x64xf32, #tpu.memory_space<vmem_shared>> -> memref<10000x64xf32, #tpu.memory_space<vmem_shared>>
    tpu.enqueue_indirect_dma source(%arg13 : memref<100x64xf32, #tpu.memory_space<vmem>>) target(%dma_start3A_308 : memref<10000x64xf32, #tpu.memory_space<vmem_shared>>) offsets(%dma_start3A_305 : memref<100xi32, #tpu.memory_space<vmem>>) semaphore(%arg21 : memref<!tpu.dma_semaphore, #tpu.memory_space<semaphore_mem>>) {add = true}
    %dma_wait3A_309 = arith.constant 0 : i32
    %dma_wait3A_310 = arith.constant 0 : i32
    %dma_wait3A_311 = tpu.memref_slice %arg8[%dma_wait3A_309, %dma_wait3A_310] : memref<200x100xi32, #tpu.memory_space<vmem>> -> memref<1x100xi32, #tpu.memory_space<vmem>>
    %dma_wait3A_312 = tpu.memref_squeeze %dma_wait3A_311 : memref<1x100xi32, #tpu.memory_space<vmem>> -> memref<100xi32, #tpu.memory_space<vmem>>
    %dma_wait3A_313 = arith.constant 0 : i32
    %dma_wait3A_314 = arith.constant 0 : i32
    %dma_wait3A_315 = tpu.memref_slice %arg6[%dma_wait3A_313, %dma_wait3A_314] : memref<10000x64xf32, #tpu.memory_space<vmem_shared>> -> memref<10000x64xf32, #tpu.memory_space<vmem_shared>>
    tpu.wait_indirect_dma semaphore(%arg18 : memref<!tpu.dma_semaphore, #tpu.memory_space<semaphore_mem>>) src(%arg10 : memref<100x64xf32, #tpu.memory_space<vmem>>) dst(%dma_wait3A_315 : memref<10000x64xf32, #tpu.memory_space<vmem_shared>>)
    %dma_wait3A_316 = arith.constant 0 : i32
    %dma_wait3A_317 = arith.constant 0 : i32
    %dma_wait3A_318 = tpu.memref_slice %arg8[%dma_wait3A_316, %dma_wait3A_317] : memref<200x100xi32, #tpu.memory_space<vmem>> -> memref<1x100xi32, #tpu.memory_space<vmem>>
    %dma_wait3A_319 = tpu.memref_squeeze %dma_wait3A_318 : memref<1x100xi32, #tpu.memory_space<vmem>> -> memref<100xi32, #tpu.memory_space<vmem>>
    %dma_wait3A_320 = arith.constant 0 : i32
    %dma_wait3A_321 = arith.constant 0 : i32
    %dma_wait3A_322 = tpu.memref_slice %arg6[%dma_wait3A_320, %dma_wait3A_321] : memref<10000x64xf32, #tpu.memory_space<vmem_shared>> -> memref<10000x64xf32, #tpu.memory_space<vmem_shared>>
    tpu.wait_indirect_dma semaphore(%arg19 : memref<!tpu.dma_semaphore, #tpu.memory_space<semaphore_mem>>) src(%arg11 : memref<100x64xf32, #tpu.memory_space<vmem>>) dst(%dma_wait3A_322 : memref<10000x64xf32, #tpu.memory_space<vmem_shared>>)
    %dma_wait3A_323 = arith.constant 0 : i32
    %dma_wait3A_324 = arith.constant 0 : i32
    %dma_wait3A_325 = tpu.memref_slice %arg8[%dma_wait3A_323, %dma_wait3A_324] : memref<200x100xi32, #tpu.memory_space<vmem>> -> memref<1x100xi32, #tpu.memory_space<vmem>>
    %dma_wait3A_326 = tpu.memref_squeeze %dma_wait3A_325 : memref<1x100xi32, #tpu.memory_space<vmem>> -> memref<100xi32, #tpu.memory_space<vmem>>
    %dma_wait3A_327 = arith.constant 0 : i32
    %dma_wait3A_328 = arith.constant 0 : i32
    %dma_wait3A_329 = tpu.memref_slice %arg6[%dma_wait3A_327, %dma_wait3A_328] : memref<10000x64xf32, #tpu.memory_space<vmem_shared>> -> memref<10000x64xf32, #tpu.memory_space<vmem_shared>>
    tpu.wait_indirect_dma semaphore(%arg20 : memref<!tpu.dma_semaphore, #tpu.memory_space<semaphore_mem>>) src(%arg12 : memref<100x64xf32, #tpu.memory_space<vmem>>) dst(%dma_wait3A_329 : memref<10000x64xf32, #tpu.memory_space<vmem_shared>>)
    %dma_wait3A_330 = arith.constant 0 : i32
    %dma_wait3A_331 = arith.constant 0 : i32
    %dma_wait3A_332 = tpu.memref_slice %arg8[%dma_wait3A_330, %dma_wait3A_331] : memref<200x100xi32, #tpu.memory_space<vmem>> -> memref<1x100xi32, #tpu.memory_space<vmem>>
    %dma_wait3A_333 = tpu.memref_squeeze %dma_wait3A_332 : memref<1x100xi32, #tpu.memory_space<vmem>> -> memref<100xi32, #tpu.memory_space<vmem>>
    %dma_wait3A_334 = arith.constant 0 : i32
    %dma_wait3A_335 = arith.constant 0 : i32
    %dma_wait3A_336 = tpu.memref_slice %arg6[%dma_wait3A_334, %dma_wait3A_335] : memref<10000x64xf32, #tpu.memory_space<vmem_shared>> -> memref<10000x64xf32, #tpu.memory_space<vmem_shared>>
    tpu.wait_indirect_dma semaphore(%arg21 : memref<!tpu.dma_semaphore, #tpu.memory_space<semaphore_mem>>) src(%arg13 : memref<100x64xf32, #tpu.memory_space<vmem>>) dst(%dma_wait3A_336 : memref<10000x64xf32, #tpu.memory_space<vmem_shared>>)
    %barrier3A_337 = arith.constant 0 : index
    tpu.barrier barrier_id(%barrier3A_337)
    %mul3A_338 = arith.constant 624 : i32
    %mul3A_339 = arith.muli %arg1, %mul3A_338 : i32
    %mul3A_340 = arith.constant 624 : i32
    %mul3A_341 = arith.muli %arg1, %mul3A_340 : i32
    "tpu.region"() ({
      %run_scoped3A = tpu.sem_alloc : memref<!tpu.dma_semaphore, #tpu.memory_space<semaphore_mem>>
      %dma_start3A_347 = arith.constant 0 : i32
      %dma_start3A_348 = tpu.memref_slice %arg5[%arg0, %mul3A_341, %dma_start3A_347] : memref<2x10000x64xf32, #tpu.memory_space<hbm>> -> memref<1x624x64xf32, #tpu.memory_space<hbm>>
      %dma_start3A_349 = tpu.memref_squeeze %dma_start3A_348 : memref<1x624x64xf32, #tpu.memory_space<hbm>> -> memref<624x64xf32, #tpu.memory_space<hbm>>
      %dma_start3A_350 = arith.constant 0 : i32
      %dma_start3A_351 = tpu.memref_slice %arg6[%mul3A_339, %dma_start3A_350] : memref<10000x64xf32, #tpu.memory_space<vmem_shared>> -> memref<624x64xf32, #tpu.memory_space<vmem_shared>>
      tpu.enqueue_dma source(%dma_start3A_351 : memref<624x64xf32, #tpu.memory_space<vmem_shared>>) target(%dma_start3A_349 : memref<624x64xf32, #tpu.memory_space<hbm>>) target_semaphore(%run_scoped3A : memref<!tpu.dma_semaphore, #tpu.memory_space<semaphore_mem>>)
      %dma_wait3A_352 = arith.constant 0 : i32
      %dma_wait3A_353 = tpu.memref_slice %arg5[%arg0, %mul3A_341, %dma_wait3A_352] : memref<2x10000x64xf32, #tpu.memory_space<hbm>> -> memref<1x624x64xf32, #tpu.memory_space<hbm>>
      %dma_wait3A_354 = tpu.memref_squeeze %dma_wait3A_353 : memref<1x624x64xf32, #tpu.memory_space<hbm>> -> memref<624x64xf32, #tpu.memory_space<hbm>>
      %dma_wait3A_355 = arith.constant 0 : i32
      %dma_wait3A_356 = tpu.memref_slice %arg6[%mul3A_339, %dma_wait3A_355] : memref<10000x64xf32, #tpu.memory_space<vmem_shared>> -> memref<624x64xf32, #tpu.memory_space<vmem_shared>>
      tpu.wait_dma2 semaphore(%run_scoped3A : memref<!tpu.dma_semaphore, #tpu.memory_space<semaphore_mem>>) src(%dma_wait3A_356 : memref<624x64xf32, #tpu.memory_space<vmem_shared>>) dst(%dma_wait3A_354 : memref<624x64xf32, #tpu.memory_space<hbm>>)
      tpu.yield
    }) : () -> ()
    %eq3A_342 = arith.constant 15 : i32
    %eq3A_343 = arith.cmpi eq, %arg1, %eq3A_342 : i32
    %convert_element_type3A_344 = arith.extui %eq3A_343 : i1 to i32
    %cond3A_345 = arith.constant 0 : i32
    %cond3A_346 = arith.cmpi ne, %convert_element_type3A_344, %cond3A_345 : i32
    scf.if %cond3A_346 {
      "tpu.region"() ({
        %run_scoped3A = tpu.sem_alloc : memref<!tpu.dma_semaphore, #tpu.memory_space<semaphore_mem>>
        %dma_start3A_347 = arith.constant 9984 : i32
        %dma_start3A_348 = arith.constant 0 : i32
        %dma_start3A_349 = tpu.memref_slice %arg5[%arg0, %dma_start3A_347, %dma_start3A_348] : memref<2x10000x64xf32, #tpu.memory_space<hbm>> -> memref<1x16x64xf32, #tpu.memory_space<hbm>>
        %dma_start3A_350 = tpu.memref_squeeze %dma_start3A_349 : memref<1x16x64xf32, #tpu.memory_space<hbm>> -> memref<16x64xf32, #tpu.memory_space<hbm>>
        %dma_start3A_351 = arith.constant 9984 : i32
        %dma_start3A_352 = arith.constant 0 : i32
        %dma_start3A_353 = tpu.memref_slice %arg6[%dma_start3A_351, %dma_start3A_352] : memref<10000x64xf32, #tpu.memory_space<vmem_shared>> -> memref<16x64xf32, #tpu.memory_space<vmem_shared>>
        tpu.enqueue_dma source(%dma_start3A_353 : memref<16x64xf32, #tpu.memory_space<vmem_shared>>) target(%dma_start3A_350 : memref<16x64xf32, #tpu.memory_space<hbm>>) target_semaphore(%run_scoped3A : memref<!tpu.dma_semaphore, #tpu.memory_space<semaphore_mem>>)
        %dma_wait3A_354 = arith.constant 9984 : i32
        %dma_wait3A_355 = arith.constant 0 : i32
        %dma_wait3A_356 = tpu.memref_slice %arg5[%arg0, %dma_wait3A_354, %dma_wait3A_355] : memref<2x10000x64xf32, #tpu.memory_space<hbm>> -> memref<1x16x64xf32, #tpu.memory_space<hbm>>
        %dma_wait3A_357 = tpu.memref_squeeze %dma_wait3A_356 : memref<1x16x64xf32, #tpu.memory_space<hbm>> -> memref<16x64xf32, #tpu.memory_space<hbm>>
        %dma_wait3A_358 = arith.constant 9984 : i32
        %dma_wait3A_359 = arith.constant 0 : i32
        %dma_wait3A_360 = tpu.memref_slice %arg6[%dma_wait3A_358, %dma_wait3A_359] : memref<10000x64xf32, #tpu.memory_space<vmem_shared>> -> memref<16x64xf32, #tpu.memory_space<vmem_shared>>
        tpu.wait_dma2 semaphore(%run_scoped3A : memref<!tpu.dma_semaphore, #tpu.memory_space<semaphore_mem>>) src(%dma_wait3A_360 : memref<16x64xf32, #tpu.memory_space<vmem_shared>>) dst(%dma_wait3A_357 : memref<16x64xf32, #tpu.memory_space<hbm>>)
        tpu.yield
      }) : () -> ()
    } else {
    }
    return
  }
}

module attributes {stable_mosaic.version = 14 : i64} {
  func.func @body(%arg0: i32, %arg1: memref<2x2000x1xf32, #tpu.memory_space<vmem>>, %arg2: memref<2000x128xf32, #tpu.memory_space<vmem>>, %arg3: memref<128x128xf32, #tpu.memory_space<vmem>>, %arg4: memref<2000x1xf32, #tpu.memory_space<vmem>>, %arg5: memref<2x2000x64xf32, #tpu.memory_space<vmem>>) attributes {dimension_semantics = [#tpu.dimension_semantics<arbitrary>], iteration_bounds = array<i64: 5>, scalar_prefetch = 0 : i64, scratch_operands = 0 : i64, tpu.core_type = #tpu.core_type<tc>, window_params = [{transform_indices = @transform_0, window_bounds = array<i64: 2, 2000, 1>}, {transform_indices = @transform_1, window_bounds = array<i64: 2000, 128>}, {pipeline_mode = #tpu.pipeline_mode<synchronous>, transform_indices = @transform_2, window_bounds = array<i64: 128, 128>}, {transform_indices = @transform_3, window_bounds = array<i64: 2000, 1>}, {transform_indices = @transform_4, window_bounds = array<i64: 2, 2000, 64>}]} {
    %get3A = arith.constant 0 : index
    %get3A_0 = arith.constant 0 : index
    %get3A_1 = arith.constant 0 : index
    %get3A_2 = vector.load %arg1[%get3A, %get3A_0, %get3A_1] : memref<2x2000x1xf32, #tpu.memory_space<vmem>>, vector<1x2000x1xf32>
    %get3A_3 = vector.shape_cast %get3A_2 : vector<1x2000x1xf32> to vector<2000x1xf32>
    %get3A_4 = arith.constant 1 : index
    %get3A_5 = arith.constant 0 : index
    %get3A_6 = arith.constant 0 : index
    %get3A_7 = vector.load %arg1[%get3A_4, %get3A_5, %get3A_6] : memref<2x2000x1xf32, #tpu.memory_space<vmem>>, vector<1x2000x1xf32>
    %get3A_8 = vector.shape_cast %get3A_7 : vector<1x2000x1xf32> to vector<2000x1xf32>
    %add3A = arith.addf %get3A_3, %get3A_8 : vector<2000x1xf32>
    %add3A_9 = arith.constant 1.000000e+00 : f32
    %add3A_10 = vector.broadcast %add3A_9 : f32 to vector<2000x1xf32>
    %add3A_11 = arith.addf %add3A, %add3A_10 : vector<2000x1xf32>
    %rsqrt3A = math.rsqrt %add3A_11 : vector<2000x1xf32>
    %swap3A = arith.constant 0 : index
    %swap3A_12 = arith.constant 0 : index
    %swap3A_13 = vector.load %arg4[%swap3A, %swap3A_12] : memref<2000x1xf32, #tpu.memory_space<vmem>>, vector<2000x1xf32>
    tpu.vector_store %arg4[%swap3A, %swap3A_12], %rsqrt3A {strides = array<i32>} : memref<2000x1xf32, #tpu.memory_space<vmem>>, vector<2000x1xf32>,
    %get3A_14 = arith.constant 0 : index
    %get3A_15 = arith.constant 0 : index
    %get3A_16 = vector.load %arg2[%get3A_14, %get3A_15] : memref<2000x128xf32, #tpu.memory_space<vmem>>, vector<2000x128xf32>
    %get3A_17 = arith.constant 0 : index
    %get3A_18 = arith.constant 0 : index
    %get3A_19 = vector.load %arg3[%get3A_17, %get3A_18] : memref<128x128xf32, #tpu.memory_space<vmem>>, vector<128x128xf32>
    %dot_general3A = arith.constant dense<0.000000e+00> : vector<2000x128xf32>
    %dot_general3A_20 = tpu.matmul %get3A_16, %get3A_19, %dot_general3A {dimension_numbers = #tpu.dot_dimension_numbers<[1], [0], [0], [1], [0, 0, 1, 1], [], []>, transpose_lhs_hint = false} : vector<2000x128xf32>, vector<128x128xf32>, vector<2000x128xf32> -> vector<2000x128xf32>
    %mul3A = vector.broadcast %rsqrt3A : vector<2000x1xf32> to vector<2000x128xf32>
    %mul3A_21 = arith.mulf %dot_general3A_20, %mul3A : vector<2000x128xf32>
    %slice3A = vector.extract_strided_slice %mul3A_21 {offsets = [0, 0], sizes = [2000, 64], strides = [1, 1]} : vector<2000x128xf32> to vector<2000x64xf32>
    %slice3A_22 = vector.extract_strided_slice %mul3A_21 {offsets = [0, 64], sizes = [2000, 64], strides = [1, 1]} : vector<2000x128xf32> to vector<2000x64xf32>
    %swap3A_23 = arith.constant 0 : index
    %swap3A_24 = arith.constant 0 : index
    %swap3A_25 = arith.constant 0 : index
    %swap3A_26 = vector.load %arg5[%swap3A_23, %swap3A_24, %swap3A_25] : memref<2x2000x64xf32, #tpu.memory_space<vmem>>, vector<1x2000x64xf32>
    %swap3A_27 = vector.shape_cast %swap3A_26 : vector<1x2000x64xf32> to vector<2000x64xf32>
    %swap3A_28 = vector.shape_cast %slice3A : vector<2000x64xf32> to vector<1x2000x64xf32>
    tpu.vector_store %arg5[%swap3A_23, %swap3A_24, %swap3A_25], %swap3A_28 {strides = array<i32>} : memref<2x2000x64xf32, #tpu.memory_space<vmem>>, vector<1x2000x64xf32>,
    %swap3A_29 = arith.constant 1 : index
    %swap3A_30 = arith.constant 0 : index
    %swap3A_31 = arith.constant 0 : index
    %swap3A_32 = vector.load %arg5[%swap3A_29, %swap3A_30, %swap3A_31] : memref<2x2000x64xf32, #tpu.memory_space<vmem>>, vector<1x2000x64xf32>
    %swap3A_33 = vector.shape_cast %swap3A_32 : vector<1x2000x64xf32> to vector<2000x64xf32>
    %swap3A_34 = vector.shape_cast %slice3A_22 : vector<2000x64xf32> to vector<1x2000x64xf32>
    tpu.vector_store %arg5[%swap3A_29, %swap3A_30, %swap3A_31], %swap3A_34 {strides = array<i32>} : memref<2x2000x64xf32, #tpu.memory_space<vmem>>, vector<1x2000x64xf32>,
    return
  }
  func.func @transform_0(%arg0: i32) -> (i32, i32, i32) {
    %c0_i32 = arith.constant 0 : i32
    %c0_i32_0 = arith.constant 0 : i32
    %c0_i32_1 = arith.constant 0 : i32
    return %c0_i32, %arg0, %c0_i32_0 : i32, i32, i32
  }
  func.func @transform_1(%arg0: i32) -> (i32, i32) {
    %c0_i32 = arith.constant 0 : i32
    %c0_i32_0 = arith.constant 0 : i32
    return %arg0, %c0_i32 : i32, i32
  }
  func.func @transform_2(%arg0: i32) -> (i32, i32) {
    %c0_i32 = arith.constant 0 : i32
    %c0_i32_0 = arith.constant 0 : i32
    %c0_i32_1 = arith.constant 0 : i32
    return %c0_i32, %c0_i32_0 : i32, i32
  }
  func.func @transform_3(%arg0: i32) -> (i32, i32) {
    %c0_i32 = arith.constant 0 : i32
    %c0_i32_0 = arith.constant 0 : i32
    return %arg0, %c0_i32 : i32, i32
  }
  func.func @transform_4(%arg0: i32) -> (i32, i32, i32) {
    %c0_i32 = arith.constant 0 : i32
    %c0_i32_0 = arith.constant 0 : i32
    %c0_i32_1 = arith.constant 0 : i32
    return %c0_i32, %arg0, %c0_i32_0 : i32, i32, i32
  }
}

module attributes {stable_mosaic.version = 14 : i64} {
  func.func @body(%arg0: i32, %arg1: memref<2x2000x64xf32, #tpu.memory_space<vmem>>, %arg2: memref<2x2000x64xf32, #tpu.memory_space<vmem>>, %arg3: memref<2000x1xf32, #tpu.memory_space<vmem>>, %arg4: memref<1x128xf32, #tpu.memory_space<vmem>>, %arg5: memref<128x128xf32, #tpu.memory_space<vmem>>, %arg6: memref<2x2000x64xf32, #tpu.memory_space<vmem>>) attributes {dimension_semantics = [#tpu.dimension_semantics<arbitrary>], iteration_bounds = array<i64: 5>, scalar_prefetch = 0 : i64, scratch_operands = 0 : i64, tpu.core_type = #tpu.core_type<tc>, window_params = [{transform_indices = @transform_0, window_bounds = array<i64: 2, 2000, 64>}, {transform_indices = @transform_1, window_bounds = array<i64: 2, 2000, 64>}, {transform_indices = @transform_2, window_bounds = array<i64: 2000, 1>}, {pipeline_mode = #tpu.pipeline_mode<synchronous>, transform_indices = @transform_3, window_bounds = array<i64: 1, 128>}, {pipeline_mode = #tpu.pipeline_mode<synchronous>, transform_indices = @transform_4, window_bounds = array<i64: 128, 128>}, {transform_indices = @transform_5, window_bounds = array<i64: 2, 2000, 64>}]} {
    %get3A = arith.constant 0 : index
    %get3A_0 = arith.constant 0 : index
    %get3A_1 = vector.load %arg3[%get3A, %get3A_0] : memref<2000x1xf32, #tpu.memory_space<vmem>>, vector<2000x1xf32>
    %get3A_2 = arith.constant 0 : index
    %get3A_3 = arith.constant 0 : index
    %get3A_4 = arith.constant 0 : index
    %get3A_5 = vector.load %arg1[%get3A_2, %get3A_3, %get3A_4] : memref<2x2000x64xf32, #tpu.memory_space<vmem>>, vector<1x2000x64xf32>
    %get3A_6 = vector.shape_cast %get3A_5 : vector<1x2000x64xf32> to vector<2000x64xf32>
    %get3A_7 = arith.constant 0 : index
    %get3A_8 = arith.constant 0 : index
    %get3A_9 = arith.constant 0 : index
    %get3A_10 = vector.load %arg2[%get3A_7, %get3A_8, %get3A_9] : memref<2x2000x64xf32, #tpu.memory_space<vmem>>, vector<1x2000x64xf32>
    %get3A_11 = vector.shape_cast %get3A_10 : vector<1x2000x64xf32> to vector<2000x64xf32>
    %add3A = arith.addf %get3A_6, %get3A_11 : vector<2000x64xf32>
    %get3A_12 = arith.constant 1 : index
    %get3A_13 = arith.constant 0 : index
    %get3A_14 = arith.constant 0 : index
    %get3A_15 = vector.load %arg1[%get3A_12, %get3A_13, %get3A_14] : memref<2x2000x64xf32, #tpu.memory_space<vmem>>, vector<1x2000x64xf32>
    %get3A_16 = vector.shape_cast %get3A_15 : vector<1x2000x64xf32> to vector<2000x64xf32>
    %get3A_17 = arith.constant 1 : index
    %get3A_18 = arith.constant 0 : index
    %get3A_19 = arith.constant 0 : index
    %get3A_20 = vector.load %arg2[%get3A_17, %get3A_18, %get3A_19] : memref<2x2000x64xf32, #tpu.memory_space<vmem>>, vector<1x2000x64xf32>
    %get3A_21 = vector.shape_cast %get3A_20 : vector<1x2000x64xf32> to vector<2000x64xf32>
    %add3A_22 = arith.addf %get3A_16, %get3A_21 : vector<2000x64xf32>
    %concatenate3A = tpu.concatenate %add3A, %add3A_22 in 1 : vector<2000x64xf32>, vector<2000x64xf32> -> vector<2000x128xf32>
    %mul3A = vector.broadcast %get3A_1 : vector<2000x1xf32> to vector<2000x128xf32>
    %mul3A_23 = arith.mulf %mul3A, %concatenate3A : vector<2000x128xf32>
    %get3A_24 = arith.constant 0 : index
    %get3A_25 = arith.constant 0 : index
    %get3A_26 = vector.load %arg4[%get3A_24, %get3A_25] : memref<1x128xf32, #tpu.memory_space<vmem>>, vector<1x128xf32>
    %add3A_27 = vector.broadcast %get3A_26 : vector<1x128xf32> to vector<2000x128xf32>
    %add3A_28 = arith.addf %mul3A_23, %add3A_27 : vector<2000x128xf32>
    %max3A = arith.constant 0.000000e+00 : f32
    %max3A_29 = vector.broadcast %max3A : f32 to vector<2000x128xf32>
    %max3A_30 = arith.maximumf %add3A_28, %max3A_29 : vector<2000x128xf32>
    %get3A_31 = arith.constant 0 : index
    %get3A_32 = arith.constant 0 : index
    %get3A_33 = vector.load %arg5[%get3A_31, %get3A_32] : memref<128x128xf32, #tpu.memory_space<vmem>>, vector<128x128xf32>
    %dot_general3A = arith.constant dense<0.000000e+00> : vector<2000x128xf32>
    %dot_general3A_34 = tpu.matmul %max3A_30, %get3A_33, %dot_general3A {dimension_numbers = #tpu.dot_dimension_numbers<[1], [0], [0], [1], [0, 0, 1, 1], [], []>, transpose_lhs_hint = false} : vector<2000x128xf32>, vector<128x128xf32>, vector<2000x128xf32> -> vector<2000x128xf32>
    %mul3A_35 = vector.broadcast %get3A_1 : vector<2000x1xf32> to vector<2000x128xf32>
    %mul3A_36 = arith.mulf %dot_general3A_34, %mul3A_35 : vector<2000x128xf32>
    %slice3A = vector.extract_strided_slice %mul3A_36 {offsets = [0, 0], sizes = [2000, 64], strides = [1, 1]} : vector<2000x128xf32> to vector<2000x64xf32>
    %slice3A_37 = vector.extract_strided_slice %mul3A_36 {offsets = [0, 64], sizes = [2000, 64], strides = [1, 1]} : vector<2000x128xf32> to vector<2000x64xf32>
    %swap3A = arith.constant 0 : index
    %swap3A_38 = arith.constant 0 : index
    %swap3A_39 = arith.constant 0 : index
    %swap3A_40 = vector.load %arg6[%swap3A, %swap3A_38, %swap3A_39] : memref<2x2000x64xf32, #tpu.memory_space<vmem>>, vector<1x2000x64xf32>
    %swap3A_41 = vector.shape_cast %swap3A_40 : vector<1x2000x64xf32> to vector<2000x64xf32>
    %swap3A_42 = vector.shape_cast %slice3A : vector<2000x64xf32> to vector<1x2000x64xf32>
    tpu.vector_store %arg6[%swap3A, %swap3A_38, %swap3A_39], %swap3A_42 {strides = array<i32>} : memref<2x2000x64xf32, #tpu.memory_space<vmem>>, vector<1x2000x64xf32>,
    %swap3A_43 = arith.constant 1 : index
    %swap3A_44 = arith.constant 0 : index
    %swap3A_45 = arith.constant 0 : index
    %swap3A_46 = vector.load %arg6[%swap3A_43, %swap3A_44, %swap3A_45] : memref<2x2000x64xf32, #tpu.memory_space<vmem>>, vector<1x2000x64xf32>
    %swap3A_47 = vector.shape_cast %swap3A_46 : vector<1x2000x64xf32> to vector<2000x64xf32>
    %swap3A_48 = vector.shape_cast %slice3A_37 : vector<2000x64xf32> to vector<1x2000x64xf32>
    tpu.vector_store %arg6[%swap3A_43, %swap3A_44, %swap3A_45], %swap3A_48 {strides = array<i32>} : memref<2x2000x64xf32, #tpu.memory_space<vmem>>, vector<1x2000x64xf32>,
    return
  }
  func.func @transform_0(%arg0: i32) -> (i32, i32, i32) {
    %c0_i32 = arith.constant 0 : i32
    %c0_i32_0 = arith.constant 0 : i32
    %c0_i32_1 = arith.constant 0 : i32
    return %c0_i32, %arg0, %c0_i32_0 : i32, i32, i32
  }
  func.func @transform_1(%arg0: i32) -> (i32, i32, i32) {
    %c0_i32 = arith.constant 0 : i32
    %c0_i32_0 = arith.constant 0 : i32
    %c0_i32_1 = arith.constant 0 : i32
    return %c0_i32, %arg0, %c0_i32_0 : i32, i32, i32
  }
  func.func @transform_2(%arg0: i32) -> (i32, i32) {
    %c0_i32 = arith.constant 0 : i32
    %c0_i32_0 = arith.constant 0 : i32
    return %arg0, %c0_i32 : i32, i32
  }
  func.func @transform_3(%arg0: i32) -> (i32, i32) {
    %c0_i32 = arith.constant 0 : i32
    %c0_i32_0 = arith.constant 0 : i32
    %c0_i32_1 = arith.constant 0 : i32
    return %c0_i32, %c0_i32_0 : i32, i32
  }
  func.func @transform_4(%arg0: i32) -> (i32, i32) {
    %c0_i32 = arith.constant 0 : i32
    %c0_i32_0 = arith.constant 0 : i32
    %c0_i32_1 = arith.constant 0 : i32
    return %c0_i32, %c0_i32_0 : i32, i32
  }
  func.func @transform_5(%arg0: i32) -> (i32, i32, i32) {
    %c0_i32 = arith.constant 0 : i32
    %c0_i32_0 = arith.constant 0 : i32
    %c0_i32_1 = arith.constant 0 : i32
    return %c0_i32, %arg0, %c0_i32_0 : i32, i32, i32
  }
}

module attributes {stable_mosaic.version = 14 : i64} {
  func.func @body(%arg0: i32, %arg1: memref<2x2000x64xf32, #tpu.memory_space<vmem>>, %arg2: memref<2x2000x64xf32, #tpu.memory_space<vmem>>, %arg3: memref<2000x1xf32, #tpu.memory_space<vmem>>, %arg4: memref<1x128xf32, #tpu.memory_space<vmem>>, %arg5: memref<2000x1xi32, #tpu.memory_space<vmem>>, %arg6: memref<128x128xf32, #tpu.memory_space<vmem>>, %arg7: memref<1x128xf32, #tpu.memory_space<vmem>>, %arg8: memref<128x16xf32, #tpu.memory_space<vmem>>, %arg9: memref<1x16xf32, #tpu.memory_space<vmem>>, %arg10: memref<256x16xf32, #tpu.memory_space<vmem>>, %arg11: memref<256x128xf32, #tpu.memory_space<vmem>>, %arg12: memref<256x1xf32, #tpu.memory_space<vmem>>) attributes {dimension_semantics = [#tpu.dimension_semantics<arbitrary>], iteration_bounds = array<i64: 5>, scalar_prefetch = 0 : i64, scratch_operands = 2 : i64, tpu.core_type = #tpu.core_type<tc>, window_params = [{transform_indices = @transform_0, window_bounds = array<i64: 2, 2000, 64>}, {transform_indices = @transform_1, window_bounds = array<i64: 2, 2000, 64>}, {transform_indices = @transform_2, window_bounds = array<i64: 2000, 1>}, {pipeline_mode = #tpu.pipeline_mode<synchronous>, transform_indices = @transform_3, window_bounds = array<i64: 1, 128>}, {transform_indices = @transform_4, window_bounds = array<i64: 2000, 1>}, {pipeline_mode = #tpu.pipeline_mode<synchronous>, transform_indices = @transform_5, window_bounds = array<i64: 128, 128>}, {pipeline_mode = #tpu.pipeline_mode<synchronous>, transform_indices = @transform_6, window_bounds = array<i64: 1, 128>}, {pipeline_mode = #tpu.pipeline_mode<synchronous>, transform_indices = @transform_7, window_bounds = array<i64: 128, 16>}, {pipeline_mode = #tpu.pipeline_mode<synchronous>, transform_indices = @transform_8, window_bounds = array<i64: 1, 16>}, {pipeline_mode = #tpu.pipeline_mode<synchronous>, transform_indices = @transform_9, window_bounds = array<i64: 256, 16>}]} {
    %get3A = arith.constant 0 : index
    %get3A_0 = arith.constant 0 : index
    %get3A_1 = vector.load %arg3[%get3A, %get3A_0] : memref<2000x1xf32, #tpu.memory_space<vmem>>, vector<2000x1xf32>
    %get3A_2 = arith.constant 0 : index
    %get3A_3 = arith.constant 0 : index
    %get3A_4 = arith.constant 0 : index
    %get3A_5 = vector.load %arg1[%get3A_2, %get3A_3, %get3A_4] : memref<2x2000x64xf32, #tpu.memory_space<vmem>>, vector<1x2000x64xf32>
    %get3A_6 = vector.shape_cast %get3A_5 : vector<1x2000x64xf32> to vector<2000x64xf32>
    %get3A_7 = arith.constant 0 : index
    %get3A_8 = arith.constant 0 : index
    %get3A_9 = arith.constant 0 : index
    %get3A_10 = vector.load %arg2[%get3A_7, %get3A_8, %get3A_9] : memref<2x2000x64xf32, #tpu.memory_space<vmem>>, vector<1x2000x64xf32>
    %get3A_11 = vector.shape_cast %get3A_10 : vector<1x2000x64xf32> to vector<2000x64xf32>
    %add3A = arith.addf %get3A_6, %get3A_11 : vector<2000x64xf32>
    %get3A_12 = arith.constant 1 : index
    %get3A_13 = arith.constant 0 : index
    %get3A_14 = arith.constant 0 : index
    %get3A_15 = vector.load %arg1[%get3A_12, %get3A_13, %get3A_14] : memref<2x2000x64xf32, #tpu.memory_space<vmem>>, vector<1x2000x64xf32>
    %get3A_16 = vector.shape_cast %get3A_15 : vector<1x2000x64xf32> to vector<2000x64xf32>
    %get3A_17 = arith.constant 1 : index
    %get3A_18 = arith.constant 0 : index
    %get3A_19 = arith.constant 0 : index
    %get3A_20 = vector.load %arg2[%get3A_17, %get3A_18, %get3A_19] : memref<2x2000x64xf32, #tpu.memory_space<vmem>>, vector<1x2000x64xf32>
    %get3A_21 = vector.shape_cast %get3A_20 : vector<1x2000x64xf32> to vector<2000x64xf32>
    %add3A_22 = arith.addf %get3A_16, %get3A_21 : vector<2000x64xf32>
    %concatenate3A = tpu.concatenate %add3A, %add3A_22 in 1 : vector<2000x64xf32>, vector<2000x64xf32> -> vector<2000x128xf32>
    %mul3A = vector.broadcast %get3A_1 : vector<2000x1xf32> to vector<2000x128xf32>
    %mul3A_23 = arith.mulf %mul3A, %concatenate3A : vector<2000x128xf32>
    %get3A_24 = arith.constant 0 : index
    %get3A_25 = arith.constant 0 : index
    %get3A_26 = vector.load %arg4[%get3A_24, %get3A_25] : memref<1x128xf32, #tpu.memory_space<vmem>>, vector<1x128xf32>
    %add3A_27 = vector.broadcast %get3A_26 : vector<1x128xf32> to vector<2000x128xf32>
    %add3A_28 = arith.addf %mul3A_23, %add3A_27 : vector<2000x128xf32>
    %max3A = arith.constant 0.000000e+00 : f32
    %max3A_29 = vector.broadcast %max3A : f32 to vector<2000x128xf32>
    %max3A_30 = arith.maximumf %add3A_28, %max3A_29 : vector<2000x128xf32>
    %iota3A = tpu.iota {dimensions = array<i32: 1>} : vector<2000x256xi32>
    %get3A_31 = arith.constant 0 : index
    %get3A_32 = arith.constant 0 : index
    %get3A_33 = vector.load %arg5[%get3A_31, %get3A_32] : memref<2000x1xi32, #tpu.memory_space<vmem>>, vector<2000x1xi32>
    %eq3A = vector.broadcast %get3A_33 : vector<2000x1xi32> to vector<2000x256xi32>
    %eq3A_34 = arith.cmpi eq, %eq3A, %iota3A : vector<2000x256xi32>
    %convert_element_type3A = arith.extui %eq3A_34 : vector<2000x256xi1> to vector<2000x256xi32>
    %convert_element_type3A_35 = arith.sitofp %convert_element_type3A : vector<2000x256xi32> to vector<2000x256xf32>
    %dot_general3A = arith.constant dense<0.000000e+00> : vector<256x128xf32>
    %dot_general3A_36 = tpu.matmul %convert_element_type3A_35, %max3A_30, %dot_general3A {dimension_numbers = #tpu.dot_dimension_numbers<[0], [0], [1], [1], [0, 1, 1, 1], [], []>, transpose_lhs_hint = false} : vector<2000x256xf32>, vector<2000x128xf32>, vector<256x128xf32> -> vector<256x128xf32>
    %broadcast_in_dim3A = arith.constant 1.000000e+00 : f32
    %broadcast_in_dim3A_37 = vector.broadcast %broadcast_in_dim3A : f32 to vector<2000x1xf32>
    %dot_general3A_38 = arith.constant dense<0.000000e+00> : vector<256x1xf32>
    %dot_general3A_39 = tpu.matmul %convert_element_type3A_35, %broadcast_in_dim3A_37, %dot_general3A_38 {dimension_numbers = #tpu.dot_dimension_numbers<[0], [0], [1], [1], [0, 1, 1, 1], [], []>, transpose_lhs_hint = false} : vector<2000x256xf32>, vector<2000x1xf32>, vector<256x1xf32> -> vector<256x1xf32>
    %eq3A_40 = arith.constant 0 : i32
    %eq3A_41 = arith.cmpi eq, %arg0, %eq3A_40 : i32
    %convert_element_type3A_42 = arith.extui %eq3A_41 : i1 to i32
    %cond3A = arith.constant 0 : i32
    %cond3A_43 = arith.cmpi ne, %convert_element_type3A_42, %cond3A : i32
    scf.if %cond3A_43 {
      %broadcast_in_dim3A_62 = arith.constant 0.000000e+00 : f32
      %broadcast_in_dim3A_63 = vector.broadcast %broadcast_in_dim3A_62 : f32 to vector<256x128xf32>
      %swap3A_64 = arith.constant 0 : index
      %swap3A_65 = arith.constant 0 : index
      %swap3A_66 = vector.load %arg11[%swap3A_64, %swap3A_65] : memref<256x128xf32, #tpu.memory_space<vmem>>, vector<256x128xf32>
      tpu.vector_store %arg11[%swap3A_64, %swap3A_65], %broadcast_in_dim3A_63 {strides = array<i32>} : memref<256x128xf32, #tpu.memory_space<vmem>>, vector<256x128xf32>,
      %broadcast_in_dim3A_67 = arith.constant 0.000000e+00 : f32
      %broadcast_in_dim3A_68 = vector.broadcast %broadcast_in_dim3A_67 : f32 to vector<256x1xf32>
      %swap3A_69 = arith.constant 0 : index
      %swap3A_70 = arith.constant 0 : index
      %swap3A_71 = vector.load %arg12[%swap3A_69, %swap3A_70] : memref<256x1xf32, #tpu.memory_space<vmem>>, vector<256x1xf32>
      tpu.vector_store %arg12[%swap3A_69, %swap3A_70], %broadcast_in_dim3A_68 {strides = array<i32>} : memref<256x1xf32, #tpu.memory_space<vmem>>, vector<256x1xf32>,
    } else {
    }
    %get3A_44 = arith.constant 0 : index
    %get3A_45 = arith.constant 0 : index
    %get3A_46 = vector.load %arg11[%get3A_44, %get3A_45] : memref<256x128xf32, #tpu.memory_space<vmem>>, vector<256x128xf32>
    %add3A_47 = arith.addf %get3A_46, %dot_general3A_36 : vector<256x128xf32>
    %swap3A = arith.constant 0 : index
    %swap3A_48 = arith.constant 0 : index
    %swap3A_49 = vector.load %arg11[%swap3A, %swap3A_48] : memref<256x128xf32, #tpu.memory_space<vmem>>, vector<256x128xf32>
    tpu.vector_store %arg11[%swap3A, %swap3A_48], %add3A_47 {strides = array<i32>} : memref<256x128xf32, #tpu.memory_space<vmem>>, vector<256x128xf32>,
    %get3A_50 = arith.constant 0 : index
    %get3A_51 = arith.constant 0 : index
    %get3A_52 = vector.load %arg12[%get3A_50, %get3A_51] : memref<256x1xf32, #tpu.memory_space<vmem>>, vector<256x1xf32>
    %add3A_53 = arith.addf %get3A_52, %dot_general3A_39 : vector<256x1xf32>
    %swap3A_54 = arith.constant 0 : index
    %swap3A_55 = arith.constant 0 : index
    %swap3A_56 = vector.load %arg12[%swap3A_54, %swap3A_55] : memref<256x1xf32, #tpu.memory_space<vmem>>, vector<256x1xf32>
    tpu.vector_store %arg12[%swap3A_54, %swap3A_55], %add3A_53 {strides = array<i32>} : memref<256x1xf32, #tpu.memory_space<vmem>>, vector<256x1xf32>,
    %eq3A_57 = arith.constant 4 : i32
    %eq3A_58 = arith.cmpi eq, %arg0, %eq3A_57 : i32
    %convert_element_type3A_59 = arith.extui %eq3A_58 : i1 to i32
    %cond3A_60 = arith.constant 0 : i32
    %cond3A_61 = arith.cmpi ne, %convert_element_type3A_59, %cond3A_60 : i32
    scf.if %cond3A_61 {
      %get3A_62 = arith.constant 0 : index
      %get3A_63 = arith.constant 0 : index
      %get3A_64 = vector.load %arg11[%get3A_62, %get3A_63] : memref<256x128xf32, #tpu.memory_space<vmem>>, vector<256x128xf32>
      %get3A_65 = arith.constant 0 : index
      %get3A_66 = arith.constant 0 : index
      %get3A_67 = vector.load %arg12[%get3A_65, %get3A_66] : memref<256x1xf32, #tpu.memory_space<vmem>>, vector<256x1xf32>
      %max3A_68 = arith.constant 1.000000e+00 : f32
      %max3A_69 = vector.broadcast %max3A_68 : f32 to vector<256x1xf32>
      %max3A_70 = arith.maximumf %get3A_67, %max3A_69 : vector<256x1xf32>
      %div3A = vector.broadcast %max3A_70 : vector<256x1xf32> to vector<256x128xf32>
      %div3A_71 = arith.divf %get3A_64, %div3A : vector<256x128xf32>
      %get3A_72 = arith.constant 0 : index
      %get3A_73 = arith.constant 0 : index
      %get3A_74 = vector.load %arg6[%get3A_72, %get3A_73] : memref<128x128xf32, #tpu.memory_space<vmem>>, vector<128x128xf32>
      %dot_general3A_75 = arith.constant dense<0.000000e+00> : vector<256x128xf32>
      %dot_general3A_76 = tpu.matmul %div3A_71, %get3A_74, %dot_general3A_75 {dimension_numbers = #tpu.dot_dimension_numbers<[1], [0], [0], [1], [0, 0, 1, 1], [], []>, transpose_lhs_hint = false} : vector<256x128xf32>, vector<128x128xf32>, vector<256x128xf32> -> vector<256x128xf32>
      %get3A_77 = arith.constant 0 : index
      %get3A_78 = arith.constant 0 : index
      %get3A_79 = vector.load %arg7[%get3A_77, %get3A_78] : memref<1x128xf32, #tpu.memory_space<vmem>>, vector<1x128xf32>
      %add3A_80 = vector.broadcast %get3A_79 : vector<1x128xf32> to vector<256x128xf32>
      %add3A_81 = arith.addf %dot_general3A_76, %add3A_80 : vector<256x128xf32>
      %max3A_82 = arith.constant 0.000000e+00 : f32
      %max3A_83 = vector.broadcast %max3A_82 : f32 to vector<256x128xf32>
      %max3A_84 = arith.maximumf %add3A_81, %max3A_83 : vector<256x128xf32>
      %get3A_85 = arith.constant 0 : index
      %get3A_86 = arith.constant 0 : index
      %get3A_87 = vector.load %arg8[%get3A_85, %get3A_86] : memref<128x16xf32, #tpu.memory_space<vmem>>, vector<128x16xf32>
      %dot_general3A_88 = arith.constant dense<0.000000e+00> : vector<256x16xf32>
      %dot_general3A_89 = tpu.matmul %max3A_84, %get3A_87, %dot_general3A_88 {dimension_numbers = #tpu.dot_dimension_numbers<[1], [0], [0], [1], [0, 0, 1, 1], [], []>, transpose_lhs_hint = false} : vector<256x128xf32>, vector<128x16xf32>, vector<256x16xf32> -> vector<256x16xf32>
      %get3A_90 = arith.constant 0 : index
      %get3A_91 = arith.constant 0 : index
      %get3A_92 = vector.load %arg9[%get3A_90, %get3A_91] : memref<1x16xf32, #tpu.memory_space<vmem>>, vector<1x16xf32>
      %add3A_93 = vector.broadcast %get3A_92 : vector<1x16xf32> to vector<256x16xf32>
      %add3A_94 = arith.addf %dot_general3A_89, %add3A_93 : vector<256x16xf32>
      %swap3A_95 = arith.constant 0 : index
      %swap3A_96 = arith.constant 0 : index
      %swap3A_97 = vector.load %arg10[%swap3A_95, %swap3A_96] : memref<256x16xf32, #tpu.memory_space<vmem>>, vector<256x16xf32>
      tpu.vector_store %arg10[%swap3A_95, %swap3A_96], %add3A_94 {strides = array<i32>} : memref<256x16xf32, #tpu.memory_space<vmem>>, vector<256x16xf32>,
    } else {
    }
    return
  }
  func.func @transform_0(%arg0: i32) -> (i32, i32, i32) {
    %c0_i32 = arith.constant 0 : i32
    %c0_i32_0 = arith.constant 0 : i32
    %c0_i32_1 = arith.constant 0 : i32
    return %c0_i32, %arg0, %c0_i32_0 : i32, i32, i32
  }
  func.func @transform_1(%arg0: i32) -> (i32, i32, i32) {
    %c0_i32 = arith.constant 0 : i32
    %c0_i32_0 = arith.constant 0 : i32
    %c0_i32_1 = arith.constant 0 : i32
    return %c0_i32, %arg0, %c0_i32_0 : i32, i32, i32
  }
  func.func @transform_2(%arg0: i32) -> (i32, i32) {
    %c0_i32 = arith.constant 0 : i32
    %c0_i32_0 = arith.constant 0 : i32
    return %arg0, %c0_i32 : i32, i32
  }
  func.func @transform_3(%arg0: i32) -> (i32, i32) {
    %c0_i32 = arith.constant 0 : i32
    %c0_i32_0 = arith.constant 0 : i32
    %c0_i32_1 = arith.constant 0 : i32
    return %c0_i32, %c0_i32_0 : i32, i32
  }
  func.func @transform_4(%arg0: i32) -> (i32, i32) {
    %c0_i32 = arith.constant 0 : i32
    %c0_i32_0 = arith.constant 0 : i32
    return %arg0, %c0_i32 : i32, i32
  }
  func.func @transform_5(%arg0: i32) -> (i32, i32) {
    %c0_i32 = arith.constant 0 : i32
    %c0_i32_0 = arith.constant 0 : i32
    %c0_i32_1 = arith.constant 0 : i32
    return %c0_i32, %c0_i32_0 : i32, i32
  }
  func.func @transform_6(%arg0: i32) -> (i32, i32) {
    %c0_i32 = arith.constant 0 : i32
    %c0_i32_0 = arith.constant 0 : i32
    %c0_i32_1 = arith.constant 0 : i32
    return %c0_i32, %c0_i32_0 : i32, i32
  }
  func.func @transform_7(%arg0: i32) -> (i32, i32) {
    %c0_i32 = arith.constant 0 : i32
    %c0_i32_0 = arith.constant 0 : i32
    %c0_i32_1 = arith.constant 0 : i32
    return %c0_i32, %c0_i32_0 : i32, i32
  }
  func.func @transform_8(%arg0: i32) -> (i32, i32) {
    %c0_i32 = arith.constant 0 : i32
    %c0_i32_0 = arith.constant 0 : i32
    %c0_i32_1 = arith.constant 0 : i32
    return %c0_i32, %c0_i32_0 : i32, i32
  }
  func.func @transform_9(%arg0: i32) -> (i32, i32) {
    %c0_i32 = arith.constant 0 : i32
    %c0_i32_0 = arith.constant 0 : i32
    %c0_i32_1 = arith.constant 0 : i32
    return %c0_i32, %c0_i32_0 : i32, i32
  }
}

</mosaic_0001>

<sc_bundles>
// kernel: kernel.11.cloned.1.call-start
scs
__scs_entry_jumppad:
0x0: {  	(pc) =	sbr.rel $0x88, $3  }
0x1: {  	(tag) =	ssettag $0x0;
	lr =	simm.s32 $0x1  }
0x2: {  	[smem:$0x3F96] =	sst lr;
	_ =	strace $0xD0000000  }
0x3: {  	_ = 	snop  }
0x4: {  	_ = 	snop  }
0x5: {  	_ = 	snop  }
0x6: {  	_ = 	snop  }
0x7: {  	_ = 	snop  }
__scs_overlays_trampoline_lowered:
0x8: {  	[smem:$0x3FA5] =	sst s0  }
0x9: {  	[smem:$0x3FA6] =	sst s1  }
0xa: {  	[smem:$0x3FA7] =	sst s2  }
0xb: {  	[smem:$0x3FA8] =	sst s3  }
0xc: {  	[smem:$0x3FA9] =	sst s4  }
0xd: {  	[smem:$0x3FAA] =	sst s5  }
0xe: {  	[smem:$0x3FAB] =	sst s6  }
0xf: {  	[smem:$0x3FAC] =	sst s7  }
0x10: {  	[smem:$0x3FAD] =	sst s8  }
0x11: {  	[smem:$0x3FAE] =	sst s9;
	s0 =	simm.s32 @!p0 $0x0  }
0x12: {  	s1 =	sld [smem:$0x3F94];
	s0 =	simm.s32 @p0 $0x1  }
0x13: {  	[smem:$0x3FAF] =	sst s0;
	s0 =	simm.s32 @!p1 $0x0  }
0x14: {  	s2 =	sld [smem:$0x3F93];
	s0 =	simm.s32 @p1 $0x1  }
0x15: {  	[smem:$0x3FB0] =	sst s0;
	s0 =	simm.s32 @!p2 $0x0  }
0x16: {  	s3 =	sld [smem:$0x3FDB];
	s0 =	simm.s32 @p2 $0x1  }
0x17: {  	s4 =	simm.s32 $0x1BF5;
	[smem:$0x3FB2] =	sst s0  }
0x18: {  	s0 =	sld [smem:$0x3F95];
	_ =	swait.ge [sflag:s4], $0x0  }
0x19: {  	s7 =	sld [smem:$0x3F96]  }
0x1a: {  	s8 =	sadd.s32 $0xFFFFE003, lr  }
0x1b: {  	s9 =	sadd.s32 $0xFFFFFEF7, lr;
	s5 =	simm.s32 $0xFFFFFFFF;
	p2 =	slt.u32 s8, $0xFFFFF086  }
0x1c: {  	p1 =	slt.u32 s9, $0xF7A;
	s5 =	simm.s32 @!p2 $0x0  }
0x1d: {  	s5 =	simm.s32 @p1 $0x1;
	p0 =	seq.s32 s7, s2  }
0x1e: {  	s7 =	smul.u32 @!p0 $0xF7A, s2;
	p2 =	seq.s32 @!p0 s5, $0x0  }
0x1f: {  	s9 =	smul.u32 $0xF7A, s1;
	s8 =	simm.s32 @!p0 $0x1BF5;
	p2 =	por !p2, p0  }
0x20: {  	[sflag:s8] =	ssyncset.s32 @!p0 $0xFFFFF086;
	s6 =	sadd.s32 @!p0 s3, s7;
	s7 =	simm.s32 @!p0 $0x108  }
0x21: {  	s3 =	sadd.s32 s3, s9;
	s6 =	sadd.s32 @!p0 $0x88, s6;
	s7 =	simm.s32 @p2 $0x1082  }
0x22: {  	[simem:s7], [sflag:s8] =	dma.local @!p0 [hbm:s6], $0xF7A  }
0x23: {  	s9 =	sor.u32 $0xD0000000, s2;
	s6 =	simm.s32 $0x108;
	_ =	swait.ge @!p0 [sflag:s8], $0x0  }
0x24: {  	s3 =	sadd.s32 $0x88, s3;
	s6 =	simm.s32 @!p1 $0x1082;
	[sflag:s4] =	ssyncset.s32 $0xFFFFF086  }
0x25: {  	[simem:s6], [sflag:s4] =	dma.local [hbm:s3], $0xF7A  }
0x26: {  	[smem:$0x3F96] =	sst s1;
	(tag) =	ssettag s2;
	_ =	strace s9  }
0x27: {  	s1 =	sld [smem:$0x3FA6]  }
0x28: {  	s2 =	sld [smem:$0x3FA7]  }
0x29: {  	s4 =	sld [smem:$0x3FA9]  }
0x2a: {  	p0 =	seq.s32 s5, $0x0;
	s5 =	sld [smem:$0x3FAA]  }
0x2b: {  	s6 =	sld [smem:$0x3FAB]  }
0x2c: {  	s7 =	sld [smem:$0x3FAC]  }
0x2d: {  	s3 =	simm.s32 $0x108;
	s8 =	sld [smem:$0x3FAD]  }
0x2e: {  	s3 =	simm.s32 @!p0 $0x1082;
	s9 =	sld [smem:$0x3FAE]  }
0x2f: {  	lr =	sadd.s32 s0, s3;
	s0 =	sld [smem:$0x3FA5]  }
0x30: {  	s3 =	sld [smem:$0x3FA8]  }
0x31: {  	[smem:$0x3FB1] =	sst s10  }
0x32: {  	s10 =	sld [smem:$0x3FAF];
	_ =	sdelay $0x3  }
0x33: {  	p0 =	seq.s32 s10, $0x1;
	s10 =	sld [smem:$0x3FB1];
	_ =	sdelay $0x3  }
0x34: {  	[smem:$0x3FB1] =	sst s10  }
0x35: {  	s10 =	sld [smem:$0x3FB0];
	_ =	sdelay $0x3  }
0x36: {  	p1 =	seq.s32 s10, $0x1;
	s10 =	sld [smem:$0x3FB1];
	_ =	sdelay $0x3  }
0x37: {  	[smem:$0x3FB1] =	sst s10  }
0x38: {  	s10 =	sld [smem:$0x3FB2]  }
0x39: {  	_ = 	snop;
	(pc) =	sbr.ind lr, $3  }
0x3a: {  	_ = 	snop  }
0x3b: {  	_ = 	snop  }
0x3c: {  	p2 =	seq.s32 s10, $0x1;
	s10 =	sld [smem:$0x3FB1]  }
0x3d: {  	_ =	shalt  }
0x3e: {  	_ =	shalt  }
0x3f: {  	_ =	shalt  }
0x40: {  	_ =	shalt  }
0x41: {  	_ =	shalt  }
0x42: {  	_ =	shalt  }
0x43: {  	_ =	shalt  }
0x44: {  	_ =	shalt  }
0x45: {  	_ =	shalt  }
0x46: {  	_ =	shalt  }
0x47: {  	_ =	shalt  }
0x48: {  	_ =	shalt  }
0x49: {  	_ =	shalt  }
0x4a: {  	_ =	shalt  }
0x4b: {  	_ =	shalt  }
0x4c: {  	_ =	shalt  }
0x4d: {  	_ =	shalt  }
0x4e: {  	_ =	shalt  }
0x4f: {  	_ =	shalt  }
0x50: {  	_ =	shalt  }
0x51: {  	_ =	shalt  }
0x52: {  	_ =	shalt  }
0x53: {  	_ =	shalt  }
0x54: {  	_ =	shalt  }
0x55: {  	_ =	shalt  }
0x56: {  	_ =	shalt  }
0x57: {  	_ =	shalt  }
0x58: {  	_ =	shalt  }
0x59: {  	_ =	shalt  }
0x5a: {  	_ =	shalt  }
0x5b: {  	_ =	shalt  }
0x5c: {  	_ =	shalt  }
0x5d: {  	_ =	shalt  }
0x5e: {  	_ =	shalt  }
0x5f: {  	_ =	shalt  }
0x60: {  	_ =	shalt  }
0x61: {  	_ =	shalt  }
0x62: {  	_ =	shalt  }
0x63: {  	_ =	shalt  }
0x64: {  	_ =	shalt  }
0x65: {  	_ =	shalt  }
0x66: {  	_ =	shalt  }
0x67: {  	_ =	shalt  }
0x68: {  	_ =	shalt  }
0x69: {  	_ =	shalt  }
0x6a: {  	_ =	shalt  }
0x6b: {  	_ =	shalt  }
0x6c: {  	_ =	shalt  }
0x6d: {  	_ =	shalt  }
0x6e: {  	_ =	shalt  }
0x6f: {  	_ =	shalt  }
0x70: {  	_ =	shalt  }
0x71: {  	_ =	shalt  }
0x72: {  	_ =	shalt  }
0x73: {  	_ =	shalt  }
0x74: {  	_ =	shalt  }
0x75: {  	_ =	shalt  }
0x76: {  	_ =	shalt  }
0x77: {  	_ =	shalt  }
0x78: {  	_ =	shalt  }
0x79: {  	_ =	shalt  }
0x7a: {  	_ =	shalt  }
0x7b: {  	_ =	shalt  }
0x7c: {  	_ =	shalt  }
0x7d: {  	_ =	shalt  }
0x7e: {  	_ =	shalt  }
0x7f: {  	_ =	shalt  }
0x80: {  	_ =	shalt  }
0x81: {  	_ =	shalt  }
0x82: {  	_ =	shalt  }
0x83: {  	_ =	shalt  }
0x84: {  	_ =	shalt  }
0x85: {  	_ =	shalt  }
0x86: {  	_ =	shalt  }
0x87: {  	_ =	shalt  }
.Lfunc_end0:
.L_simem_size_0:
called_computation.1_lowered:
.L_overlay_start_0:
0x88: {  	s2 =	sld [smem:$0x3FD9]  }
0x89: {  	s3 =	sld [smem:$0x3FFE];
	_ =	sdelay $0x1  }
0x8a: {  	s1 =	srdreg.scid  }
0x8b: {  	s0 =	sand.u32 $0x1, s1  }
0x8c: {  	s16 =	sshll.u32 s0, $0xA;
	s2 =	sadd.s32 s3, s2  }
0x8d: {  	s2 =	sadd.s32 s2, s16  }
0x8e: {  	[smem:$0x3FBD] =	sst s2  }
0x8f: {  	_ = 	snop  }
0x90: {  	(tm) =	ssettm $0x1  }
0x91: {  	s17 =	sld [smem:$0x3FFB];
	_ =	sdelay $0x3  }
0x92: {  	_ =	strace s17  }
0x93: {  	s2 =	sld [smem:$0x3FFC];
	_ =	sdelay $0x3  }
0x94: {  	_ =	strace s2  }
0x95: {  	s2 =	sld [smem:$0x3FFD];
	_ =	sdelay $0x3  }
0x96: {  	_ =	strace s2  }
0x97: {  	_ =	strace $0x8FFFFFFF  }
0x98: {  	s18 =	sld [smem:$0x3FDB];
	_ =	sdelay $0x1  }
0x99: {  	s19 =	simm.s32 $_scs_section_size  }
0x9a: {  	s4 =	simm.s32 $_size__tile_overlayer_lowered;
	s5 =	simm.s32 $_tile_overlayer_lowered  }
0x9b: {  	s22 =	simm.s32 $0x1BFF;
	s21 =	sshll.u32 s5, $0x1;
	s2 =	sadd.s32 s19, s18  }
0x9c: {  	s6 =	simm.s32 $0x0;
	s20 =	sshll.u32 s4, $0x1;
	s4 =	sadd.s32 s21, s2  }
0x9d: {  	[timem:s6], [sflag:s22] =	dma.local [hbm:s4], s20  }
0x9e: {  	_ =	swait.ge [sflag:s22], s20  }
0x9f: {  	s3 =	ssub.s32 $0x0, s20;
	[sflag:s22] =	ssyncset.done $0x0  }
0xa0: {  	[sflag:s22] =	ssyncadd.s32 s3;
	_ =	sdelay $0x1  }
0xa1: {  	s23 =	simm.s32 $0x1B8B  }
0xa2: {  	_ =	swait.ge [sflag:s23], $0x1  }
0xa3: {  	[sflag:s23] =	ssyncset.done $0x0  }
0xa4: {  	s25 =	simm.s32 $0x1B8E;
	s24 =	sld [smem:$0x3FFE];
	[sflag:s23] =	ssyncadd.s32 $0xFFFFFFFF  }
0xa5: {  	s26 =	simm.s32 $execute0_lowered;
	[smem:$0x3FD2] =	sst s25  }
0xa6: {  	s4 =	sshll.u32 s26, $0x1;
	_ =	strace $0x80000049;
	[dreg:$0x1] =	wrdreg $0xFFFFFFFF  }
0xa7: {  	s28 =	simm.s32 $_size_execute0_lowered;
	s2 =	sadd.s32 s2, s4;
	[dreg:$0x0] =	wrdreg $0x0  }
0xa8: {  	s4 =	sshll.u32 s28, $0x1;
	[dreg:$0x2] =	wrdreg s2  }
0xa9: {  	[dreg:$0x3] =	wrdreg s4  }
0xaa: {  	[dreg:$0x4] =	wrdreg $0xC0  }
0xab: {  	_ =	task [dreg:s6], $0x5FFFF  }
0xac: {  	[dreg:$0x1] =	wrdreg $0xFFFFFFFF  }
0xad: {  	[dreg:$0x0] =	wrdreg $0x60  }
0xae: {  	[dreg:$0x2] =	wrdreg s24  }
0xaf: {  	[dreg:$0x3] =	wrdreg $0x0  }
0xb0: {  	[dreg:$0x4] =	wrdreg $0x9  }
0xb1: {  	_ =	task.clear_ibuf [dreg:s6], $0x5FFFF;
	_ =	strace $0x90000049  }
0xb2: {  	s29 =	simm.s32 $0x9;
	_ =	strace $0x8000004B  }
0xb3: {  	_ =	swait.ge [sflag:s29], $0x1  }
0xb4: {  	[sflag:s29] =	ssyncadd.s32 $0xFFFFFFFF  }
0xb5: {  	_ =	strace $0x9000004B  }
0xb6: {  	_ =	sfence  }
0xb7: {  	s30 =	sld [smem:$0x0];
	_ =	sdelay $0x2  }
0xb8: {  	s31 =	sshll.u32 s1, $0xD;
	s1 =	sshrl.u32 s1, $0x2  }
0xb9: {  	s3 =	sand.u32 $0x4000, s31;
	s1 =	sadd.s32 s1, s30  }
0xba: {  	s0 =	sor.u32 s3, s0;
	s1 =	sshll.u32 s1, $0x11  }
0xbb: {  	s0 =	sor.u32 s1, s0  }
0xbc: {  	s0 =	sadd.s32 $0x8F2B, s0  }
0xbd: {  	[sflag:s0] =	ssyncadd.remote.s32 $0x1  }
0xbe: {  	_ =	sfence.sel $0xFFFF  }
0xbf: {  	[dreg:$0x0] =	wrdreg $0xFFFFFFFF;
	(pc) =	sbr.abs _section_cstart, $3  }
0xc0: {  	[dreg:$0x1] =	wrdreg $0xFFFFFFFF  }
0xc1: {  	_ =	task.clear_ibuf [dreg:s6], $0x2FFFF;
	_ =	strace $0x9FFFFFFF  }
0xc2: {  	(tm) =	ssettm $0x7FFFFFFF  }
0xc3: {  	_ =	shalt  }
tec
execute0_lowered:
.L_overlay_start_1:
0x0: {  	(tag) =	ssettag $0x1  }
0x1: {  	s0 =	rddreg [dreg:$0x0];
	s1 =	srdreg.scid  }
0x2: {  	s2 =	rddreg [dreg:$0x1];
	s11 =	stileid.u32;
	s5 =	simm.s32 $0x0  }
0x3: {  	s29 =	simm.s32 $0x9;
	s30 =	simm.s32 $0x64;
	s31 =	simm.s32 $0x14AC0  }
0x4: {  	s28 =	simm.s32 $0x195C0;
	s12 =	simm.s32 $0x0;
	s6 =	smul.u32 $0x27000, s11  }
0x5: {  	s1 =	sand.u32 $0x1, s1;
	s4 =	smul.u32 $0xA28, s11;
	[smem:$0x7FF] =	sst s5  }
0x6: {  	s9 =	smul.u32 $0x9C00, s11;
	p0 =	sne.s32 s11, $0xF;
	s14 =	sshrl.u32 s6, $0x2  }
0x7: {  	s11 =	simm.s32 $0x8;
	s3 =	smul.u32 $0x9C400, s1;
	s10 =	sadd.s32 s14, s2  }
0x8: {  	_ =	strace $0x8000004A;
	s1 =	ssub.s32 $0x2, s1;
	s16 =	sadd.s32 $0xC00, s10  }
0x9: {  	s8 =	sadd.s32 s4, s0;
	s17 =	sadd.s32 $0x1800, s10;
	[dreg:$0x3] =	wrdreg s16  }
0xa: {  	s15 =	sshrl.u32 s1, $0x1;
	s18 =	sadd.s32 $0x2400, s10;
	[dreg:$0x4] =	wrdreg s17  }
0xb: {  	s4 =	sadd.s32 s9, s2;
	s19 =	sadd.s32 $0x3000, s10;
	[dreg:$0x5] =	wrdreg s18  }
0xc: {  	s6 =	simm.s32 $0x3;
	s20 =	sadd.s32 $0x3C00, s10;
	[dreg:$0x6] =	wrdreg s19  }
0xd: {  	s13 =	sshrl.u32 s3, $0x3;
	s21 =	sadd.s32 $0x4800, s10;
	[dreg:$0x7] =	wrdreg s20  }
0xe: {  	s1 =	ssub.s32 s1, s15;
	s22 =	sadd.s32 $0x5400, s10;
	[dreg:$0x8] =	wrdreg s21  }
0xf: {  	s3 =	sadd.s32 s9, s3;
	s23 =	sadd.s32 $0x6000, s10;
	[dreg:$0x9] =	wrdreg s22  }
0x10: {  	s9 =	simm.s32 $0x6;
	s24 =	sadd.s32 $0x6C00, s10;
	[dreg:$0xa] =	wrdreg s23  }
0x11: {  	s7 =	sadd.s32 s13, s0;
	s25 =	sadd.s32 $0x7800, s10;
	[dreg:$0xb] =	wrdreg s24  }
0x12: {  	s0 =	sadd.s32 $0xC4600, s0;
	s26 =	sadd.s32 $0x8400, s10;
	[dreg:$0xc] =	wrdreg s25  }
0x13: {  	s3 =	sshrl.u32 s3, $0x3;
	[dreg:$0xd] =	wrdreg s26;
	s16 =	sadd.s32 $0x9000, s10  }
0x14: {  	s17 =	sadd.s32 $0x1DC00, s8;
	s18 =	sadd.s32 $0x13800, s8;
	s19 =	sadd.s32 $0x9C000, s2  }
0x15: {  	s20 =	sadd.s32 $0x9D400, s7;
	s5 =	sadd.s32 s0, s13;
	s21 =	sadd.s32 s0, s3  }
0x16: {  	s23 =	smax.u32 s1, $0x1;
	s24 =	simm.s32 $0x13EC0;
	s25 =	simm.s32 $0x9C40  }
0x17: {  	s26 =	simm.s32 $0xA;
	s1 =	simm.s32 $0x163C0;
	s0 =	simm.s32 $0x17CC0  }
0x18: {  	s3 =	simm.s32 $0x1;
	s7 =	simm.s32 $0x4;
	s8 =	simm.s32 $0x5  }
0x19: {  	v0 =	vimm.f32 $0.0e+00;
	s10 =	simm.s32 $0x7;
	s22 =	sadd.s32 $0x13800, s5;
	s5 =	simm.s32 $0x2  }
.LBB2_1:
0x1a: {  	s14 =	simm.s32 $0x100;
	s13 =	simm.s32 $0x0  }
.LBB2_2:
0x1b: {  	p1 =	sne.s32 s14, $0x2F00;
	[tilespmem:s13+$0x13EF0] =	vst v0;
	s15 =	smov.u32 s14;
	s14 =	sadd.s32 $0x100, s14  }
.Ltmp0:
0x1c: {  	[tilespmem:s13+$0x13EE0] =	vst v0;
	(pc) =	sbr.rel @p1 .LBB2_2-.Ltmp0, $3  }
0x1d: {  	[tilespmem:s13+$0x13EC0] =	vst v0  }
0x1e: {  	[tilespmem:s13+$0x13ED0] =	vst v0;
	_ =	sdelay $0x1  }
0x1f: {  	s13 =	sshra.s32 s15, $0x2  }
0x20: {  	[tilespmem:s13+$0x13EF0] =	vst v0  }
0x21: {  	[tilespmem:s13+$0x13EE0] =	vst v0  }
0x22: {  	[tilespmem:s13+$0x13EC0] =	vst v0  }
0x23: {  	[tilespmem:s13+$0x13ED0] =	vst v0  }
0x24: {  	[spmem:s4] =	stream.linear.scatter [tilespmem:s24], [sflag:$0x9], $0xC00, $0x38;
	[tilespmem:$0x1AEC0] =	vst v63  }
0x25: {  	s14 =	rddreg [dreg:$0x3]  }
0x26: {  	[spmem:s14] =	stream.linear.scatter [tilespmem:s24], [sflag:$0x9], $0xC00, $0x38;
	[tilespmem:$0x1AEC0] =	vst v63  }
0x27: {  	s15 =	rddreg [dreg:$0x4]  }
0x28: {  	[spmem:s15] =	stream.linear.scatter [tilespmem:s24], [sflag:$0x9], $0xC00, $0x38;
	[tilespmem:$0x1AEC0] =	vst v63  }
0x29: {  	s14 =	rddreg [dreg:$0x5]  }
0x2a: {  	[spmem:s14] =	stream.linear.scatter [tilespmem:s24], [sflag:$0x9], $0xC00, $0x38;
	[tilespmem:$0x1AEC0] =	vst v63  }
0x2b: {  	s15 =	rddreg [dreg:$0x6]  }
0x2c: {  	[spmem:s15] =	stream.linear.scatter [tilespmem:s24], [sflag:$0x9], $0xC00, $0x38;
	[tilespmem:$0x1AEC0] =	vst v63  }
0x2d: {  	s14 =	rddreg [dreg:$0x7]  }
0x2e: {  	[spmem:s14] =	stream.linear.scatter [tilespmem:s24], [sflag:$0x9], $0xC00, $0x38;
	[tilespmem:$0x1AEC0] =	vst v63  }
0x2f: {  	s15 =	rddreg [dreg:$0x8]  }
0x30: {  	[spmem:s15] =	stream.linear.scatter [tilespmem:s24], [sflag:$0x9], $0xC00, $0x38;
	[tilespmem:$0x1AEC0] =	vst v63  }
0x31: {  	s14 =	rddreg [dreg:$0x9]  }
0x32: {  	[spmem:s14] =	stream.linear.scatter [tilespmem:s24], [sflag:$0x9], $0xC00, $0x38;
	[tilespmem:$0x1AEC0] =	vst v63  }
0x33: {  	s15 =	rddreg [dreg:$0xa]  }
0x34: {  	[spmem:s15] =	stream.linear.scatter [tilespmem:s24], [sflag:$0x9], $0xC00, $0x38;
	[tilespmem:$0x1AEC0] =	vst v63  }
0x35: {  	s14 =	rddreg [dreg:$0xb]  }
0x36: {  	[spmem:s14] =	stream.linear.scatter [tilespmem:s24], [sflag:$0x9], $0xC00, $0x38;
	[tilespmem:$0x1AEC0] =	vst v63  }
0x37: {  	s15 =	rddreg [dreg:$0xc]  }
0x38: {  	[spmem:s15] =	stream.linear.scatter [tilespmem:s24], [sflag:$0x9], $0xC00, $0x38;
	[tilespmem:$0x1AEC0] =	vst v63  }
0x39: {  	s14 =	rddreg [dreg:$0xd]  }
0x3a: {  	[spmem:s14] =	stream.linear.scatter [tilespmem:s24], [sflag:$0x9], $0xC00, $0x38;
	[tilespmem:$0x1AEC0] =	vst v63  }
0x3b: {  	_ = 	snop  }
0x3c: {  	[spmem:s16] =	stream.linear.scatter [tilespmem:s24], [sflag:$0x9], $0xC00, $0x38;
	[tilespmem:$0x1AEC0] =	vst v63  }
0x3d: {  	s15 =	simm.s32 $0x0  }
0x3e: {  	[tilespmem:s25], [sflag:$0xA] =	stream.linear.gather [hbm4b:s17+s15], $0x5140, $0x38;
	[tilespmem:$0x1AEC0] =	vst v63  }
0x3f: {  	_ =	swait.ge [sflag:s26], $0x5140  }
0x40: {  	[sflag:s26] =	ssyncset.done $0x0  }
0x41: {  	s14 =	simm.s32 $0xED80;
	[sflag:s26] =	ssyncadd.s32 $0xFFFFAEC0  }
0x42: {  	[tilespmem:s14], [sflag:$0xA] =	stream.linear.gather [hbm4b:s18+s15], $0x5140, $0x38;
	[tilespmem:$0x1AEC0] =	vst v63  }
0x43: {  	_ =	swait.ge [sflag:s26], $0x5140  }
0x44: {  	[sflag:s26] =	ssyncset.done $0x0  }
0x45: {  	[sflag:s26] =	ssyncadd.s32 $0xFFFFAEC0  }
0x46: {  	_ =	swait.ge [sflag:s29], $0xC00  }
0x47: {  	[sflag:s29] =	ssyncset.done $0x0  }
0x48: {  	[sflag:s29] =	ssyncadd.s32 $0xFFFFF400  }
0x49: {  	_ =	swait.ge [sflag:s29], $0xC00  }
0x4a: {  	[sflag:s29] =	ssyncset.done $0x0  }
0x4b: {  	[sflag:s29] =	ssyncadd.s32 $0xFFFFF400  }
0x4c: {  	_ =	swait.ge [sflag:s29], $0xC00  }
0x4d: {  	[sflag:s29] =	ssyncset.done $0x0  }
0x4e: {  	[sflag:s29] =	ssyncadd.s32 $0xFFFFF400  }
0x4f: {  	_ =	swait.ge [sflag:s29], $0xC00  }
0x50: {  	[sflag:s29] =	ssyncset.done $0x0  }
0x51: {  	[sflag:s29] =	ssyncadd.s32 $0xFFFFF400  }
0x52: {  	_ =	swait.ge [sflag:s29], $0xC00  }
0x53: {  	[sflag:s29] =	ssyncset.done $0x0  }
0x54: {  	[sflag:s29] =	ssyncadd.s32 $0xFFFFF400  }
0x55: {  	_ =	swait.ge [sflag:s29], $0xC00  }
0x56: {  	[sflag:s29] =	ssyncset.done $0x0  }
0x57: {  	[sflag:s29] =	ssyncadd.s32 $0xFFFFF400  }
0x58: {  	_ =	swait.ge [sflag:s29], $0xC00  }
0x59: {  	[sflag:s29] =	ssyncset.done $0x0  }
0x5a: {  	[sflag:s29] =	ssyncadd.s32 $0xFFFFF400  }
0x5b: {  	_ =	swait.ge [sflag:s29], $0xC00  }
0x5c: {  	[sflag:s29] =	ssyncset.done $0x0  }
0x5d: {  	[sflag:s29] =	ssyncadd.s32 $0xFFFFF400  }
0x5e: {  	_ =	swait.ge [sflag:s29], $0xC00  }
0x5f: {  	[sflag:s29] =	ssyncset.done $0x0  }
0x60: {  	[sflag:s29] =	ssyncadd.s32 $0xFFFFF400  }
0x61: {  	_ =	swait.ge [sflag:s29], $0xC00  }
0x62: {  	[sflag:s29] =	ssyncset.done $0x0  }
0x63: {  	[sflag:s29] =	ssyncadd.s32 $0xFFFFF400  }
0x64: {  	_ =	swait.ge [sflag:s29], $0xC00  }
0x65: {  	[sflag:s29] =	ssyncset.done $0x0  }
0x66: {  	[sflag:s29] =	ssyncadd.s32 $0xFFFFF400  }
0x67: {  	_ =	swait.ge [sflag:s29], $0xC00  }
0x68: {  	[sflag:s29] =	ssyncset.done $0x0  }
0x69: {  	[sflag:s29] =	ssyncadd.s32 $0xFFFFF400  }
0x6a: {  	_ =	swait.ge [sflag:s29], $0xC00  }
0x6b: {  	[sflag:s29] =	ssyncset.done $0x0  }
0x6c: {  	s13 =	simm.s32 @!p0 $0x13EC0;
	[sflag:s29] =	ssyncadd.s32 $0xFFFFF400  }
0x6d: {  	[spmem:s19] =	stream.linear.scatter @!p0 [tilespmem:s13], [sflag:$0xA], $0x400, $0x38;
	[tilespmem:$0x1AEC0] =	vst v63  }
0x6e: {  	s13 =	simm.s32 @!p0 $0xA  }
0x6f: {  	_ =	swait.ge @!p0 [sflag:s13], $0x400  }
0x70: {  	[sflag:s13] =	ssyncset.done @!p0 $0x0  }
0x71: {  	[sflag:s13] =	ssyncadd.s32 @!p0 $0xFFFFFC00  }
0x72: {  	[bflag:$0x0] =	sbarrier.arrive $0xFFFF  }
0x73: {  	[tilespmem:s31], [sflag:$0x1] =	stream.indirect.gather [hbm4b:s20+s30], $0x40, s25, s30, $0xb8;
	[tilespmem:$0x1AEC0] =	vst v63  }
0x74: {  	s14 =	simm.s32 $0x9CA8  }
0x75: {  	[tilespmem:s1], [sflag:$0x2] =	stream.indirect.gather [hbm4b:s20+s30], $0x40, s14, s30, $0xb8;
	[tilespmem:$0x1AEC0] =	vst v63  }
0x76: {  	s15 =	simm.s32 $0x9D10  }
0x77: {  	[tilespmem:s0], [sflag:$0x3] =	stream.indirect.gather [hbm4b:s20+s30], $0x40, s15, s30, $0xb8;
	[tilespmem:$0x1AEC0] =	vst v63  }
0x78: {  	s14 =	simm.s32 $0x9D78  }
0x79: {  	[tilespmem:s28], [sflag:$0x4] =	stream.indirect.gather [hbm4b:s20+s30], $0x40, s14, s30, $0xb8;
	[tilespmem:$0x1AEC0] =	vst v63  }
0x7a: {  	_ =	swait.ge [sflag:s3], $0x1900  }
0x7b: {  	[sflag:s3] =	ssyncset.done $0x0  }
0x7c: {  	s15 =	simm.s32 $0xED80;
	[sflag:s3] =	ssyncadd.s32 $0xFFFFE700  }
0x7d: {  	[spmem:s2] =	stream.indirect.scatter.add.f32 [tilespmem:s31], [sflag:$0x5], $0x40, s15, s30, $0xb8;
	[tilespmem:$0x1AEC0] =	vst v63  }
0x7e: {  	_ =	swait.ge [sflag:s5], $0x1900  }
0x7f: {  	[sflag:s5] =	ssyncset.done $0x0  }
0x80: {  	s14 =	simm.s32 $0xEDE8;
	[sflag:s5] =	ssyncadd.s32 $0xFFFFE700  }
0x81: {  	[spmem:s2] =	stream.indirect.scatter.add.f32 [tilespmem:s1], [sflag:$0x6], $0x40, s14, s30, $0xb8;
	[tilespmem:$0x1AEC0] =	vst v63  }
0x82: {  	_ =	swait.ge [sflag:s6], $0x1900  }
0x83: {  	[sflag:s6] =	ssyncset.done $0x0  }
0x84: {  	s15 =	simm.s32 $0xEE50;
	[sflag:s6] =	ssyncadd.s32 $0xFFFFE700  }
0x85: {  	[spmem:s2] =	stream.indirect.scatter.add.f32 [tilespmem:s0], [sflag:$0x7], $0x40, s15, s30, $0xb8;
	[tilespmem:$0x1AEC0] =	vst v63  }
0x86: {  	_ =	swait.ge [sflag:s7], $0x1900  }
0x87: {  	[sflag:s7] =	ssyncset.done $0x0  }
0x88: {  	s14 =	simm.s32 $0xEEB8;
	[sflag:s7] =	ssyncadd.s32 $0xFFFFE700  }
0x89: {  	[spmem:s2] =	stream.indirect.scatter.add.f32 [tilespmem:s28], [sflag:$0x8], $0x40, s14, s30, $0xb8;
	[tilespmem:$0x1AEC0] =	vst v63  }
0x8a: {  	_ =	swait.ge [sflag:s8], $0x1900  }
0x8b: {  	[sflag:s8] =	ssyncset.done $0x0  }
0x8c: {  	s15 =	simm.s32 $0x9DE0;
	[sflag:s8] =	ssyncadd.s32 $0xFFFFE700  }
0x8d: {  	[tilespmem:s31], [sflag:$0x1] =	stream.indirect.gather [hbm4b:s20+s30], $0x40, s15, s30, $0xb8;
	[tilespmem:$0x1AEC0] =	vst v63  }
0x8e: {  	_ =	swait.ge [sflag:s9], $0x1900  }
0x8f: {  	[sflag:s9] =	ssyncset.done $0x0  }
0x90: {  	s14 =	simm.s32 $0x9E48;
	[sflag:s9] =	ssyncadd.s32 $0xFFFFE700  }
0x91: {  	[tilespmem:s1], [sflag:$0x2] =	stream.indirect.gather [hbm4b:s20+s30], $0x40, s14, s30, $0xb8;
	[tilespmem:$0x1AEC0] =	vst v63  }
0x92: {  	_ =	swait.ge [sflag:s10], $0x1900  }
0x93: {  	[sflag:s10] =	ssyncset.done $0x0  }
0x94: {  	s15 =	simm.s32 $0x9EB0;
	[sflag:s10] =	ssyncadd.s32 $0xFFFFE700  }
0x95: {  	[tilespmem:s0], [sflag:$0x3] =	stream.indirect.gather [hbm4b:s20+s30], $0x40, s15, s30, $0xb8;
	[tilespmem:$0x1AEC0] =	vst v63  }
0x96: {  	_ =	swait.ge [sflag:s11], $0x1900  }
0x97: {  	[sflag:s11] =	ssyncset.done $0x0  }
0x98: {  	s13 =	simm.s32 $0x680;
	s14 =	simm.s32 $0x9F18;
	[sflag:s11] =	ssyncadd.s32 $0xFFFFE700  }
.LBB2_4:
0x99: {  	[tilespmem:s28], [sflag:$0x4] =	stream.indirect.gather [hbm4b:s20+s30], $0x40, s14, s30, $0xb8;
	[tilespmem:$0x1AEC0] =	vst v63  }
0x9a: {  	s14 =	smov.u32 s13  }
0x9b: {  	p1 =	sne.s32 s13, $0x13800;
	s13 =	sadd.s32 $0x680, s13;
	_ =	swait.ge [sflag:s3], $0x1900  }
0x9c: {  	s14 =	sshra.s32 s14, $0x2;
	[sflag:s3] =	ssyncset.done $0x0  }
0x9d: {  	s15 =	sadd.s32 $0xED80, s14;
	[sflag:s3] =	ssyncadd.s32 $0xFFFFE700  }
0x9e: {  	[spmem:s2] =	stream.indirect.scatter.add.f32 [tilespmem:s31], [sflag:$0x5], $0x40, s15, s30, $0xb8;
	[tilespmem:$0x1AEC0] =	vst v63  }
0x9f: {  	_ =	swait.ge [sflag:s5], $0x1900  }
0xa0: {  	[sflag:s5] =	ssyncset.done $0x0  }
0xa1: {  	s15 =	sadd.s32 $0xEDE8, s14;
	[sflag:s5] =	ssyncadd.s32 $0xFFFFE700  }
0xa2: {  	[spmem:s2] =	stream.indirect.scatter.add.f32 [tilespmem:s1], [sflag:$0x6], $0x40, s15, s30, $0xb8;
	[tilespmem:$0x1AEC0] =	vst v63  }
0xa3: {  	_ =	swait.ge [sflag:s6], $0x1900  }
0xa4: {  	[sflag:s6] =	ssyncset.done $0x0  }
0xa5: {  	s15 =	sadd.s32 $0xEE50, s14;
	[sflag:s6] =	ssyncadd.s32 $0xFFFFE700  }
0xa6: {  	[spmem:s2] =	stream.indirect.scatter.add.f32 [tilespmem:s0], [sflag:$0x7], $0x40, s15, s30, $0xb8;
	[tilespmem:$0x1AEC0] =	vst v63  }
0xa7: {  	_ =	swait.ge [sflag:s7], $0x1900  }
0xa8: {  	[sflag:s7] =	ssyncset.done $0x0  }
0xa9: {  	s15 =	sadd.s32 $0xEEB8, s14;
	[sflag:s7] =	ssyncadd.s32 $0xFFFFE700  }
0xaa: {  	[spmem:s2] =	stream.indirect.scatter.add.f32 [tilespmem:s28], [sflag:$0x8], $0x40, s15, s30, $0xb8;
	[tilespmem:$0x1AEC0] =	vst v63  }
0xab: {  	_ =	swait.ge [sflag:s8], $0x1900  }
0xac: {  	[sflag:s8] =	ssyncset.done $0x0  }
0xad: {  	s15 =	sadd.s32 $0x9DE0, s14;
	[sflag:s8] =	ssyncadd.s32 $0xFFFFE700  }
0xae: {  	[tilespmem:s31], [sflag:$0x1] =	stream.indirect.gather [hbm4b:s20+s30], $0x40, s15, s30, $0xb8;
	[tilespmem:$0x1AEC0] =	vst v63  }
0xaf: {  	_ =	swait.ge [sflag:s9], $0x1900  }
0xb0: {  	[sflag:s9] =	ssyncset.done $0x0  }
0xb1: {  	s15 =	sadd.s32 $0x9E48, s14;
	[sflag:s9] =	ssyncadd.s32 $0xFFFFE700  }
0xb2: {  	[tilespmem:s1], [sflag:$0x2] =	stream.indirect.gather [hbm4b:s20+s30], $0x40, s15, s30, $0xb8;
	[tilespmem:$0x1AEC0] =	vst v63  }
0xb3: {  	_ =	swait.ge [sflag:s10], $0x1900  }
0xb4: {  	[sflag:s10] =	ssyncset.done $0x0  }
.Ltmp1:
0xb5: {  	s15 =	sadd.s32 $0x9EB0, s14;
	[sflag:s10] =	ssyncadd.s32 $0xFFFFE700;
	(pc) =	sbr.rel @p1 .LBB2_4-.Ltmp1, $4  }
0xb6: {  	[tilespmem:s0], [sflag:$0x3] =	stream.indirect.gather [hbm4b:s20+s30], $0x40, s15, s30, $0xb8;
	[tilespmem:$0x1AEC0] =	vst v63  }
0xb7: {  	_ =	swait.ge [sflag:s11], $0x1900  }
0xb8: {  	[sflag:s11] =	ssyncset.done $0x0  }
0xb9: {  	s14 =	sadd.s32 $0x9F18, s14;
	[sflag:s11] =	ssyncadd.s32 $0xFFFFE700  }
0xba: {  	[tilespmem:s28], [sflag:$0x4] =	stream.indirect.gather [hbm4b:s20+s30], $0x40, s14, s30, $0xb8;
	[tilespmem:$0x1AEC0] =	vst v63  }
0xbb: {  	_ =	swait.ge [sflag:s3], $0x1900  }
0xbc: {  	[sflag:s3] =	ssyncset.done $0x0  }
0xbd: {  	s13 =	simm.s32 $0x13D20;
	[sflag:s3] =	ssyncadd.s32 $0xFFFFE700  }
0xbe: {  	[spmem:s2] =	stream.indirect.scatter.add.f32 [tilespmem:s31], [sflag:$0x5], $0x40, s13, s30, $0xb8;
	[tilespmem:$0x1AEC0] =	vst v63  }
0xbf: {  	_ =	swait.ge [sflag:s5], $0x1900  }
0xc0: {  	[sflag:s5] =	ssyncset.done $0x0  }
0xc1: {  	s15 =	simm.s32 $0x13D88;
	[sflag:s5] =	ssyncadd.s32 $0xFFFFE700  }
0xc2: {  	[spmem:s2] =	stream.indirect.scatter.add.f32 [tilespmem:s1], [sflag:$0x6], $0x40, s15, s30, $0xb8;
	[tilespmem:$0x1AEC0] =	vst v63  }
0xc3: {  	_ =	swait.ge [sflag:s6], $0x1900  }
0xc4: {  	[sflag:s6] =	ssyncset.done $0x0  }
0xc5: {  	s14 =	simm.s32 $0x13DF0;
	[sflag:s6] =	ssyncadd.s32 $0xFFFFE700  }
0xc6: {  	[spmem:s2] =	stream.indirect.scatter.add.f32 [tilespmem:s0], [sflag:$0x7], $0x40, s14, s30, $0xb8;
	[tilespmem:$0x1AEC0] =	vst v63  }
0xc7: {  	_ =	swait.ge [sflag:s7], $0x1900  }
0xc8: {  	[sflag:s7] =	ssyncset.done $0x0  }
0xc9: {  	s15 =	simm.s32 $0x13E58;
	[sflag:s7] =	ssyncadd.s32 $0xFFFFE700  }
0xca: {  	[spmem:s2] =	stream.indirect.scatter.add.f32 [tilespmem:s28], [sflag:$0x8], $0x40, s15, s30, $0xb8;
	[tilespmem:$0x1AEC0] =	vst v63  }
0xcb: {  	_ =	swait.ge [sflag:s8], $0x1900  }
0xcc: {  	[sflag:s8] =	ssyncset.done $0x0  }
0xcd: {  	[sflag:s8] =	ssyncadd.s32 $0xFFFFE700  }
0xce: {  	_ =	swait.ge [sflag:s9], $0x1900  }
0xcf: {  	[sflag:s9] =	ssyncset.done $0x0  }
0xd0: {  	[sflag:s9] =	ssyncadd.s32 $0xFFFFE700  }
0xd1: {  	_ =	swait.ge [sflag:s10], $0x1900  }
0xd2: {  	[sflag:s10] =	ssyncset.done $0x0  }
0xd3: {  	[sflag:s10] =	ssyncadd.s32 $0xFFFFE700  }
0xd4: {  	_ =	swait.ge [sflag:s11], $0x1900  }
0xd5: {  	s14 =	stileid.u32;
	[sflag:s11] =	ssyncset.done $0x0  }
0xd6: {  	s13 =	sshll.u32 s14, $0x6;
	[sflag:s11] =	ssyncadd.s32 $0xFFFFE700  }
0xd7: {  	s13 =	sor.u32 $0x1C0A, s13;
	s15 =	sshrl.u32 s4, $0x3;
	[bflag:$0x0] =	sbarrier.arrive $0xFFFF  }
0xd8: {  	[hbm:s21], [sflag:s13] =	dma.local [spmem:s15], $0x1380  }
0xd9: {  	_ =	swait.ge [sflag:s26], $0x1380  }
0xda: {  	s12 =	sadd.s32 $0x1, s12;
	[sflag:s26] =	ssyncset.done $0x0  }
0xdb: {  	p1 =	sne.s32 s12, s23;
	s14 =	sshrl.u32 @!p0 s19, $0x3;
	[sflag:s26] =	ssyncadd.s32 $0xFFFFEC80  }
0xdc: {  	[hbm:s22], [sflag:s13] =	dma.local @!p0 [spmem:s14], $0x80  }
.Ltmp2:
0xdd: {  	_ = 	snop;
	(pc) =	sbr.rel @p1 .LBB2_1-.Ltmp2, $4  }
0xde: {  	s13 =	simm.s32 @!p0 $0xA  }
0xdf: {  	_ =	swait.ge @!p0 [sflag:s13], $0x80  }
0xe0: {  	[sflag:s13] =	ssyncset.done @!p0 $0x0  }
0xe1: {  	[sflag:s13] =	ssyncadd.s32 @!p0 $0xFFFFFF80  }
0xe2: {  	_ =	sfence.sel $0x180000  }
0xe3: {  	[bflag:$0x0] =	sbarrier.arrive $0xFFFF  }
0xe4: {  	_ =	strace $0x9000004A  }
0xe5: {  	s0 =	stileid.u32;
	[bflag:$0x2] =	sbarrier.arrive $0xFFFF  }
0xe6: {  	p0 =	sne.s32 s0, $0x0;
	s0 =	rddreg [dreg:$0x2]  }
0xe7: {  	s0 =	sadd.s32 @!p0 $0x100000, s0  }
0xe8: {  	[sflag:s0] =	ssyncadd.tile.s32 @!p0 $0x1;
	_ =	shalt  }
.Lfunc_end2:
_tile_overlayer_lowered:
.L_overlay_start_2:
0xe9: {  	(tag) =	ssettag $0x2  }
0xea: {  	s0 =	rddreg [dreg:$0x0];
	s2 =	stileid.u32  }
0xeb: {  	s1 =	rddreg [dreg:$0x1];
	p0 =	sne.s32 s2, $0x0  }
0xec: {  	s3 =	rddreg [dreg:$0x2];
	[bflag:$0x3] =	sbarrier.arrive $0xFFFF;
	s2 =	simm.s32 @!p0 $0x1C0A  }
0xed: {  	[timem:s3], [sflag:s2] =	dma.local @!p0 [hbm:s0], s1  }
0xee: {  	s0 =	simm.s32 @!p0 $0xA  }
0xef: {  	_ =	swait.ge @!p0 [sflag:s0], s1  }
0xf0: {  	s1 =	ssub.s32 @!p0 $0x0, s1;
	[sflag:s0] =	ssyncset.done @!p0 $0x0  }
0xf1: {  	[sflag:s0] =	ssyncadd.s32 @!p0 s1  }
0xf2: {  	[bflag:$0x3] =	sbarrier.arrive $0xFFFF  }
0xf3: {  	_ =	shalt  }

// kernel: kernel.14.cloned.1.call-start
scs
__scs_entry_jumppad:
0x0: {  	(pc) =	sbr.rel $0x88, $3  }
0x1: {  	(tag) =	ssettag $0x0;
	lr =	simm.s32 $0x1  }
0x2: {  	[smem:$0x3F96] =	sst lr;
	_ =	strace $0xD0000000  }
0x3: {  	_ = 	snop  }
0x4: {  	_ = 	snop  }
0x5: {  	_ = 	snop  }
0x6: {  	_ = 	snop  }
0x7: {  	_ = 	snop  }
__scs_overlays_trampoline_lowered:
0x8: {  	[smem:$0x3FA5] =	sst s0  }
0x9: {  	[smem:$0x3FA6] =	sst s1  }
0xa: {  	[smem:$0x3FA7] =	sst s2  }
0xb: {  	[smem:$0x3FA8] =	sst s3  }
0xc: {  	[smem:$0x3FA9] =	sst s4  }
0xd: {  	[smem:$0x3FAA] =	sst s5  }
0xe: {  	[smem:$0x3FAB] =	sst s6  }
0xf: {  	[smem:$0x3FAC] =	sst s7  }
0x10: {  	[smem:$0x3FAD] =	sst s8  }
0x11: {  	[smem:$0x3FAE] =	sst s9;
	s0 =	simm.s32 @!p0 $0x0  }
0x12: {  	s1 =	sld [smem:$0x3F94];
	s0 =	simm.s32 @p0 $0x1  }
0x13: {  	[smem:$0x3FAF] =	sst s0;
	s0 =	simm.s32 @!p1 $0x0  }
0x14: {  	s2 =	sld [smem:$0x3F93];
	s0 =	simm.s32 @p1 $0x1  }
0x15: {  	[smem:$0x3FB0] =	sst s0;
	s0 =	simm.s32 @!p2 $0x0  }
0x16: {  	s3 =	sld [smem:$0x3FDB];
	s0 =	simm.s32 @p2 $0x1  }
0x17: {  	s4 =	simm.s32 $0x1BF5;
	[smem:$0x3FB2] =	sst s0  }
0x18: {  	s0 =	sld [smem:$0x3F95];
	_ =	swait.ge [sflag:s4], $0x0  }
0x19: {  	s7 =	sld [smem:$0x3F96]  }
0x1a: {  	s8 =	sadd.s32 $0xFFFFE003, lr  }
0x1b: {  	s9 =	sadd.s32 $0xFFFFFEF7, lr;
	s5 =	simm.s32 $0xFFFFFFFF;
	p2 =	slt.u32 s8, $0xFFFFF086  }
0x1c: {  	p1 =	slt.u32 s9, $0xF7A;
	s5 =	simm.s32 @!p2 $0x0  }
0x1d: {  	s5 =	simm.s32 @p1 $0x1;
	p0 =	seq.s32 s7, s2  }
0x1e: {  	s7 =	smul.u32 @!p0 $0xF7A, s2;
	p2 =	seq.s32 @!p0 s5, $0x0  }
0x1f: {  	s9 =	smul.u32 $0xF7A, s1;
	s8 =	simm.s32 @!p0 $0x1BF5;
	p2 =	por !p2, p0  }
0x20: {  	[sflag:s8] =	ssyncset.s32 @!p0 $0xFFFFF086;
	s6 =	sadd.s32 @!p0 s3, s7;
	s7 =	simm.s32 @!p0 $0x108  }
0x21: {  	s3 =	sadd.s32 s3, s9;
	s6 =	sadd.s32 @!p0 $0x88, s6;
	s7 =	simm.s32 @p2 $0x1082  }
0x22: {  	[simem:s7], [sflag:s8] =	dma.local @!p0 [hbm:s6], $0xF7A  }
0x23: {  	s9 =	sor.u32 $0xD0000000, s2;
	s6 =	simm.s32 $0x108;
	_ =	swait.ge @!p0 [sflag:s8], $0x0  }
0x24: {  	s3 =	sadd.s32 $0x88, s3;
	s6 =	simm.s32 @!p1 $0x1082;
	[sflag:s4] =	ssyncset.s32 $0xFFFFF086  }
0x25: {  	[simem:s6], [sflag:s4] =	dma.local [hbm:s3], $0xF7A  }
0x26: {  	[smem:$0x3F96] =	sst s1;
	(tag) =	ssettag s2;
	_ =	strace s9  }
0x27: {  	s1 =	sld [smem:$0x3FA6]  }
0x28: {  	s2 =	sld [smem:$0x3FA7]  }
0x29: {  	s4 =	sld [smem:$0x3FA9]  }
0x2a: {  	p0 =	seq.s32 s5, $0x0;
	s5 =	sld [smem:$0x3FAA]  }
0x2b: {  	s6 =	sld [smem:$0x3FAB]  }
0x2c: {  	s7 =	sld [smem:$0x3FAC]  }
0x2d: {  	s3 =	simm.s32 $0x108;
	s8 =	sld [smem:$0x3FAD]  }
0x2e: {  	s3 =	simm.s32 @!p0 $0x1082;
	s9 =	sld [smem:$0x3FAE]  }
0x2f: {  	lr =	sadd.s32 s0, s3;
	s0 =	sld [smem:$0x3FA5]  }
0x30: {  	s3 =	sld [smem:$0x3FA8]  }
0x31: {  	[smem:$0x3FB1] =	sst s10  }
0x32: {  	s10 =	sld [smem:$0x3FAF];
	_ =	sdelay $0x3  }
0x33: {  	p0 =	seq.s32 s10, $0x1;
	s10 =	sld [smem:$0x3FB1];
	_ =	sdelay $0x3  }
0x34: {  	[smem:$0x3FB1] =	sst s10  }
0x35: {  	s10 =	sld [smem:$0x3FB0];
	_ =	sdelay $0x3  }
0x36: {  	p1 =	seq.s32 s10, $0x1;
	s10 =	sld [smem:$0x3FB1];
	_ =	sdelay $0x3  }
0x37: {  	[smem:$0x3FB1] =	sst s10  }
0x38: {  	s10 =	sld [smem:$0x3FB2]  }
0x39: {  	_ = 	snop;
	(pc) =	sbr.ind lr, $3  }
0x3a: {  	_ = 	snop  }
0x3b: {  	_ = 	snop  }
0x3c: {  	p2 =	seq.s32 s10, $0x1;
	s10 =	sld [smem:$0x3FB1]  }
0x3d: {  	_ =	shalt  }
0x3e: {  	_ =	shalt  }
0x3f: {  	_ =	shalt  }
0x40: {  	_ =	shalt  }
0x41: {  	_ =	shalt  }
0x42: {  	_ =	shalt  }
0x43: {  	_ =	shalt  }
0x44: {  	_ =	shalt  }
0x45: {  	_ =	shalt  }
0x46: {  	_ =	shalt  }
0x47: {  	_ =	shalt  }
0x48: {  	_ =	shalt  }
0x49: {  	_ =	shalt  }
0x4a: {  	_ =	shalt  }
0x4b: {  	_ =	shalt  }
0x4c: {  	_ =	shalt  }
0x4d: {  	_ =	shalt  }
0x4e: {  	_ =	shalt  }
0x4f: {  	_ =	shalt  }
0x50: {  	_ =	shalt  }
0x51: {  	_ =	shalt  }
0x52: {  	_ =	shalt  }
0x53: {  	_ =	shalt  }
0x54: {  	_ =	shalt  }
0x55: {  	_ =	shalt  }
0x56: {  	_ =	shalt  }
0x57: {  	_ =	shalt  }
0x58: {  	_ =	shalt  }
0x59: {  	_ =	shalt  }
0x5a: {  	_ =	shalt  }
0x5b: {  	_ =	shalt  }
0x5c: {  	_ =	shalt  }
0x5d: {  	_ =	shalt  }
0x5e: {  	_ =	shalt  }
0x5f: {  	_ =	shalt  }
0x60: {  	_ =	shalt  }
0x61: {  	_ =	shalt  }
0x62: {  	_ =	shalt  }
0x63: {  	_ =	shalt  }
0x64: {  	_ =	shalt  }
0x65: {  	_ =	shalt  }
0x66: {  	_ =	shalt  }
0x67: {  	_ =	shalt  }
0x68: {  	_ =	shalt  }
0x69: {  	_ =	shalt  }
0x6a: {  	_ =	shalt  }
0x6b: {  	_ =	shalt  }
0x6c: {  	_ =	shalt  }
0x6d: {  	_ =	shalt  }
0x6e: {  	_ =	shalt  }
0x6f: {  	_ =	shalt  }
0x70: {  	_ =	shalt  }
0x71: {  	_ =	shalt  }
0x72: {  	_ =	shalt  }
0x73: {  	_ =	shalt  }
0x74: {  	_ =	shalt  }
0x75: {  	_ =	shalt  }
0x76: {  	_ =	shalt  }
0x77: {  	_ =	shalt  }
0x78: {  	_ =	shalt  }
0x79: {  	_ =	shalt  }
0x7a: {  	_ =	shalt  }
0x7b: {  	_ =	shalt  }
0x7c: {  	_ =	shalt  }
0x7d: {  	_ =	shalt  }
0x7e: {  	_ =	shalt  }
0x7f: {  	_ =	shalt  }
0x80: {  	_ =	shalt  }
0x81: {  	_ =	shalt  }
0x82: {  	_ =	shalt  }
0x83: {  	_ =	shalt  }
0x84: {  	_ =	shalt  }
0x85: {  	_ =	shalt  }
0x86: {  	_ =	shalt  }
0x87: {  	_ =	shalt  }
.Lfunc_end0:
.L_simem_size_0:
called_computation.2_lowered:
.L_overlay_start_0:
0x88: {  	s2 =	sld [smem:$0x3FD9]  }
0x89: {  	s3 =	sld [smem:$0x3FFE];
	_ =	sdelay $0x1  }
0x8a: {  	s1 =	srdreg.scid  }
0x8b: {  	s0 =	sand.u32 $0x1, s1  }
0x8c: {  	s16 =	sshll.u32 s0, $0xA;
	s2 =	sadd.s32 s3, s2  }
0x8d: {  	s2 =	sadd.s32 s2, s16  }
0x8e: {  	[smem:$0x3FBD] =	sst s2  }
0x8f: {  	_ = 	snop  }
0x90: {  	(tm) =	ssettm $0x1  }
0x91: {  	s17 =	sld [smem:$0x3FFB];
	_ =	sdelay $0x3  }
0x92: {  	_ =	strace s17  }
0x93: {  	s2 =	sld [smem:$0x3FFC];
	_ =	sdelay $0x3  }
0x94: {  	_ =	strace s2  }
0x95: {  	s2 =	sld [smem:$0x3FFD];
	_ =	sdelay $0x3  }
0x96: {  	_ =	strace s2  }
0x97: {  	_ =	strace $0x8FFFFFFF  }
0x98: {  	s18 =	sld [smem:$0x3FDB];
	_ =	sdelay $0x1  }
0x99: {  	s19 =	simm.s32 $_scs_section_size  }
0x9a: {  	s4 =	simm.s32 $_size__tile_overlayer_lowered;
	s5 =	simm.s32 $_tile_overlayer_lowered  }
0x9b: {  	s22 =	simm.s32 $0x1BFF;
	s21 =	sshll.u32 s5, $0x1;
	s2 =	sadd.s32 s19, s18  }
0x9c: {  	s6 =	simm.s32 $0x0;
	s20 =	sshll.u32 s4, $0x1;
	s4 =	sadd.s32 s21, s2  }
0x9d: {  	[timem:s6], [sflag:s22] =	dma.local [hbm:s4], s20  }
0x9e: {  	_ =	swait.ge [sflag:s22], s20  }
0x9f: {  	s3 =	ssub.s32 $0x0, s20;
	[sflag:s22] =	ssyncset.done $0x0  }
0xa0: {  	[sflag:s22] =	ssyncadd.s32 s3;
	_ =	sdelay $0x1  }
0xa1: {  	s23 =	simm.s32 $0x1B8B  }
0xa2: {  	_ =	swait.ge [sflag:s23], $0x1  }
0xa3: {  	[sflag:s23] =	ssyncset.done $0x0  }
0xa4: {  	s25 =	simm.s32 $0x1B8E;
	s24 =	sld [smem:$0x3FFE];
	[sflag:s23] =	ssyncadd.s32 $0xFFFFFFFF  }
0xa5: {  	s26 =	simm.s32 $execute0_lowered;
	[smem:$0x3FD2] =	sst s25  }
0xa6: {  	s4 =	sshll.u32 s26, $0x1;
	_ =	strace $0x8000004C;
	[dreg:$0x1] =	wrdreg $0xFFFFFFFF  }
0xa7: {  	s28 =	simm.s32 $_size_execute0_lowered;
	s2 =	sadd.s32 s2, s4;
	[dreg:$0x0] =	wrdreg $0x0  }
0xa8: {  	s4 =	sshll.u32 s28, $0x1;
	[dreg:$0x2] =	wrdreg s2  }
0xa9: {  	[dreg:$0x3] =	wrdreg s4  }
0xaa: {  	[dreg:$0x4] =	wrdreg $0xC0  }
0xab: {  	_ =	task [dreg:s6], $0x5FFFF  }
0xac: {  	[dreg:$0x1] =	wrdreg $0xFFFFFFFF  }
0xad: {  	[dreg:$0x0] =	wrdreg $0x60  }
0xae: {  	[dreg:$0x2] =	wrdreg s24  }
0xaf: {  	[dreg:$0x3] =	wrdreg $0x0  }
0xb0: {  	[dreg:$0x4] =	wrdreg $0x9  }
0xb1: {  	_ =	task.clear_ibuf [dreg:s6], $0x5FFFF;
	_ =	strace $0x9000004C  }
0xb2: {  	s29 =	simm.s32 $0x9;
	_ =	strace $0x8000004E  }
0xb3: {  	_ =	swait.ge [sflag:s29], $0x1  }
0xb4: {  	[sflag:s29] =	ssyncadd.s32 $0xFFFFFFFF  }
0xb5: {  	_ =	strace $0x9000004E  }
0xb6: {  	_ =	sfence  }
0xb7: {  	s30 =	sld [smem:$0x0];
	_ =	sdelay $0x2  }
0xb8: {  	s31 =	sshll.u32 s1, $0xD;
	s1 =	sshrl.u32 s1, $0x2  }
0xb9: {  	s3 =	sand.u32 $0x4000, s31;
	s1 =	sadd.s32 s1, s30  }
0xba: {  	s0 =	sor.u32 s3, s0;
	s1 =	sshll.u32 s1, $0x11  }
0xbb: {  	s0 =	sor.u32 s1, s0  }
0xbc: {  	s0 =	sadd.s32 $0x8F2B, s0  }
0xbd: {  	[sflag:s0] =	ssyncadd.remote.s32 $0x1  }
0xbe: {  	_ =	sfence.sel $0xFFFF  }
0xbf: {  	[dreg:$0x0] =	wrdreg $0xFFFFFFFF;
	(pc) =	sbr.abs _section_cstart, $3  }
0xc0: {  	[dreg:$0x1] =	wrdreg $0xFFFFFFFF  }
0xc1: {  	_ =	task.clear_ibuf [dreg:s6], $0x2FFFF;
	_ =	strace $0x9FFFFFFF  }
0xc2: {  	(tm) =	ssettm $0x7FFFFFFF  }
0xc3: {  	_ =	shalt  }
tec
execute0_lowered:
.L_overlay_start_1:
0x0: {  	(tag) =	ssettag $0x1  }
0x1: {  	s0 =	rddreg [dreg:$0x0];
	s1 =	srdreg.scid  }
0x2: {  	s2 =	rddreg [dreg:$0x1];
	s11 =	stileid.u32;
	s5 =	simm.s32 $0x0  }
0x3: {  	s29 =	simm.s32 $0x9;
	s30 =	simm.s32 $0x64;
	s31 =	simm.s32 $0x14AC0  }
0x4: {  	s28 =	simm.s32 $0x195C0;
	s12 =	simm.s32 $0x0;
	s6 =	smul.u32 $0x27000, s11  }
0x5: {  	s1 =	sand.u32 $0x1, s1;
	s4 =	smul.u32 $0xA28, s11;
	[smem:$0x7FF] =	sst s5  }
0x6: {  	s9 =	smul.u32 $0x9C00, s11;
	p0 =	sne.s32 s11, $0xF;
	s14 =	sshrl.u32 s6, $0x2  }
0x7: {  	s11 =	simm.s32 $0x8;
	s3 =	smul.u32 $0x9C400, s1;
	s10 =	sadd.s32 s14, s2  }
0x8: {  	_ =	strace $0x8000004D;
	s1 =	ssub.s32 $0x2, s1;
	s16 =	sadd.s32 $0xC00, s10  }
0x9: {  	s8 =	sadd.s32 s4, s0;
	s17 =	sadd.s32 $0x1800, s10;
	[dreg:$0x3] =	wrdreg s16  }
0xa: {  	s15 =	sshrl.u32 s1, $0x1;
	s18 =	sadd.s32 $0x2400, s10;
	[dreg:$0x4] =	wrdreg s17  }
0xb: {  	s4 =	sadd.s32 s9, s2;
	s19 =	sadd.s32 $0x3000, s10;
	[dreg:$0x5] =	wrdreg s18  }
0xc: {  	s6 =	simm.s32 $0x3;
	s20 =	sadd.s32 $0x3C00, s10;
	[dreg:$0x6] =	wrdreg s19  }
0xd: {  	s13 =	sshrl.u32 s3, $0x3;
	s21 =	sadd.s32 $0x4800, s10;
	[dreg:$0x7] =	wrdreg s20  }
0xe: {  	s1 =	ssub.s32 s1, s15;
	s22 =	sadd.s32 $0x5400, s10;
	[dreg:$0x8] =	wrdreg s21  }
0xf: {  	s3 =	sadd.s32 s9, s3;
	s23 =	sadd.s32 $0x6000, s10;
	[dreg:$0x9] =	wrdreg s22  }
0x10: {  	s9 =	simm.s32 $0x6;
	s24 =	sadd.s32 $0x6C00, s10;
	[dreg:$0xa] =	wrdreg s23  }
0x11: {  	s7 =	sadd.s32 s13, s0;
	s25 =	sadd.s32 $0x7800, s10;
	[dreg:$0xb] =	wrdreg s24  }
0x12: {  	s0 =	sadd.s32 $0x9D400, s0;
	s26 =	sadd.s32 $0x8400, s10;
	[dreg:$0xc] =	wrdreg s25  }
0x13: {  	s3 =	sshrl.u32 s3, $0x3;
	[dreg:$0xd] =	wrdreg s26;
	s16 =	sadd.s32 $0x9000, s10  }
0x14: {  	s17 =	sadd.s32 $0x1DC00, s8;
	s18 =	sadd.s32 $0x13800, s8;
	s19 =	sadd.s32 $0x9C000, s2  }
0x15: {  	s20 =	sadd.s32 $0x76200, s7;
	s5 =	sadd.s32 s0, s13;
	s21 =	sadd.s32 s0, s3  }
0x16: {  	s23 =	smax.u32 s1, $0x1;
	s24 =	simm.s32 $0x13EC0;
	s25 =	simm.s32 $0x9C40  }
0x17: {  	s26 =	simm.s32 $0xA;
	s1 =	simm.s32 $0x163C0;
	s0 =	simm.s32 $0x17CC0  }
0x18: {  	s3 =	simm.s32 $0x1;
	s7 =	simm.s32 $0x4;
	s8 =	simm.s32 $0x5  }
0x19: {  	v0 =	vimm.f32 $0.0e+00;
	s10 =	simm.s32 $0x7;
	s22 =	sadd.s32 $0x13800, s5;
	s5 =	simm.s32 $0x2  }
.LBB2_1:
0x1a: {  	s14 =	simm.s32 $0x100;
	s13 =	simm.s32 $0x0  }
.LBB2_2:
0x1b: {  	p1 =	sne.s32 s14, $0x2F00;
	[tilespmem:s13+$0x13EF0] =	vst v0;
	s15 =	smov.u32 s14;
	s14 =	sadd.s32 $0x100, s14  }
.Ltmp0:
0x1c: {  	[tilespmem:s13+$0x13EE0] =	vst v0;
	(pc) =	sbr.rel @p1 .LBB2_2-.Ltmp0, $3  }
0x1d: {  	[tilespmem:s13+$0x13EC0] =	vst v0  }
0x1e: {  	[tilespmem:s13+$0x13ED0] =	vst v0;
	_ =	sdelay $0x1  }
0x1f: {  	s13 =	sshra.s32 s15, $0x2  }
0x20: {  	[tilespmem:s13+$0x13EF0] =	vst v0  }
0x21: {  	[tilespmem:s13+$0x13EE0] =	vst v0  }
0x22: {  	[tilespmem:s13+$0x13EC0] =	vst v0  }
0x23: {  	[tilespmem:s13+$0x13ED0] =	vst v0  }
0x24: {  	[spmem:s4] =	stream.linear.scatter [tilespmem:s24], [sflag:$0x9], $0xC00, $0x38;
	[tilespmem:$0x1AEC0] =	vst v63  }
0x25: {  	s14 =	rddreg [dreg:$0x3]  }
0x26: {  	[spmem:s14] =	stream.linear.scatter [tilespmem:s24], [sflag:$0x9], $0xC00, $0x38;
	[tilespmem:$0x1AEC0] =	vst v63  }
0x27: {  	s15 =	rddreg [dreg:$0x4]  }
0x28: {  	[spmem:s15] =	stream.linear.scatter [tilespmem:s24], [sflag:$0x9], $0xC00, $0x38;
	[tilespmem:$0x1AEC0] =	vst v63  }
0x29: {  	s14 =	rddreg [dreg:$0x5]  }
0x2a: {  	[spmem:s14] =	stream.linear.scatter [tilespmem:s24], [sflag:$0x9], $0xC00, $0x38;
	[tilespmem:$0x1AEC0] =	vst v63  }
0x2b: {  	s15 =	rddreg [dreg:$0x6]  }
0x2c: {  	[spmem:s15] =	stream.linear.scatter [tilespmem:s24], [sflag:$0x9], $0xC00, $0x38;
	[tilespmem:$0x1AEC0] =	vst v63  }
0x2d: {  	s14 =	rddreg [dreg:$0x7]  }
0x2e: {  	[spmem:s14] =	stream.linear.scatter [tilespmem:s24], [sflag:$0x9], $0xC00, $0x38;
	[tilespmem:$0x1AEC0] =	vst v63  }
0x2f: {  	s15 =	rddreg [dreg:$0x8]  }
0x30: {  	[spmem:s15] =	stream.linear.scatter [tilespmem:s24], [sflag:$0x9], $0xC00, $0x38;
	[tilespmem:$0x1AEC0] =	vst v63  }
0x31: {  	s14 =	rddreg [dreg:$0x9]  }
0x32: {  	[spmem:s14] =	stream.linear.scatter [tilespmem:s24], [sflag:$0x9], $0xC00, $0x38;
	[tilespmem:$0x1AEC0] =	vst v63  }
0x33: {  	s15 =	rddreg [dreg:$0xa]  }
0x34: {  	[spmem:s15] =	stream.linear.scatter [tilespmem:s24], [sflag:$0x9], $0xC00, $0x38;
	[tilespmem:$0x1AEC0] =	vst v63  }
0x35: {  	s14 =	rddreg [dreg:$0xb]  }
0x36: {  	[spmem:s14] =	stream.linear.scatter [tilespmem:s24], [sflag:$0x9], $0xC00, $0x38;
	[tilespmem:$0x1AEC0] =	vst v63  }
0x37: {  	s15 =	rddreg [dreg:$0xc]  }
0x38: {  	[spmem:s15] =	stream.linear.scatter [tilespmem:s24], [sflag:$0x9], $0xC00, $0x38;
	[tilespmem:$0x1AEC0] =	vst v63  }
0x39: {  	s14 =	rddreg [dreg:$0xd]  }
0x3a: {  	[spmem:s14] =	stream.linear.scatter [tilespmem:s24], [sflag:$0x9], $0xC00, $0x38;
	[tilespmem:$0x1AEC0] =	vst v63  }
0x3b: {  	_ = 	snop  }
0x3c: {  	[spmem:s16] =	stream.linear.scatter [tilespmem:s24], [sflag:$0x9], $0xC00, $0x38;
	[tilespmem:$0x1AEC0] =	vst v63  }
0x3d: {  	s15 =	simm.s32 $0x0  }
0x3e: {  	[tilespmem:s25], [sflag:$0xA] =	stream.linear.gather [hbm4b:s17+s15], $0x5140, $0x38;
	[tilespmem:$0x1AEC0] =	vst v63  }
0x3f: {  	_ =	swait.ge [sflag:s26], $0x5140  }
0x40: {  	[sflag:s26] =	ssyncset.done $0x0  }
0x41: {  	s14 =	simm.s32 $0xED80;
	[sflag:s26] =	ssyncadd.s32 $0xFFFFAEC0  }
0x42: {  	[tilespmem:s14], [sflag:$0xA] =	stream.linear.gather [hbm4b:s18+s15], $0x5140, $0x38;
	[tilespmem:$0x1AEC0] =	vst v63  }
0x43: {  	_ =	swait.ge [sflag:s26], $0x5140  }
0x44: {  	[sflag:s26] =	ssyncset.done $0x0  }
0x45: {  	[sflag:s26] =	ssyncadd.s32 $0xFFFFAEC0  }
0x46: {  	_ =	swait.ge [sflag:s29], $0xC00  }
0x47: {  	[sflag:s29] =	ssyncset.done $0x0  }
0x48: {  	[sflag:s29] =	ssyncadd.s32 $0xFFFFF400  }
0x49: {  	_ =	swait.ge [sflag:s29], $0xC00  }
0x4a: {  	[sflag:s29] =	ssyncset.done $0x0  }
0x4b: {  	[sflag:s29] =	ssyncadd.s32 $0xFFFFF400  }
0x4c: {  	_ =	swait.ge [sflag:s29], $0xC00  }
0x4d: {  	[sflag:s29] =	ssyncset.done $0x0  }
0x4e: {  	[sflag:s29] =	ssyncadd.s32 $0xFFFFF400  }
0x4f: {  	_ =	swait.ge [sflag:s29], $0xC00  }
0x50: {  	[sflag:s29] =	ssyncset.done $0x0  }
0x51: {  	[sflag:s29] =	ssyncadd.s32 $0xFFFFF400  }
0x52: {  	_ =	swait.ge [sflag:s29], $0xC00  }
0x53: {  	[sflag:s29] =	ssyncset.done $0x0  }
0x54: {  	[sflag:s29] =	ssyncadd.s32 $0xFFFFF400  }
0x55: {  	_ =	swait.ge [sflag:s29], $0xC00  }
0x56: {  	[sflag:s29] =	ssyncset.done $0x0  }
0x57: {  	[sflag:s29] =	ssyncadd.s32 $0xFFFFF400  }
0x58: {  	_ =	swait.ge [sflag:s29], $0xC00  }
0x59: {  	[sflag:s29] =	ssyncset.done $0x0  }
0x5a: {  	[sflag:s29] =	ssyncadd.s32 $0xFFFFF400  }
0x5b: {  	_ =	swait.ge [sflag:s29], $0xC00  }
0x5c: {  	[sflag:s29] =	ssyncset.done $0x0  }
0x5d: {  	[sflag:s29] =	ssyncadd.s32 $0xFFFFF400  }
0x5e: {  	_ =	swait.ge [sflag:s29], $0xC00  }
0x5f: {  	[sflag:s29] =	ssyncset.done $0x0  }
0x60: {  	[sflag:s29] =	ssyncadd.s32 $0xFFFFF400  }
0x61: {  	_ =	swait.ge [sflag:s29], $0xC00  }
0x62: {  	[sflag:s29] =	ssyncset.done $0x0  }
0x63: {  	[sflag:s29] =	ssyncadd.s32 $0xFFFFF400  }
0x64: {  	_ =	swait.ge [sflag:s29], $0xC00  }
0x65: {  	[sflag:s29] =	ssyncset.done $0x0  }
0x66: {  	[sflag:s29] =	ssyncadd.s32 $0xFFFFF400  }
0x67: {  	_ =	swait.ge [sflag:s29], $0xC00  }
0x68: {  	[sflag:s29] =	ssyncset.done $0x0  }
0x69: {  	[sflag:s29] =	ssyncadd.s32 $0xFFFFF400  }
0x6a: {  	_ =	swait.ge [sflag:s29], $0xC00  }
0x6b: {  	[sflag:s29] =	ssyncset.done $0x0  }
0x6c: {  	s13 =	simm.s32 @!p0 $0x13EC0;
	[sflag:s29] =	ssyncadd.s32 $0xFFFFF400  }
0x6d: {  	[spmem:s19] =	stream.linear.scatter @!p0 [tilespmem:s13], [sflag:$0xA], $0x400, $0x38;
	[tilespmem:$0x1AEC0] =	vst v63  }
0x6e: {  	s13 =	simm.s32 @!p0 $0xA  }
0x6f: {  	_ =	swait.ge @!p0 [sflag:s13], $0x400  }
0x70: {  	[sflag:s13] =	ssyncset.done @!p0 $0x0  }
0x71: {  	[sflag:s13] =	ssyncadd.s32 @!p0 $0xFFFFFC00  }
0x72: {  	[bflag:$0x0] =	sbarrier.arrive $0xFFFF  }
0x73: {  	[tilespmem:s31], [sflag:$0x1] =	stream.indirect.gather [hbm4b:s20+s30], $0x40, s25, s30, $0xb8;
	[tilespmem:$0x1AEC0] =	vst v63  }
0x74: {  	s14 =	simm.s32 $0x9CA8  }
0x75: {  	[tilespmem:s1], [sflag:$0x2] =	stream.indirect.gather [hbm4b:s20+s30], $0x40, s14, s30, $0xb8;
	[tilespmem:$0x1AEC0] =	vst v63  }
0x76: {  	s15 =	simm.s32 $0x9D10  }
0x77: {  	[tilespmem:s0], [sflag:$0x3] =	stream.indirect.gather [hbm4b:s20+s30], $0x40, s15, s30, $0xb8;
	[tilespmem:$0x1AEC0] =	vst v63  }
0x78: {  	s14 =	simm.s32 $0x9D78  }
0x79: {  	[tilespmem:s28], [sflag:$0x4] =	stream.indirect.gather [hbm4b:s20+s30], $0x40, s14, s30, $0xb8;
	[tilespmem:$0x1AEC0] =	vst v63  }
0x7a: {  	_ =	swait.ge [sflag:s3], $0x1900  }
0x7b: {  	[sflag:s3] =	ssyncset.done $0x0  }
0x7c: {  	s15 =	simm.s32 $0xED80;
	[sflag:s3] =	ssyncadd.s32 $0xFFFFE700  }
0x7d: {  	[spmem:s2] =	stream.indirect.scatter.add.f32 [tilespmem:s31], [sflag:$0x5], $0x40, s15, s30, $0xb8;
	[tilespmem:$0x1AEC0] =	vst v63  }
0x7e: {  	_ =	swait.ge [sflag:s5], $0x1900  }
0x7f: {  	[sflag:s5] =	ssyncset.done $0x0  }
0x80: {  	s14 =	simm.s32 $0xEDE8;
	[sflag:s5] =	ssyncadd.s32 $0xFFFFE700  }
0x81: {  	[spmem:s2] =	stream.indirect.scatter.add.f32 [tilespmem:s1], [sflag:$0x6], $0x40, s14, s30, $0xb8;
	[tilespmem:$0x1AEC0] =	vst v63  }
0x82: {  	_ =	swait.ge [sflag:s6], $0x1900  }
0x83: {  	[sflag:s6] =	ssyncset.done $0x0  }
0x84: {  	s15 =	simm.s32 $0xEE50;
	[sflag:s6] =	ssyncadd.s32 $0xFFFFE700  }
0x85: {  	[spmem:s2] =	stream.indirect.scatter.add.f32 [tilespmem:s0], [sflag:$0x7], $0x40, s15, s30, $0xb8;
	[tilespmem:$0x1AEC0] =	vst v63  }
0x86: {  	_ =	swait.ge [sflag:s7], $0x1900  }
0x87: {  	[sflag:s7] =	ssyncset.done $0x0  }
0x88: {  	s14 =	simm.s32 $0xEEB8;
	[sflag:s7] =	ssyncadd.s32 $0xFFFFE700  }
0x89: {  	[spmem:s2] =	stream.indirect.scatter.add.f32 [tilespmem:s28], [sflag:$0x8], $0x40, s14, s30, $0xb8;
	[tilespmem:$0x1AEC0] =	vst v63  }
0x8a: {  	_ =	swait.ge [sflag:s8], $0x1900  }
0x8b: {  	[sflag:s8] =	ssyncset.done $0x0  }
0x8c: {  	s15 =	simm.s32 $0x9DE0;
	[sflag:s8] =	ssyncadd.s32 $0xFFFFE700  }
0x8d: {  	[tilespmem:s31], [sflag:$0x1] =	stream.indirect.gather [hbm4b:s20+s30], $0x40, s15, s30, $0xb8;
	[tilespmem:$0x1AEC0] =	vst v63  }
0x8e: {  	_ =	swait.ge [sflag:s9], $0x1900  }
0x8f: {  	[sflag:s9] =	ssyncset.done $0x0  }
0x90: {  	s14 =	simm.s32 $0x9E48;
	[sflag:s9] =	ssyncadd.s32 $0xFFFFE700  }
0x91: {  	[tilespmem:s1], [sflag:$0x2] =	stream.indirect.gather [hbm4b:s20+s30], $0x40, s14, s30, $0xb8;
	[tilespmem:$0x1AEC0] =	vst v63  }
0x92: {  	_ =	swait.ge [sflag:s10], $0x1900  }
0x93: {  	[sflag:s10] =	ssyncset.done $0x0  }
0x94: {  	s15 =	simm.s32 $0x9EB0;
	[sflag:s10] =	ssyncadd.s32 $0xFFFFE700  }
0x95: {  	[tilespmem:s0], [sflag:$0x3] =	stream.indirect.gather [hbm4b:s20+s30], $0x40, s15, s30, $0xb8;
	[tilespmem:$0x1AEC0] =	vst v63  }
0x96: {  	_ =	swait.ge [sflag:s11], $0x1900  }
0x97: {  	[sflag:s11] =	ssyncset.done $0x0  }
0x98: {  	s13 =	simm.s32 $0x680;
	s14 =	simm.s32 $0x9F18;
	[sflag:s11] =	ssyncadd.s32 $0xFFFFE700  }
.LBB2_4:
0x99: {  	[tilespmem:s28], [sflag:$0x4] =	stream.indirect.gather [hbm4b:s20+s30], $0x40, s14, s30, $0xb8;
	[tilespmem:$0x1AEC0] =	vst v63  }
0x9a: {  	s14 =	smov.u32 s13  }
0x9b: {  	p1 =	sne.s32 s13, $0x13800;
	s13 =	sadd.s32 $0x680, s13;
	_ =	swait.ge [sflag:s3], $0x1900  }
0x9c: {  	s14 =	sshra.s32 s14, $0x2;
	[sflag:s3] =	ssyncset.done $0x0  }
0x9d: {  	s15 =	sadd.s32 $0xED80, s14;
	[sflag:s3] =	ssyncadd.s32 $0xFFFFE700  }
0x9e: {  	[spmem:s2] =	stream.indirect.scatter.add.f32 [tilespmem:s31], [sflag:$0x5], $0x40, s15, s30, $0xb8;
	[tilespmem:$0x1AEC0] =	vst v63  }
0x9f: {  	_ =	swait.ge [sflag:s5], $0x1900  }
0xa0: {  	[sflag:s5] =	ssyncset.done $0x0  }
0xa1: {  	s15 =	sadd.s32 $0xEDE8, s14;
	[sflag:s5] =	ssyncadd.s32 $0xFFFFE700  }
0xa2: {  	[spmem:s2] =	stream.indirect.scatter.add.f32 [tilespmem:s1], [sflag:$0x6], $0x40, s15, s30, $0xb8;
	[tilespmem:$0x1AEC0] =	vst v63  }
0xa3: {  	_ =	swait.ge [sflag:s6], $0x1900  }
0xa4: {  	[sflag:s6] =	ssyncset.done $0x0  }
0xa5: {  	s15 =	sadd.s32 $0xEE50, s14;
	[sflag:s6] =	ssyncadd.s32 $0xFFFFE700  }
0xa6: {  	[spmem:s2] =	stream.indirect.scatter.add.f32 [tilespmem:s0], [sflag:$0x7], $0x40, s15, s30, $0xb8;
	[tilespmem:$0x1AEC0] =	vst v63  }
0xa7: {  	_ =	swait.ge [sflag:s7], $0x1900  }
0xa8: {  	[sflag:s7] =	ssyncset.done $0x0  }
0xa9: {  	s15 =	sadd.s32 $0xEEB8, s14;
	[sflag:s7] =	ssyncadd.s32 $0xFFFFE700  }
0xaa: {  	[spmem:s2] =	stream.indirect.scatter.add.f32 [tilespmem:s28], [sflag:$0x8], $0x40, s15, s30, $0xb8;
	[tilespmem:$0x1AEC0] =	vst v63  }
0xab: {  	_ =	swait.ge [sflag:s8], $0x1900  }
0xac: {  	[sflag:s8] =	ssyncset.done $0x0  }
0xad: {  	s15 =	sadd.s32 $0x9DE0, s14;
	[sflag:s8] =	ssyncadd.s32 $0xFFFFE700  }
0xae: {  	[tilespmem:s31], [sflag:$0x1] =	stream.indirect.gather [hbm4b:s20+s30], $0x40, s15, s30, $0xb8;
	[tilespmem:$0x1AEC0] =	vst v63  }
0xaf: {  	_ =	swait.ge [sflag:s9], $0x1900  }
0xb0: {  	[sflag:s9] =	ssyncset.done $0x0  }
0xb1: {  	s15 =	sadd.s32 $0x9E48, s14;
	[sflag:s9] =	ssyncadd.s32 $0xFFFFE700  }
0xb2: {  	[tilespmem:s1], [sflag:$0x2] =	stream.indirect.gather [hbm4b:s20+s30], $0x40, s15, s30, $0xb8;
	[tilespmem:$0x1AEC0] =	vst v63  }
0xb3: {  	_ =	swait.ge [sflag:s10], $0x1900  }
0xb4: {  	[sflag:s10] =	ssyncset.done $0x0  }
.Ltmp1:
0xb5: {  	s15 =	sadd.s32 $0x9EB0, s14;
	[sflag:s10] =	ssyncadd.s32 $0xFFFFE700;
	(pc) =	sbr.rel @p1 .LBB2_4-.Ltmp1, $4  }
0xb6: {  	[tilespmem:s0], [sflag:$0x3] =	stream.indirect.gather [hbm4b:s20+s30], $0x40, s15, s30, $0xb8;
	[tilespmem:$0x1AEC0] =	vst v63  }
0xb7: {  	_ =	swait.ge [sflag:s11], $0x1900  }
0xb8: {  	[sflag:s11] =	ssyncset.done $0x0  }
0xb9: {  	s14 =	sadd.s32 $0x9F18, s14;
	[sflag:s11] =	ssyncadd.s32 $0xFFFFE700  }
0xba: {  	[tilespmem:s28], [sflag:$0x4] =	stream.indirect.gather [hbm4b:s20+s30], $0x40, s14, s30, $0xb8;
	[tilespmem:$0x1AEC0] =	vst v63  }
0xbb: {  	_ =	swait.ge [sflag:s3], $0x1900  }
0xbc: {  	[sflag:s3] =	ssyncset.done $0x0  }
0xbd: {  	s13 =	simm.s32 $0x13D20;
	[sflag:s3] =	ssyncadd.s32 $0xFFFFE700  }
0xbe: {  	[spmem:s2] =	stream.indirect.scatter.add.f32 [tilespmem:s31], [sflag:$0x5], $0x40, s13, s30, $0xb8;
	[tilespmem:$0x1AEC0] =	vst v63  }
0xbf: {  	_ =	swait.ge [sflag:s5], $0x1900  }
0xc0: {  	[sflag:s5] =	ssyncset.done $0x0  }
0xc1: {  	s15 =	simm.s32 $0x13D88;
	[sflag:s5] =	ssyncadd.s32 $0xFFFFE700  }
0xc2: {  	[spmem:s2] =	stream.indirect.scatter.add.f32 [tilespmem:s1], [sflag:$0x6], $0x40, s15, s30, $0xb8;
	[tilespmem:$0x1AEC0] =	vst v63  }
0xc3: {  	_ =	swait.ge [sflag:s6], $0x1900  }
0xc4: {  	[sflag:s6] =	ssyncset.done $0x0  }
0xc5: {  	s14 =	simm.s32 $0x13DF0;
	[sflag:s6] =	ssyncadd.s32 $0xFFFFE700  }
0xc6: {  	[spmem:s2] =	stream.indirect.scatter.add.f32 [tilespmem:s0], [sflag:$0x7], $0x40, s14, s30, $0xb8;
	[tilespmem:$0x1AEC0] =	vst v63  }
0xc7: {  	_ =	swait.ge [sflag:s7], $0x1900  }
0xc8: {  	[sflag:s7] =	ssyncset.done $0x0  }
0xc9: {  	s15 =	simm.s32 $0x13E58;
	[sflag:s7] =	ssyncadd.s32 $0xFFFFE700  }
0xca: {  	[spmem:s2] =	stream.indirect.scatter.add.f32 [tilespmem:s28], [sflag:$0x8], $0x40, s15, s30, $0xb8;
	[tilespmem:$0x1AEC0] =	vst v63  }
0xcb: {  	_ =	swait.ge [sflag:s8], $0x1900  }
0xcc: {  	[sflag:s8] =	ssyncset.done $0x0  }
0xcd: {  	[sflag:s8] =	ssyncadd.s32 $0xFFFFE700  }
0xce: {  	_ =	swait.ge [sflag:s9], $0x1900  }
0xcf: {  	[sflag:s9] =	ssyncset.done $0x0  }
0xd0: {  	[sflag:s9] =	ssyncadd.s32 $0xFFFFE700  }
0xd1: {  	_ =	swait.ge [sflag:s10], $0x1900  }
0xd2: {  	[sflag:s10] =	ssyncset.done $0x0  }
0xd3: {  	[sflag:s10] =	ssyncadd.s32 $0xFFFFE700  }
0xd4: {  	_ =	swait.ge [sflag:s11], $0x1900  }
0xd5: {  	s14 =	stileid.u32;
	[sflag:s11] =	ssyncset.done $0x0  }
0xd6: {  	s13 =	sshll.u32 s14, $0x6;
	[sflag:s11] =	ssyncadd.s32 $0xFFFFE700  }
0xd7: {  	s13 =	sor.u32 $0x1C0A, s13;
	s15 =	sshrl.u32 s4, $0x3;
	[bflag:$0x0] =	sbarrier.arrive $0xFFFF  }
0xd8: {  	[hbm:s21], [sflag:s13] =	dma.local [spmem:s15], $0x1380  }
0xd9: {  	_ =	swait.ge [sflag:s26], $0x1380  }
0xda: {  	s12 =	sadd.s32 $0x1, s12;
	[sflag:s26] =	ssyncset.done $0x0  }
0xdb: {  	p1 =	sne.s32 s12, s23;
	s14 =	sshrl.u32 @!p0 s19, $0x3;
	[sflag:s26] =	ssyncadd.s32 $0xFFFFEC80  }
0xdc: {  	[hbm:s22], [sflag:s13] =	dma.local @!p0 [spmem:s14], $0x80  }
.Ltmp2:
0xdd: {  	_ = 	snop;
	(pc) =	sbr.rel @p1 .LBB2_1-.Ltmp2, $4  }
0xde: {  	s13 =	simm.s32 @!p0 $0xA  }
0xdf: {  	_ =	swait.ge @!p0 [sflag:s13], $0x80  }
0xe0: {  	[sflag:s13] =	ssyncset.done @!p0 $0x0  }
0xe1: {  	[sflag:s13] =	ssyncadd.s32 @!p0 $0xFFFFFF80  }
0xe2: {  	_ =	sfence.sel $0x180000  }
0xe3: {  	[bflag:$0x0] =	sbarrier.arrive $0xFFFF  }
0xe4: {  	_ =	strace $0x9000004D  }
0xe5: {  	s0 =	stileid.u32;
	[bflag:$0x2] =	sbarrier.arrive $0xFFFF  }
0xe6: {  	p0 =	sne.s32 s0, $0x0;
	s0 =	rddreg [dreg:$0x2]  }
0xe7: {  	s0 =	sadd.s32 @!p0 $0x100000, s0  }
0xe8: {  	[sflag:s0] =	ssyncadd.tile.s32 @!p0 $0x1;
	_ =	shalt  }
.Lfunc_end2:
_tile_overlayer_lowered:
.L_overlay_start_2:
0xe9: {  	(tag) =	ssettag $0x2  }
0xea: {  	s0 =	rddreg [dreg:$0x0];
	s2 =	stileid.u32  }
0xeb: {  	s1 =	rddreg [dreg:$0x1];
	p0 =	sne.s32 s2, $0x0  }
0xec: {  	s3 =	rddreg [dreg:$0x2];
	[bflag:$0x3] =	sbarrier.arrive $0xFFFF;
	s2 =	simm.s32 @!p0 $0x1C0A  }
0xed: {  	[timem:s3], [sflag:s2] =	dma.local @!p0 [hbm:s0], s1  }
0xee: {  	s0 =	simm.s32 @!p0 $0xA  }
0xef: {  	_ =	swait.ge @!p0 [sflag:s0], s1  }
0xf0: {  	s1 =	ssub.s32 @!p0 $0x0, s1;
	[sflag:s0] =	ssyncset.done @!p0 $0x0  }
0xf1: {  	[sflag:s0] =	ssyncadd.s32 @!p0 s1  }
0xf2: {  	[bflag:$0x3] =	sbarrier.arrive $0xFFFF  }
0xf3: {  	_ =	shalt  }

// kernel: kernel.8.cloned.1.call-start
scs
__scs_entry_jumppad:
0x0: {  	(pc) =	sbr.rel $0x88, $3  }
0x1: {  	(tag) =	ssettag $0x0;
	lr =	simm.s32 $0x1  }
0x2: {  	[smem:$0x3F96] =	sst lr;
	_ =	strace $0xD0000000  }
0x3: {  	_ = 	snop  }
0x4: {  	_ = 	snop  }
0x5: {  	_ = 	snop  }
0x6: {  	_ = 	snop  }
0x7: {  	_ = 	snop  }
__scs_overlays_trampoline_lowered:
0x8: {  	[smem:$0x3FA5] =	sst s0  }
0x9: {  	[smem:$0x3FA6] =	sst s1  }
0xa: {  	[smem:$0x3FA7] =	sst s2  }
0xb: {  	[smem:$0x3FA8] =	sst s3  }
0xc: {  	[smem:$0x3FA9] =	sst s4  }
0xd: {  	[smem:$0x3FAA] =	sst s5  }
0xe: {  	[smem:$0x3FAB] =	sst s6  }
0xf: {  	[smem:$0x3FAC] =	sst s7  }
0x10: {  	[smem:$0x3FAD] =	sst s8  }
0x11: {  	[smem:$0x3FAE] =	sst s9;
	s0 =	simm.s32 @!p0 $0x0  }
0x12: {  	s1 =	sld [smem:$0x3F94];
	s0 =	simm.s32 @p0 $0x1  }
0x13: {  	[smem:$0x3FAF] =	sst s0;
	s0 =	simm.s32 @!p1 $0x0  }
0x14: {  	s2 =	sld [smem:$0x3F93];
	s0 =	simm.s32 @p1 $0x1  }
0x15: {  	[smem:$0x3FB0] =	sst s0;
	s0 =	simm.s32 @!p2 $0x0  }
0x16: {  	s3 =	sld [smem:$0x3FDB];
	s0 =	simm.s32 @p2 $0x1  }
0x17: {  	s4 =	simm.s32 $0x1BF5;
	[smem:$0x3FB2] =	sst s0  }
0x18: {  	s0 =	sld [smem:$0x3F95];
	_ =	swait.ge [sflag:s4], $0x0  }
0x19: {  	s7 =	sld [smem:$0x3F96]  }
0x1a: {  	s8 =	sadd.s32 $0xFFFFE003, lr  }
0x1b: {  	s9 =	sadd.s32 $0xFFFFFEF7, lr;
	s5 =	simm.s32 $0xFFFFFFFF;
	p2 =	slt.u32 s8, $0xFFFFF086  }
0x1c: {  	p1 =	slt.u32 s9, $0xF7A;
	s5 =	simm.s32 @!p2 $0x0  }
0x1d: {  	s5 =	simm.s32 @p1 $0x1;
	p0 =	seq.s32 s7, s2  }
0x1e: {  	s7 =	smul.u32 @!p0 $0xF7A, s2;
	p2 =	seq.s32 @!p0 s5, $0x0  }
0x1f: {  	s9 =	smul.u32 $0xF7A, s1;
	s8 =	simm.s32 @!p0 $0x1BF5;
	p2 =	por !p2, p0  }
0x20: {  	[sflag:s8] =	ssyncset.s32 @!p0 $0xFFFFF086;
	s6 =	sadd.s32 @!p0 s3, s7;
	s7 =	simm.s32 @!p0 $0x108  }
0x21: {  	s3 =	sadd.s32 s3, s9;
	s6 =	sadd.s32 @!p0 $0x88, s6;
	s7 =	simm.s32 @p2 $0x1082  }
0x22: {  	[simem:s7], [sflag:s8] =	dma.local @!p0 [hbm:s6], $0xF7A  }
0x23: {  	s9 =	sor.u32 $0xD0000000, s2;
	s6 =	simm.s32 $0x108;
	_ =	swait.ge @!p0 [sflag:s8], $0x0  }
0x24: {  	s3 =	sadd.s32 $0x88, s3;
	s6 =	simm.s32 @!p1 $0x1082;
	[sflag:s4] =	ssyncset.s32 $0xFFFFF086  }
0x25: {  	[simem:s6], [sflag:s4] =	dma.local [hbm:s3], $0xF7A  }
0x26: {  	[smem:$0x3F96] =	sst s1;
	(tag) =	ssettag s2;
	_ =	strace s9  }
0x27: {  	s1 =	sld [smem:$0x3FA6]  }
0x28: {  	s2 =	sld [smem:$0x3FA7]  }
0x29: {  	s4 =	sld [smem:$0x3FA9]  }
0x2a: {  	p0 =	seq.s32 s5, $0x0;
	s5 =	sld [smem:$0x3FAA]  }
0x2b: {  	s6 =	sld [smem:$0x3FAB]  }
0x2c: {  	s7 =	sld [smem:$0x3FAC]  }
0x2d: {  	s3 =	simm.s32 $0x108;
	s8 =	sld [smem:$0x3FAD]  }
0x2e: {  	s3 =	simm.s32 @!p0 $0x1082;
	s9 =	sld [smem:$0x3FAE]  }
0x2f: {  	lr =	sadd.s32 s0, s3;
	s0 =	sld [smem:$0x3FA5]  }
0x30: {  	s3 =	sld [smem:$0x3FA8]  }
0x31: {  	[smem:$0x3FB1] =	sst s10  }
0x32: {  	s10 =	sld [smem:$0x3FAF];
	_ =	sdelay $0x3  }
0x33: {  	p0 =	seq.s32 s10, $0x1;
	s10 =	sld [smem:$0x3FB1];
	_ =	sdelay $0x3  }
0x34: {  	[smem:$0x3FB1] =	sst s10  }
0x35: {  	s10 =	sld [smem:$0x3FB0];
	_ =	sdelay $0x3  }
0x36: {  	p1 =	seq.s32 s10, $0x1;
	s10 =	sld [smem:$0x3FB1];
	_ =	sdelay $0x3  }
0x37: {  	[smem:$0x3FB1] =	sst s10  }
0x38: {  	s10 =	sld [smem:$0x3FB2]  }
0x39: {  	_ = 	snop;
	(pc) =	sbr.ind lr, $3  }
0x3a: {  	_ = 	snop  }
0x3b: {  	_ = 	snop  }
0x3c: {  	p2 =	seq.s32 s10, $0x1;
	s10 =	sld [smem:$0x3FB1]  }
0x3d: {  	_ =	shalt  }
0x3e: {  	_ =	shalt  }
0x3f: {  	_ =	shalt  }
0x40: {  	_ =	shalt  }
0x41: {  	_ =	shalt  }
0x42: {  	_ =	shalt  }
0x43: {  	_ =	shalt  }
0x44: {  	_ =	shalt  }
0x45: {  	_ =	shalt  }
0x46: {  	_ =	shalt  }
0x47: {  	_ =	shalt  }
0x48: {  	_ =	shalt  }
0x49: {  	_ =	shalt  }
0x4a: {  	_ =	shalt  }
0x4b: {  	_ =	shalt  }
0x4c: {  	_ =	shalt  }
0x4d: {  	_ =	shalt  }
0x4e: {  	_ =	shalt  }
0x4f: {  	_ =	shalt  }
0x50: {  	_ =	shalt  }
0x51: {  	_ =	shalt  }
0x52: {  	_ =	shalt  }
0x53: {  	_ =	shalt  }
0x54: {  	_ =	shalt  }
0x55: {  	_ =	shalt  }
0x56: {  	_ =	shalt  }
0x57: {  	_ =	shalt  }
0x58: {  	_ =	shalt  }
0x59: {  	_ =	shalt  }
0x5a: {  	_ =	shalt  }
0x5b: {  	_ =	shalt  }
0x5c: {  	_ =	shalt  }
0x5d: {  	_ =	shalt  }
0x5e: {  	_ =	shalt  }
0x5f: {  	_ =	shalt  }
0x60: {  	_ =	shalt  }
0x61: {  	_ =	shalt  }
0x62: {  	_ =	shalt  }
0x63: {  	_ =	shalt  }
0x64: {  	_ =	shalt  }
0x65: {  	_ =	shalt  }
0x66: {  	_ =	shalt  }
0x67: {  	_ =	shalt  }
0x68: {  	_ =	shalt  }
0x69: {  	_ =	shalt  }
0x6a: {  	_ =	shalt  }
0x6b: {  	_ =	shalt  }
0x6c: {  	_ =	shalt  }
0x6d: {  	_ =	shalt  }
0x6e: {  	_ =	shalt  }
0x6f: {  	_ =	shalt  }
0x70: {  	_ =	shalt  }
0x71: {  	_ =	shalt  }
0x72: {  	_ =	shalt  }
0x73: {  	_ =	shalt  }
0x74: {  	_ =	shalt  }
0x75: {  	_ =	shalt  }
0x76: {  	_ =	shalt  }
0x77: {  	_ =	shalt  }
0x78: {  	_ =	shalt  }
0x79: {  	_ =	shalt  }
0x7a: {  	_ =	shalt  }
0x7b: {  	_ =	shalt  }
0x7c: {  	_ =	shalt  }
0x7d: {  	_ =	shalt  }
0x7e: {  	_ =	shalt  }
0x7f: {  	_ =	shalt  }
0x80: {  	_ =	shalt  }
0x81: {  	_ =	shalt  }
0x82: {  	_ =	shalt  }
0x83: {  	_ =	shalt  }
0x84: {  	_ =	shalt  }
0x85: {  	_ =	shalt  }
0x86: {  	_ =	shalt  }
0x87: {  	_ =	shalt  }
.Lfunc_end0:
.L_simem_size_0:
called_computation_lowered:
.L_overlay_start_0:
0x88: {  	s2 =	sld [smem:$0x3FD9]  }
0x89: {  	s3 =	sld [smem:$0x3FFE];
	_ =	sdelay $0x1  }
0x8a: {  	s1 =	srdreg.scid  }
0x8b: {  	s0 =	sand.u32 $0x1, s1  }
0x8c: {  	s16 =	sshll.u32 s0, $0xA;
	s2 =	sadd.s32 s3, s2  }
0x8d: {  	s2 =	sadd.s32 s2, s16  }
0x8e: {  	[smem:$0x3FBD] =	sst s2  }
0x8f: {  	_ = 	snop  }
0x90: {  	(tm) =	ssettm $0x1  }
0x91: {  	s17 =	sld [smem:$0x3FFB];
	_ =	sdelay $0x3  }
0x92: {  	_ =	strace s17  }
0x93: {  	s2 =	sld [smem:$0x3FFC];
	_ =	sdelay $0x3  }
0x94: {  	_ =	strace s2  }
0x95: {  	s2 =	sld [smem:$0x3FFD];
	_ =	sdelay $0x3  }
0x96: {  	_ =	strace s2  }
0x97: {  	_ =	strace $0x8FFFFFFF  }
0x98: {  	s18 =	sld [smem:$0x3FDB];
	_ =	sdelay $0x1  }
0x99: {  	s19 =	simm.s32 $_scs_section_size  }
0x9a: {  	s4 =	simm.s32 $_size__tile_overlayer_lowered;
	s5 =	simm.s32 $_tile_overlayer_lowered  }
0x9b: {  	s22 =	simm.s32 $0x1BFF;
	s21 =	sshll.u32 s5, $0x1;
	s2 =	sadd.s32 s19, s18  }
0x9c: {  	s6 =	simm.s32 $0x0;
	s20 =	sshll.u32 s4, $0x1;
	s4 =	sadd.s32 s21, s2  }
0x9d: {  	[timem:s6], [sflag:s22] =	dma.local [hbm:s4], s20  }
0x9e: {  	_ =	swait.ge [sflag:s22], s20  }
0x9f: {  	s3 =	ssub.s32 $0x0, s20;
	[sflag:s22] =	ssyncset.done $0x0  }
0xa0: {  	[sflag:s22] =	ssyncadd.s32 s3;
	_ =	sdelay $0x1  }
0xa1: {  	s23 =	simm.s32 $0x1B8B  }
0xa2: {  	_ =	swait.ge [sflag:s23], $0x1  }
0xa3: {  	[sflag:s23] =	ssyncset.done $0x0  }
0xa4: {  	s25 =	simm.s32 $0x1B8E;
	s24 =	sld [smem:$0x3FFE];
	[sflag:s23] =	ssyncadd.s32 $0xFFFFFFFF  }
0xa5: {  	s26 =	simm.s32 $execute0_lowered;
	[smem:$0x3FD2] =	sst s25  }
0xa6: {  	s4 =	sshll.u32 s26, $0x1;
	_ =	strace $0x80000046;
	[dreg:$0x1] =	wrdreg $0xFFFFFFFF  }
0xa7: {  	s28 =	simm.s32 $_size_execute0_lowered;
	s2 =	sadd.s32 s2, s4;
	[dreg:$0x0] =	wrdreg $0x0  }
0xa8: {  	s4 =	sshll.u32 s28, $0x1;
	[dreg:$0x2] =	wrdreg s2  }
0xa9: {  	[dreg:$0x3] =	wrdreg s4  }
0xaa: {  	[dreg:$0x4] =	wrdreg $0xC0  }
0xab: {  	_ =	task [dreg:s6], $0x5FFFF  }
0xac: {  	[dreg:$0x1] =	wrdreg $0xFFFFFFFF  }
0xad: {  	[dreg:$0x0] =	wrdreg $0x60  }
0xae: {  	[dreg:$0x2] =	wrdreg s24  }
0xaf: {  	[dreg:$0x3] =	wrdreg $0x0  }
0xb0: {  	[dreg:$0x4] =	wrdreg $0x9  }
0xb1: {  	_ =	task.clear_ibuf [dreg:s6], $0x5FFFF;
	_ =	strace $0x90000046  }
0xb2: {  	s29 =	simm.s32 $0x9;
	_ =	strace $0x80000048  }
0xb3: {  	_ =	swait.ge [sflag:s29], $0x1  }
0xb4: {  	[sflag:s29] =	ssyncadd.s32 $0xFFFFFFFF  }
0xb5: {  	_ =	strace $0x90000048  }
0xb6: {  	_ =	sfence  }
0xb7: {  	s30 =	sld [smem:$0x0];
	_ =	sdelay $0x2  }
0xb8: {  	s31 =	sshll.u32 s1, $0xD;
	s1 =	sshrl.u32 s1, $0x2  }
0xb9: {  	s3 =	sand.u32 $0x4000, s31;
	s1 =	sadd.s32 s1, s30  }
0xba: {  	s0 =	sor.u32 s3, s0;
	s1 =	sshll.u32 s1, $0x11  }
0xbb: {  	s0 =	sor.u32 s1, s0  }
0xbc: {  	s0 =	sadd.s32 $0x8F2B, s0  }
0xbd: {  	[sflag:s0] =	ssyncadd.remote.s32 $0x1  }
0xbe: {  	_ =	sfence.sel $0xFFFF  }
0xbf: {  	[dreg:$0x0] =	wrdreg $0xFFFFFFFF;
	(pc) =	sbr.abs _section_cstart, $3  }
0xc0: {  	[dreg:$0x1] =	wrdreg $0xFFFFFFFF  }
0xc1: {  	_ =	task.clear_ibuf [dreg:s6], $0x2FFFF;
	_ =	strace $0x9FFFFFFF  }
0xc2: {  	(tm) =	ssettm $0x7FFFFFFF  }
0xc3: {  	_ =	shalt  }
tec
execute0_lowered:
.L_overlay_start_1:
0x0: {  	(tag) =	ssettag $0x1  }
0x1: {  	s4 =	rddreg [dreg:$0x0]  }
0x2: {  	s2 =	rddreg [dreg:$0x1]  }
0x3: {  	s0 =	rddreg [dreg:$0x2];
	s5 =	srdreg.scid  }
0x4: {  	s1 =	stileid.u32;
	s3 =	simm.s32 $0x0;
	s10 =	simm.s32 $0x280  }
0x5: {  	s11 =	simm.s32 $0x50;
	s12 =	simm.s32 $0x4280;
	s13 =	simm.s32 $0x300  }
0x6: {  	s14 =	simm.s32 $0x380;
	s15 =	simm.s32 $0x400;
	s16 =	simm.s32 $0x1  }
0x7: {  	s17 =	simm.s32 $0x2;
	s18 =	simm.s32 $0x3;
	s19 =	simm.s32 $0x4  }
0x8: {  	s20 =	simm.s32 $0x4080;
	s23 =	simm.s32 $0x20;
	s24 =	simm.s32 $0x10  }
0x9: {  	s25 =	simm.s32 $0x0;
	s5 =	sand.u32 $0x1, s5;
	s6 =	smul.u32 $0x500, s1  }
0xa: {  	[smem:$0x7FF] =	sst s3;
	s28 =	smul.u32 $0xA00, s1;
	s30 =	sshll.u32 s1, $0xC  }
0xb: {  	s21 =	sshll.u32 s1, $0x6;
	s7 =	sshll.u32 s5, $0x7;
	_ =	strace $0x80000047  }
0xc: {  	s8 =	sshll.u32 s5, $0xB;
	s29 =	ssub.s32 $0x2, s5;
	s21 =	sor.u32 $0x1C05, s21  }
0xd: {  	s6 =	sor.u32 s7, s6;
	s26 =	sadd.s32 s8, s4;
	s9 =	sshrl.u32 s29, $0x1  }
0xe: {  	s8 =	sshrl.u32 s28, $0x2;
	s6 =	sshrl.u32 s6, $0x3;
	s5 =	sadd.s32 s30, s26  }
0xf: {  	s31 =	ssub.s32 s29, s9;
	s9 =	simm.s32 $0x5;
	s6 =	sadd.s32 s6, s4  }
0x10: {  	s4 =	sadd.s32 s8, s2;
	s5 =	sadd.s32 $0x2E00, s5;
	s7 =	smax.u32 s31, $0x1  }
0x11: {  	v0 =	vimm.f32 $1.000000000e+00;
	v1 =	vimm.f32 $0.0e+00;
	s8 =	simm.s32 $0x4300;
	s6 =	sadd.s32 $0x12E00, s6;
	s22 =	sshrl.u32 s4, $0x3  }
.LBB2_1:
0x12: {  	[tilespmem:$0x4280] =	vst v0  }
0x13: {  	[tilespmem:$0x4290] =	vst v0  }
0x14: {  	[tilespmem:$0x42A0] =	vst v0  }
0x15: {  	[tilespmem:$0x42B0] =	vst v0  }
0x16: {  	[tilespmem:$0x42C0] =	vst v0  }
0x17: {  	[tilespmem:$0x4300] =	vst v1  }
0x18: {  	[tilespmem:$0x4310] =	vst v1  }
0x19: {  	[tilespmem:$0x4320] =	vst v1  }
0x1a: {  	[tilespmem:$0x4330] =	vst v1  }
0x1b: {  	[tilespmem:$0x4340] =	vst v1  }
0x1c: {  	[tilespmem:$0x4350] =	vst v1  }
0x1d: {  	[tilespmem:$0x4360] =	vst v1  }
0x1e: {  	[tilespmem:$0x4370] =	vst v1  }
0x1f: {  	[tilespmem:$0x4380] =	vst v1  }
0x20: {  	[tilespmem:$0x4390] =	vst v1  }
0x21: {  	[tilespmem:$0x43A0] =	vst v1  }
0x22: {  	[tilespmem:$0x43B0] =	vst v1  }
0x23: {  	[tilespmem:$0x43C0] =	vst v1  }
0x24: {  	[tilespmem:$0x43D0] =	vst v1  }
0x25: {  	[tilespmem:$0x43E0] =	vst v1  }
0x26: {  	[tilespmem:$0x43F0] =	vst v1  }
0x27: {  	[tilespmem:$0x4400] =	vst v1  }
0x28: {  	[tilespmem:$0x4410] =	vst v1  }
0x29: {  	[tilespmem:$0x4420] =	vst v1  }
0x2a: {  	[tilespmem:$0x4430] =	vst v1  }
0x2b: {  	[tilespmem:$0x4440] =	vst v1  }
0x2c: {  	[tilespmem:$0x4450] =	vst v1  }
0x2d: {  	[tilespmem:$0x4460] =	vst v1  }
0x2e: {  	[tilespmem:$0x4470] =	vst v1  }
0x2f: {  	[tilespmem:$0x4480] =	vst v1  }
0x30: {  	[tilespmem:$0x4490] =	vst v1  }
0x31: {  	[tilespmem:$0x44A0] =	vst v1  }
0x32: {  	[tilespmem:$0x44B0] =	vst v1  }
0x33: {  	[tilespmem:$0x44C0] =	vst v1  }
0x34: {  	[tilespmem:$0x44D0] =	vst v1  }
0x35: {  	[tilespmem:$0x44E0] =	vst v1  }
0x36: {  	[tilespmem:$0x44F0] =	vst v1  }
0x37: {  	[tilespmem:$0x4500] =	vst v1  }
0x38: {  	[tilespmem:$0x4510] =	vst v1  }
0x39: {  	[tilespmem:$0x4520] =	vst v1  }
0x3a: {  	[tilespmem:$0x4530] =	vst v1  }
0x3b: {  	[tilespmem:$0x4540] =	vst v1  }
0x3c: {  	[tilespmem:$0x4550] =	vst v1  }
0x3d: {  	[tilespmem:$0x4560] =	vst v1  }
0x3e: {  	[tilespmem:$0x4570] =	vst v1  }
0x3f: {  	[spmem:s4] =	stream.linear.scatter [tilespmem:s8], [sflag:$0x5], $0x280, $0x38;
	[tilespmem:$0x4580] =	vst v63  }
0x40: {  	_ =	swait.ge [sflag:s9], $0x280  }
0x41: {  	[sflag:s9] =	ssyncset.done $0x0  }
0x42: {  	[sflag:s9] =	ssyncadd.s32 $0xFFFFFD80  }
0x43: {  	[tilespmem:s10], [sflag:$0x5] =	stream.linear.gather [hbm4b:s5+s3], $0x3E80, $0x38;
	[tilespmem:$0x4580] =	vst v63  }
0x44: {  	_ =	swait.ge [sflag:s9], $0x3E80  }
0x45: {  	[sflag:s9] =	ssyncset.done $0x0  }
0x46: {  	[sflag:s9] =	ssyncadd.s32 $0xFFFFC180  }
0x47: {  	[bflag:$0x0] =	sbarrier.arrive $0xFFFF  }
0x48: {  	[spmem:s2] =	stream.indirect.scatter.add.f32 [tilespmem:s12], [sflag:$0x1], $0x1, s10, s11, $0xb8;
	[tilespmem:$0x4580] =	vst v63  }
0x49: {  	_ = 	snop  }
0x4a: {  	[spmem:s2] =	stream.indirect.scatter.add.f32 [tilespmem:s12], [sflag:$0x2], $0x1, s13, s11, $0xb8;
	[tilespmem:$0x4580] =	vst v63  }
0x4b: {  	_ = 	snop  }
0x4c: {  	[spmem:s2] =	stream.indirect.scatter.add.f32 [tilespmem:s12], [sflag:$0x3], $0x1, s14, s11, $0xb8;
	[tilespmem:$0x4580] =	vst v63  }
0x4d: {  	_ = 	snop  }
0x4e: {  	[spmem:s2] =	stream.indirect.scatter.add.f32 [tilespmem:s12], [sflag:$0x4], $0x1, s15, s11, $0xb8;
	[tilespmem:$0x4580] =	vst v63  }
0x4f: {  	_ =	swait.ge [sflag:s16], $0x50  }
0x50: {  	[sflag:s16] =	ssyncset.done $0x0  }
0x51: {  	s26 =	simm.s32 $0x480;
	[sflag:s16] =	ssyncadd.s32 $0xFFFFFFB0  }
0x52: {  	[spmem:s2] =	stream.indirect.scatter.add.f32 [tilespmem:s12], [sflag:$0x1], $0x1, s26, s11, $0xb8;
	[tilespmem:$0x4580] =	vst v63  }
0x53: {  	_ =	swait.ge [sflag:s17], $0x50  }
0x54: {  	[sflag:s17] =	ssyncset.done $0x0  }
0x55: {  	s30 =	simm.s32 $0x500;
	[sflag:s17] =	ssyncadd.s32 $0xFFFFFFB0  }
0x56: {  	[spmem:s2] =	stream.indirect.scatter.add.f32 [tilespmem:s12], [sflag:$0x2], $0x1, s30, s11, $0xb8;
	[tilespmem:$0x4580] =	vst v63  }
0x57: {  	_ =	swait.ge [sflag:s18], $0x50  }
0x58: {  	[sflag:s18] =	ssyncset.done $0x0  }
0x59: {  	s31 =	simm.s32 $0x580;
	[sflag:s18] =	ssyncadd.s32 $0xFFFFFFB0  }
0x5a: {  	[spmem:s2] =	stream.indirect.scatter.add.f32 [tilespmem:s12], [sflag:$0x3], $0x1, s31, s11, $0xb8;
	[tilespmem:$0x4580] =	vst v63  }
0x5b: {  	_ =	swait.ge [sflag:s19], $0x50  }
0x5c: {  	[sflag:s19] =	ssyncset.done $0x0  }
0x5d: {  	s28 =	simm.s32 $0x600;
	s26 =	simm.s32 $0xFFFF1800;
	[sflag:s19] =	ssyncadd.s32 $0xFFFFFFB0  }
.LBB2_2:
0x5e: {  	[spmem:s2] =	stream.indirect.scatter.add.f32 [tilespmem:s12], [sflag:$0x4], $0x1, s28, s11, $0xb8;
	[tilespmem:$0x4580] =	vst v63  }
0x5f: {  	s28 =	smov.u32 s26  }
0x60: {  	p0 =	sne.s32 s26, $0xFFFFF800;
	s26 =	sadd.s32 $0x800, s26;
	_ =	swait.ge [sflag:s16], $0x50  }
0x61: {  	s28 =	sshra.s32 s28, $0x2;
	[sflag:s16] =	ssyncset.done $0x0  }
0x62: {  	s29 =	sadd.s32 $0x4080, s28;
	[sflag:s16] =	ssyncadd.s32 $0xFFFFFFB0  }
0x63: {  	[spmem:s2] =	stream.indirect.scatter.add.f32 [tilespmem:s12], [sflag:$0x1], $0x1, s29, s11, $0xb8;
	[tilespmem:$0x4580] =	vst v63  }
0x64: {  	_ =	swait.ge [sflag:s17], $0x50  }
0x65: {  	[sflag:s17] =	ssyncset.done $0x0  }
0x66: {  	s29 =	sadd.s32 $0x4100, s28;
	[sflag:s17] =	ssyncadd.s32 $0xFFFFFFB0  }
0x67: {  	[spmem:s2] =	stream.indirect.scatter.add.f32 [tilespmem:s12], [sflag:$0x2], $0x1, s29, s11, $0xb8;
	[tilespmem:$0x4580] =	vst v63  }
0x68: {  	_ =	swait.ge [sflag:s18], $0x50  }
0x69: {  	[sflag:s18] =	ssyncset.done $0x0  }
.Ltmp0:
0x6a: {  	s29 =	sadd.s32 $0x4180, s28;
	[sflag:s18] =	ssyncadd.s32 $0xFFFFFFB0;
	(pc) =	sbr.rel @p0 .LBB2_2-.Ltmp0, $4  }
0x6b: {  	[spmem:s2] =	stream.indirect.scatter.add.f32 [tilespmem:s12], [sflag:$0x3], $0x1, s29, s11, $0xb8;
	[tilespmem:$0x4580] =	vst v63  }
0x6c: {  	_ =	swait.ge [sflag:s19], $0x50  }
0x6d: {  	[sflag:s19] =	ssyncset.done $0x0  }
0x6e: {  	s28 =	sadd.s32 $0x4200, s28;
	[sflag:s19] =	ssyncadd.s32 $0xFFFFFFB0  }
0x6f: {  	[spmem:s2] =	stream.indirect.scatter.add.f32 [tilespmem:s12], [sflag:$0x4], $0x1, s28, s11, $0xb8;
	[tilespmem:$0x4580] =	vst v63  }
0x70: {  	_ =	swait.ge [sflag:s16], $0x50  }
0x71: {  	[sflag:s16] =	ssyncset.done $0x0  }
0x72: {  	[sflag:s16] =	ssyncadd.s32 $0xFFFFFFB0  }
0x73: {  	[spmem:s2] =	stream.indirect.scatter.add.f32 [tilespmem:s12], [sflag:$0x1], $0x1, s20, s11, $0xb8;
	[tilespmem:$0x4580] =	vst v63  }
0x74: {  	_ =	swait.ge [sflag:s16], $0x50  }
0x75: {  	[sflag:s16] =	ssyncset.done $0x0  }
0x76: {  	[sflag:s16] =	ssyncadd.s32 $0xFFFFFFB0  }
0x77: {  	_ =	swait.ge [sflag:s17], $0x50  }
0x78: {  	[sflag:s17] =	ssyncset.done $0x0  }
0x79: {  	[sflag:s17] =	ssyncadd.s32 $0xFFFFFFB0  }
0x7a: {  	_ =	swait.ge [sflag:s18], $0x50  }
0x7b: {  	[sflag:s18] =	ssyncset.done $0x0  }
0x7c: {  	[sflag:s18] =	ssyncadd.s32 $0xFFFFFFB0  }
0x7d: {  	_ =	swait.ge [sflag:s19], $0x50  }
0x7e: {  	s25 =	sadd.s32 $0x1, s25;
	[sflag:s19] =	ssyncset.done $0x0  }
0x7f: {  	p0 =	sne.s32 s25, s7;
	[sflag:s19] =	ssyncadd.s32 $0xFFFFFFB0  }
.Ltmp1:
0x80: {  	[bflag:$0x0] =	sbarrier.arrive $0xFFFF;
	(pc) =	sbr.rel @p0 .LBB2_1-.Ltmp1, $4  }
0x81: {  	[hbm:s6@s23], [sflag:s21] =	dma.strided [spmem:s22@s24], $0x50, s16, $0x10   }
0x82: {  	_ =	swait.ge [sflag:s9], $0x50  }
0x83: {  	[sflag:s9] =	ssyncset.done $0x0  }
0x84: {  	[sflag:s9] =	ssyncadd.s32 $0xFFFFFFB0  }
0x85: {  	_ =	sfence.sel $0x180000  }
0x86: {  	[bflag:$0x0] =	sbarrier.arrive $0xFFFF  }
0x87: {  	p0 =	sne.s32 s1, $0x0;
	_ =	strace $0x90000047  }
0x88: {  	s0 =	sadd.s32 @!p0 $0x100000, s0;
	[bflag:$0x2] =	sbarrier.arrive $0xFFFF  }
0x89: {  	[sflag:s0] =	ssyncadd.tile.s32 @!p0 $0x1;
	_ =	shalt  }
.Lfunc_end2:
_tile_overlayer_lowered:
.L_overlay_start_2:
0x8a: {  	(tag) =	ssettag $0x2  }
0x8b: {  	s0 =	rddreg [dreg:$0x0];
	s2 =	stileid.u32  }
0x8c: {  	s1 =	rddreg [dreg:$0x1];
	p0 =	sne.s32 s2, $0x0  }
0x8d: {  	s3 =	rddreg [dreg:$0x2];
	[bflag:$0x3] =	sbarrier.arrive $0xFFFF;
	s2 =	simm.s32 @!p0 $0x1C05  }
0x8e: {  	[timem:s3], [sflag:s2] =	dma.local @!p0 [hbm:s0], s1  }
0x8f: {  	s0 =	simm.s32 @!p0 $0x5  }
0x90: {  	_ =	swait.ge @!p0 [sflag:s0], s1  }
0x91: {  	s1 =	ssub.s32 @!p0 $0x0, s1;
	[sflag:s0] =	ssyncset.done @!p0 $0x0  }
0x92: {  	[sflag:s0] =	ssyncadd.s32 @!p0 s1  }
0x93: {  	[bflag:$0x3] =	sbarrier.arrive $0xFFFF  }
0x94: {  	_ =	shalt  }

</sc_bundles>
